<compile_context>
chip_gen: v7x
topology: tpu7x:2x2x1
jax: 0.10.2.dev20260603
libtpu: 0.0.44.dev20260713+nightly
codegen_flags: <defaults>
</compile_context>

<pallas_src>
import functools

import jax
import jax.numpy as jnp
from jax import lax
from jax.experimental import pallas as pl
from jax.experimental.pallas import tpu as pltpu
from jax.experimental.pallas import tpu_sc as plsc

N = 10000
E = 160000
DIM = 256
HALF = 128

NC = 2
NS = 16
CHUNK = 128
CH = 80
CH2 = CH // 2
NSUB = 2
SUB = CHUNK // NSUB

NPAD = 10240
ROWS_PER_TILE = NPAD // NS
SP_ROWS = NPAD

DEG_ROWS = NPAD
DEG_RPT = DEG_ROWS // NS
DEG_W = 128
DCH = CH // NC


def _mesh():
    return plsc.VectorSubcoreMesh(
        core_axis_name="c", subcore_axis_name="s",
        num_cores=NC, num_subcores=NS)


def _deg_body(cidx_hbm, zeros_hbm, ones_hbm, deg_hbm, cidx_v, ones_v, spd):
    c = lax.axis_index("c")
    s = lax.axis_index("s")
    pltpu.sync_copy(cidx_hbm.at[c, s], cidx_v)
    pltpu.sync_copy(ones_hbm, ones_v)
    base = s * DEG_RPT
    pltpu.sync_copy(zeros_hbm.at[pl.ds(base, DEG_RPT)], spd.at[pl.ds(base, DEG_RPT)])
    plsc.subcore_barrier()

    def chunk(k, carry):
        pltpu.sync_copy(ones_v, spd.at[cidx_v.at[k]], add=True)
        return carry

    lax.fori_loop(0, DCH, chunk, 0)
    plsc.subcore_barrier()
    pltpu.sync_copy(spd.at[pl.ds(base, DEG_RPT)], deg_hbm.at[c, pl.ds(base, DEG_RPT)])


def _prop_body(xp_hbm, ridx_hbm, cidx_hbm, out_hbm, ridx_v, cidx_v,
               buf0, buf1, sp, gs0, gs1):
    c = lax.axis_index("c")
    s = lax.axis_index("s")
    pltpu.sync_copy(cidx_hbm.at[s], cidx_v)
    base = s * ROWS_PER_TILE
    pltpu.sync_copy(xp_hbm.at[pl.ds(c * NPAD + base, ROWS_PER_TILE)],
                    sp.at[pl.ds(base, ROWS_PER_TILE)])
    plsc.subcore_barrier()

    bufs = (buf0, buf1)
    gsems = (gs0, gs1)
    for h in range(2):
        pltpu.sync_copy(ridx_hbm.at[c, s * 2 + h], ridx_v)
        off = h * CH2
        for b in range(2):
            for j in range(NSUB):
                pltpu.async_copy(xp_hbm.at[ridx_v.at[b, pl.ds(j * SUB, SUB)]],
                                 bufs[b].at[pl.ds(j * SUB, SUB)], gsems[b])

        def outer(i, carry, off=off):
            for b in range(2):
                k = i * 2 + b
                for j in range(NSUB):
                    pltpu.make_async_copy(
                        xp_hbm.at[ridx_v.at[k, pl.ds(j * SUB, SUB)]],
                        bufs[b].at[pl.ds(j * SUB, SUB)], gsems[b]).wait()
                pltpu.sync_copy(bufs[b], sp.at[cidx_v.at[off + k]], add=True)

                @pl.when(k + 2 < CH2)
                def _():
                    for j in range(NSUB):
                        pltpu.async_copy(
                            xp_hbm.at[ridx_v.at[k + 2, pl.ds(j * SUB, SUB)]],
                            bufs[b].at[pl.ds(j * SUB, SUB)], gsems[b])
            return carry

        lax.fori_loop(0, CH2 // 2, outer, 0)
    plsc.subcore_barrier()
    pltpu.sync_copy(sp.at[pl.ds(base, ROWS_PER_TILE)],
                    out_hbm.at[c, pl.ds(base, ROWS_PER_TILE)])


def _make_deg():
    return functools.partial(
        pl.kernel,
        out_type=jax.ShapeDtypeStruct((NC, DEG_ROWS, DEG_W), jnp.float32),
        mesh=_mesh(),
        scratch_types=[
            pltpu.VMEM((DCH, CHUNK), jnp.int32),
            pltpu.VMEM((CHUNK, DEG_W), jnp.float32),
            pltpu.VMEM_SHARED((DEG_ROWS, DEG_W), jnp.float32),
        ],
    )(_deg_body)


def _deg_cidx(cidx):
    return cidx.reshape(NS, NC, DCH, CHUNK).transpose(1, 0, 2, 3)


def _make_prop():
    return functools.partial(
        pl.kernel,
        out_type=jax.ShapeDtypeStruct((NC, NPAD, HALF), jnp.float32),
        mesh=_mesh(),
        scratch_types=[
            pltpu.VMEM((CH2, CHUNK), jnp.int32),
            pltpu.VMEM((CH, CHUNK), jnp.int32),
            pltpu.VMEM((CHUNK, HALF), jnp.float32),
            pltpu.VMEM((CHUNK, HALF), jnp.float32),
            pltpu.VMEM_SHARED((SP_ROWS, HALF), jnp.float32),
            pltpu.SemaphoreType.DMA,
            pltpu.SemaphoreType.DMA,
        ],
    )(_prop_body)


BN = 1000


_mspec = pl.BlockSpec((BN, DIM), lambda i: (i, 0))
_sspec = lambda c: pl.BlockSpec((1, BN, HALF), lambda i: (c, i, 0))
_wspec = pl.BlockSpec((DIM, DIM), lambda i: (0, 0))
_hspec = pl.BlockSpec((HALF, DIM), lambda i: (0, 0))
_bspec = pl.BlockSpec((1, DIM), lambda i: (0, 0))
_dspec = pl.BlockSpec((BN, 1), lambda i: (i, 0))


def _dense_x_body(x_ref, w0, b0r, c0, bcr, o_ref):
    o_ref[...] = jnp.maximum(
        x_ref[...] @ w0[...] + b0r[...], 0.0) @ c0[...] + bcr[...]


def _dense_s_body(acc_ref, sa, sb, dv, wa, wb, br, c, o_ref):
    ha = dv[...] * sa[0]
    hb = dv[...] * sb[0]
    o_ref[...] = acc_ref[...] + jnp.maximum(
        ha @ wa[...] + hb @ wb[...] + br[...], 0.0) @ c[...]


def _dense_x(x, w0t, b0r, c0, bcr):
    return pl.pallas_call(
        _dense_x_body,
        grid=(N // BN,),
        in_specs=[_mspec, _wspec, _bspec, _wspec, _bspec],
        out_specs=_mspec,
        out_shape=jax.ShapeDtypeStruct((N, DIM), jnp.float32),
    )(x, w0t, b0r, c0, bcr)


def _dense_s(acc, s, dinv2, wta, wtb, br, c):
    return pl.pallas_call(
        _dense_s_body,
        grid=(N // BN,),
        in_specs=[_mspec, _sspec(0), _sspec(1), _dspec,
                  _hspec, _hspec, _bspec, _wspec],
        out_specs=_mspec,
        out_shape=jax.ShapeDtypeStruct((N, DIM), jnp.float32),
    )(acc, s, s, dinv2, wta, wtb, br, c)


def kernel(x, edge_index, edge_attr, W0, b0, W1, b1, W2, b2, Wc, bc):
    row = edge_index[0]
    col = edge_index[1]

    EPT = E // NS
    PPT = CH * CHUNK - EPT
    row_t = row.reshape(NS, EPT)
    col_t = col.reshape(NS, EPT)
    padr = jnp.zeros((NS, PPT), row.dtype)
    padc = jnp.broadcast_to(jnp.arange(PPT, dtype=col.dtype) % (NPAD - N) + N,
                            (NS, PPT))
    row_p = jnp.concatenate([row_t, padr], axis=1)
    col_p = jnp.concatenate([col_t, padc], axis=1)
    cidx = col_p.reshape(NS, CH, CHUNK)
    r3 = row_p.reshape(NS, CH, CHUNK)
    ridx = jnp.stack([r3, r3 + NPAD]).reshape(NC, NS * 2, CH2, CHUNK)

    deg_kernel = _make_deg()
    prop_kernel = _make_prop()

    zeros2d = jnp.zeros((DEG_ROWS, DEG_W), jnp.float32)
    ones2d = jnp.ones((CHUNK, DEG_W), jnp.float32)
    dcounts = deg_kernel(_deg_cidx(cidx), zeros2d, ones2d)
    deg = dcounts[0, :N, 0] + dcounts[1, :N, 0] + 1.0
    dinv = lax.rsqrt(deg)

    zrows = jnp.zeros((NPAD - N, HALF), jnp.float32)
    g0 = dinv[:, None] * x
    g0_st = jnp.concatenate(
        [g0[:, :HALF], zrows, g0[:, HALF:], zrows], axis=0)
    s1 = prop_kernel(g0_st, ridx, cidx)

    d2pad = jnp.pad(dinv * dinv, (0, NPAD - N))[None, :, None]
    g1_st = (d2pad * s1).reshape(NC * NPAD, HALF)
    s2 = prop_kernel(g1_st, ridx, cidx)

    dinv2 = dinv[:, None]
    acc0 = _dense_x(x, W0.T, b0[None], Wc[:, :DIM].T, bc[None])
    acc1 = _dense_s(acc0, s1, dinv2, W1.T[:HALF], W1.T[HALF:], b1[None],
                    Wc[:, DIM:2 * DIM].T)
    out = _dense_s(acc1, s2, dinv2, W2.T[:HALF], W2.T[HALF:], b2[None],
                   Wc[:, 2 * DIM:].T)
    return (out, edge_attr)

# --- scband reference (transcript-rebuilt; emitter-appended) ---
"""Pipeline reference for scband-mix-hop-conv-88364657148504 (READ-ONLY COPY).

The authoritative reference and input builder live on the scoring server;
editing this copy changes nothing except your own understanding.
"""

import jax, jax.numpy as jnp
import numpy as np

N_NODES = 10000
N_EDGES = 160000
DIM = 256
D_EDGE = 16


def _gcn_norm(edge_index, num_nodes):
    # GCN symmetric normalization with self-loops (as PyG gcn_norm, fill_value=1).
    row = edge_index[0]
    col = edge_index[1]
    loop = jnp.arange(num_nodes, dtype=row.dtype)
    row = jnp.concatenate([row, loop])
    col = jnp.concatenate([col, loop])
    w = jnp.ones(row.shape[0], dtype=jnp.float32)
    deg = jnp.zeros(num_nodes, dtype=jnp.float32).at[col].add(w)
    dinv = jnp.where(deg > 0, jax.lax.rsqrt(jnp.maximum(deg, 1e-12)), 0.0)
    norm = dinv[row] * w * dinv[col]
    return row, col, norm


def setup_inputs(seed: int = 0) -> dict:
    key = jax.random.key(seed)
    ks = jax.random.split(key, 12)
    x = jax.random.normal(ks[0], (N_NODES, DIM), dtype=jnp.float32)
    edge_index = jax.random.randint(ks[1], (2, N_EDGES), 0, N_NODES)
    edge_attr = jax.random.normal(ks[2], (N_EDGES, D_EDGE), dtype=jnp.float32)
    s = 1.0 / np.sqrt(DIM)
    sc = 1.0 / np.sqrt(3 * DIM)
    W0 = jax.random.uniform(ks[3], (DIM, DIM), jnp.float32, -s, s)
    b0 = jax.random.uniform(ks[4], (DIM,), jnp.float32, -s, s)
    W1 = jax.random.uniform(ks[5], (DIM, DIM), jnp.float32, -s, s)
    b1 = jax.random.uniform(ks[6], (DIM,), jnp.float32, -s, s)
    W2 = jax.random.uniform(ks[7], (DIM, DIM), jnp.float32, -s, s)
    b2 = jax.random.uniform(ks[8], (DIM,), jnp.float32, -s, s)
    Wc = jax.random.uniform(ks[9], (DIM, 3 * DIM), jnp.float32, -sc, sc)
    bc = jax.random.uniform(ks[10], (DIM,), jnp.float32, -sc, sc)
    return {"x": x, "edge_index": edge_index, "edge_attr": edge_attr,
            "W0": W0, "b0": b0, "W1": W1, "b1": b1, "W2": W2, "b2": b2,
            "Wc": Wc, "bc": bc}


def reference(x, edge_index, edge_attr, W0, b0, W1, b1, W2, b2, Wc, bc):
    N = x.shape[0]
    row, col, norm = _gcn_norm(edge_index, N)
    # MixHopConv with powers [0, 1, 2], per-power linear, concat
    outs = [x @ W0.T + b0]
    h = x
    for W, b in ((W1, b1), (W2, b2)):
        # propagate: out[i] = sum_j norm_ij * h[j]
        h = jnp.zeros_like(h).at[col].add(norm[:, None] * h[row])
        outs.append(h @ W.T + b)
    out = jnp.concatenate(outs, axis=-1)
    out = jax.nn.relu(out)
    # dropout is identity in eval mode
    out = out @ Wc.T + bc
    return (out, edge_attr)

if __name__ == "__main__":
    import jax
    _d = setup_inputs()
    print(jax.jit(kernel)(*tuple(_d.values())))

</pallas_src>

<mosaic_0001>
#map = affine_map<(d0, d1) -> (0, 0, 0, 0)>
#map1 = affine_map<(d0, d1) -> (0, 0)>
#map2 = affine_map<(d0, d1) -> (0, 0, 0)>
module attributes {stable_mosaic.version = 14 : i64} {
  func.func @_deg_body(%arg0: i32, %arg1: i32, %arg2: memref<2x16x40x128xi32, #tpu.memory_space<hbm>>, %arg3: memref<10240x128xf32, #tpu.memory_space<hbm>>, %arg4: memref<128x128xf32, #tpu.memory_space<hbm>>, %arg5: memref<2x10240x128xf32, #tpu.memory_space<hbm>>, %arg6: memref<40x128xi32, #tpu.memory_space<vmem>>, %arg7: memref<128x128xf32, #tpu.memory_space<vmem>>, %arg8: memref<10240x128xf32, #tpu.memory_space<vmem_shared>>) attributes {dimension_semantics = [#tpu.dimension_semantics<core_parallel>, #tpu.dimension_semantics<subcore_parallel>], iteration_bounds = array<i64: 2, 16>, scalar_prefetch = 0 : i64, scratch_operands = 3 : i64, tpu.core_type = #tpu.core_type<sc_vector_subcore>, window_params = [{transform_indices = #map}, {transform_indices = #map1}, {transform_indices = #map1}, {transform_indices = #map2}]} {
    "tpu.region"() ({
      %run_scoped3A = tpu.sem_alloc : memref<!tpu.dma_semaphore, #tpu.memory_space<semaphore_mem>>
      %dma_start3A = arith.constant 0 : i32
      %dma_start3A_7 = arith.constant 0 : i32
      %dma_start3A_8 = tpu.memref_slice %arg2[%arg0, %arg1, %dma_start3A, %dma_start3A_7] : memref<2x16x40x128xi32, #tpu.memory_space<hbm>> -> memref<1x1x40x128xi32, #tpu.memory_space<hbm>>
      %dma_start3A_9 = tpu.memref_squeeze %dma_start3A_8 : memref<1x1x40x128xi32, #tpu.memory_space<hbm>> -> memref<40x128xi32, #tpu.memory_space<hbm>>
      %dma_start3A_10 = arith.constant 0 : i32
      %dma_start3A_11 = arith.constant 0 : i32
      %dma_start3A_12 = tpu.memref_slice %arg2[%arg0, %arg1, %dma_start3A_10, %dma_start3A_11] : memref<2x16x40x128xi32, #tpu.memory_space<hbm>> -> memref<1x1x40x128xi32, #tpu.memory_space<hbm>>
      %dma_start3A_13 = tpu.memref_squeeze %dma_start3A_12 : memref<1x1x40x128xi32, #tpu.memory_space<hbm>> -> memref<40x128xi32, #tpu.memory_space<hbm>>
      tpu.enqueue_dma source(%dma_start3A_13 : memref<40x128xi32, #tpu.memory_space<hbm>>) target(%arg6 : memref<40x128xi32, #tpu.memory_space<vmem>>) target_semaphore(%run_scoped3A : memref<!tpu.dma_semaphore, #tpu.memory_space<semaphore_mem>>)
      %dma_wait3A = arith.constant 0 : i32
      %dma_wait3A_14 = arith.constant 0 : i32
      %dma_wait3A_15 = tpu.memref_slice %arg2[%arg0, %arg1, %dma_wait3A, %dma_wait3A_14] : memref<2x16x40x128xi32, #tpu.memory_space<hbm>> -> memref<1x1x40x128xi32, #tpu.memory_space<hbm>>
      %dma_wait3A_16 = tpu.memref_squeeze %dma_wait3A_15 : memref<1x1x40x128xi32, #tpu.memory_space<hbm>> -> memref<40x128xi32, #tpu.memory_space<hbm>>
      %dma_wait3A_17 = arith.constant 0 : i32
      %dma_wait3A_18 = arith.constant 0 : i32
      %dma_wait3A_19 = tpu.memref_slice %arg2[%arg0, %arg1, %dma_wait3A_17, %dma_wait3A_18] : memref<2x16x40x128xi32, #tpu.memory_space<hbm>> -> memref<1x1x40x128xi32, #tpu.memory_space<hbm>>
      %dma_wait3A_20 = tpu.memref_squeeze %dma_wait3A_19 : memref<1x1x40x128xi32, #tpu.memory_space<hbm>> -> memref<40x128xi32, #tpu.memory_space<hbm>>
      tpu.wait_dma2 semaphore(%run_scoped3A : memref<!tpu.dma_semaphore, #tpu.memory_space<semaphore_mem>>) src(%dma_wait3A_20 : memref<40x128xi32, #tpu.memory_space<hbm>>) dst(%arg6 : memref<40x128xi32, #tpu.memory_space<vmem>>)
      tpu.yield
    }) : () -> ()
    "tpu.region"() ({
      %run_scoped3A = tpu.sem_alloc : memref<!tpu.dma_semaphore, #tpu.memory_space<semaphore_mem>>
      tpu.enqueue_dma source(%arg4 : memref<128x128xf32, #tpu.memory_space<hbm>>) target(%arg7 : memref<128x128xf32, #tpu.memory_space<vmem>>) target_semaphore(%run_scoped3A : memref<!tpu.dma_semaphore, #tpu.memory_space<semaphore_mem>>)
      tpu.wait_dma2 semaphore(%run_scoped3A : memref<!tpu.dma_semaphore, #tpu.memory_space<semaphore_mem>>) src(%arg4 : memref<128x128xf32, #tpu.memory_space<hbm>>) dst(%arg7 : memref<128x128xf32, #tpu.memory_space<vmem>>)
      tpu.yield
    }) : () -> ()
    %mul3A = arith.constant 640 : i32
    %mul3A_0 = arith.muli %arg1, %mul3A : i32
    "tpu.region"() ({
      %run_scoped3A = tpu.sem_alloc : memref<!tpu.dma_semaphore, #tpu.memory_space<semaphore_mem>>
      %dma_start3A = arith.constant 0 : i32
      %dma_start3A_7 = tpu.memref_slice %arg8[%mul3A_0, %dma_start3A] : memref<10240x128xf32, #tpu.memory_space<vmem_shared>> -> memref<640x128xf32, #tpu.memory_space<vmem_shared>>
      %dma_start3A_8 = arith.constant 0 : i32
      %dma_start3A_9 = tpu.memref_slice %arg3[%mul3A_0, %dma_start3A_8] : memref<10240x128xf32, #tpu.memory_space<hbm>> -> memref<640x128xf32, #tpu.memory_space<hbm>>
      tpu.enqueue_dma source(%dma_start3A_9 : memref<640x128xf32, #tpu.memory_space<hbm>>) target(%dma_start3A_7 : memref<640x128xf32, #tpu.memory_space<vmem_shared>>) target_semaphore(%run_scoped3A : memref<!tpu.dma_semaphore, #tpu.memory_space<semaphore_mem>>)
      %dma_wait3A = arith.constant 0 : i32
      %dma_wait3A_10 = tpu.memref_slice %arg8[%mul3A_0, %dma_wait3A] : memref<10240x128xf32, #tpu.memory_space<vmem_shared>> -> memref<640x128xf32, #tpu.memory_space<vmem_shared>>
      %dma_wait3A_11 = arith.constant 0 : i32
      %dma_wait3A_12 = tpu.memref_slice %arg3[%mul3A_0, %dma_wait3A_11] : memref<10240x128xf32, #tpu.memory_space<hbm>> -> memref<640x128xf32, #tpu.memory_space<hbm>>
      tpu.wait_dma2 semaphore(%run_scoped3A : memref<!tpu.dma_semaphore, #tpu.memory_space<semaphore_mem>>) src(%dma_wait3A_12 : memref<640x128xf32, #tpu.memory_space<hbm>>) dst(%dma_wait3A_10 : memref<640x128xf32, #tpu.memory_space<vmem_shared>>)
      tpu.yield
    }) : () -> ()
    %barrier3A = arith.constant 0 : index
    tpu.barrier barrier_id(%barrier3A)
    %scan3A = arith.constant 0 : i32
    %scan3A_1 = arith.constant 0 : i32
    %scan3A_2 = arith.constant 40 : i32
    %scan3A_3 = arith.addi %scan3A_1, %scan3A_2 : i32
    %scan3A_4 = arith.constant 1 : i32
    scf.for %scan3A_7 = %scan3A_1 to %scan3A_3 step %scan3A_4  : i32 {
      "tpu.region"() ({
        %run_scoped3A = tpu.sem_alloc : memref<!tpu.dma_semaphore, #tpu.memory_space<semaphore_mem>>
        %dma_start3A = arith.constant 0 : i32
        %dma_start3A_8 = tpu.memref_slice %arg6[%scan3A_7, %dma_start3A] : memref<40x128xi32, #tpu.memory_space<vmem>> -> memref<1x128xi32, #tpu.memory_space<vmem>>
        %dma_start3A_9 = tpu.memref_squeeze %dma_start3A_8 : memref<1x128xi32, #tpu.memory_space<vmem>> -> memref<128xi32, #tpu.memory_space<vmem>>
        %dma_start3A_10 = arith.constant 0 : i32
        %dma_start3A_11 = arith.constant 0 : i32
        %dma_start3A_12 = tpu.memref_slice %arg8[%dma_start3A_10, %dma_start3A_11] : memref<10240x128xf32, #tpu.memory_space<vmem_shared>> -> memref<10240x128xf32, #tpu.memory_space<vmem_shared>>
        tpu.enqueue_indirect_dma source(%arg7 : memref<128x128xf32, #tpu.memory_space<vmem>>) target(%dma_start3A_12 : memref<10240x128xf32, #tpu.memory_space<vmem_shared>>) offsets(%dma_start3A_9 : memref<128xi32, #tpu.memory_space<vmem>>) semaphore(%run_scoped3A : memref<!tpu.dma_semaphore, #tpu.memory_space<semaphore_mem>>) {add = true}
        %dma_wait3A = arith.constant 0 : i32
        %dma_wait3A_13 = tpu.memref_slice %arg6[%scan3A_7, %dma_wait3A] : memref<40x128xi32, #tpu.memory_space<vmem>> -> memref<1x128xi32, #tpu.memory_space<vmem>>
        %dma_wait3A_14 = tpu.memref_squeeze %dma_wait3A_13 : memref<1x128xi32, #tpu.memory_space<vmem>> -> memref<128xi32, #tpu.memory_space<vmem>>
        %dma_wait3A_15 = arith.constant 0 : i32
        %dma_wait3A_16 = arith.constant 0 : i32
        %dma_wait3A_17 = tpu.memref_slice %arg8[%dma_wait3A_15, %dma_wait3A_16] : memref<10240x128xf32, #tpu.memory_space<vmem_shared>> -> memref<10240x128xf32, #tpu.memory_space<vmem_shared>>
        tpu.wait_indirect_dma semaphore(%run_scoped3A : memref<!tpu.dma_semaphore, #tpu.memory_space<semaphore_mem>>) src(%arg7 : memref<128x128xf32, #tpu.memory_space<vmem>>) dst(%dma_wait3A_17 : memref<10240x128xf32, #tpu.memory_space<vmem_shared>>)
        tpu.yield
      }) : () -> ()
    }
    %scan3A_5 = arith.constant 40 : i32
    %barrier3A_6 = arith.constant 0 : index
    tpu.barrier barrier_id(%barrier3A_6)
    "tpu.region"() ({
      %run_scoped3A = tpu.sem_alloc : memref<!tpu.dma_semaphore, #tpu.memory_space<semaphore_mem>>
      %dma_start3A = arith.constant 0 : i32
      %dma_start3A_7 = tpu.memref_slice %arg5[%arg0, %mul3A_0, %dma_start3A] : memref<2x10240x128xf32, #tpu.memory_space<hbm>> -> memref<1x640x128xf32, #tpu.memory_space<hbm>>
      %dma_start3A_8 = tpu.memref_squeeze %dma_start3A_7 : memref<1x640x128xf32, #tpu.memory_space<hbm>> -> memref<640x128xf32, #tpu.memory_space<hbm>>
      %dma_start3A_9 = arith.constant 0 : i32
      %dma_start3A_10 = tpu.memref_slice %arg8[%mul3A_0, %dma_start3A_9] : memref<10240x128xf32, #tpu.memory_space<vmem_shared>> -> memref<640x128xf32, #tpu.memory_space<vmem_shared>>
      tpu.enqueue_dma source(%dma_start3A_10 : memref<640x128xf32, #tpu.memory_space<vmem_shared>>) target(%dma_start3A_8 : memref<640x128xf32, #tpu.memory_space<hbm>>) target_semaphore(%run_scoped3A : memref<!tpu.dma_semaphore, #tpu.memory_space<semaphore_mem>>)
      %dma_wait3A = arith.constant 0 : i32
      %dma_wait3A_11 = tpu.memref_slice %arg5[%arg0, %mul3A_0, %dma_wait3A] : memref<2x10240x128xf32, #tpu.memory_space<hbm>> -> memref<1x640x128xf32, #tpu.memory_space<hbm>>
      %dma_wait3A_12 = tpu.memref_squeeze %dma_wait3A_11 : memref<1x640x128xf32, #tpu.memory_space<hbm>> -> memref<640x128xf32, #tpu.memory_space<hbm>>
      %dma_wait3A_13 = arith.constant 0 : i32
      %dma_wait3A_14 = tpu.memref_slice %arg8[%mul3A_0, %dma_wait3A_13] : memref<10240x128xf32, #tpu.memory_space<vmem_shared>> -> memref<640x128xf32, #tpu.memory_space<vmem_shared>>
      tpu.wait_dma2 semaphore(%run_scoped3A : memref<!tpu.dma_semaphore, #tpu.memory_space<semaphore_mem>>) src(%dma_wait3A_14 : memref<640x128xf32, #tpu.memory_space<vmem_shared>>) dst(%dma_wait3A_12 : memref<640x128xf32, #tpu.memory_space<hbm>>)
      tpu.yield
    }) : () -> ()
    return
  }
}

#map = affine_map<(d0, d1) -> (0, 0)>
#map1 = affine_map<(d0, d1) -> (0, 0, 0, 0)>
#map2 = affine_map<(d0, d1) -> (0, 0, 0)>
module attributes {stable_mosaic.version = 14 : i64} {
  func.func @_prop_body(%arg0: i32, %arg1: i32, %arg2: memref<20480x128xf32, #tpu.memory_space<hbm>>, %arg3: memref<2x32x40x128xi32, #tpu.memory_space<hbm>>, %arg4: memref<16x80x128xi32, #tpu.memory_space<hbm>>, %arg5: memref<2x10240x128xf32, #tpu.memory_space<hbm>>, %arg6: memref<40x128xi32, #tpu.memory_space<vmem>>, %arg7: memref<80x128xi32, #tpu.memory_space<vmem>>, %arg8: memref<128x128xf32, #tpu.memory_space<vmem>>, %arg9: memref<128x128xf32, #tpu.memory_space<vmem>>, %arg10: memref<10240x128xf32, #tpu.memory_space<vmem_shared>>, %arg11: memref<!tpu.dma_semaphore, #tpu.memory_space<semaphore_mem>>, %arg12: memref<!tpu.dma_semaphore, #tpu.memory_space<semaphore_mem>>) attributes {dimension_semantics = [#tpu.dimension_semantics<core_parallel>, #tpu.dimension_semantics<subcore_parallel>], iteration_bounds = array<i64: 2, 16>, scalar_prefetch = 0 : i64, scratch_operands = 7 : i64, tpu.core_type = #tpu.core_type<sc_vector_subcore>, window_params = [{transform_indices = #map}, {transform_indices = #map1}, {transform_indices = #map2}, {transform_indices = #map2}]} {
    "tpu.region"() ({
      %run_scoped3A = tpu.sem_alloc : memref<!tpu.dma_semaphore, #tpu.memory_space<semaphore_mem>>
      %dma_start3A_102 = arith.constant 0 : i32
      %dma_start3A_103 = arith.constant 0 : i32
      %dma_start3A_104 = tpu.memref_slice %arg4[%arg1, %dma_start3A_102, %dma_start3A_103] : memref<16x80x128xi32, #tpu.memory_space<hbm>> -> memref<1x80x128xi32, #tpu.memory_space<hbm>>
      %dma_start3A_105 = tpu.memref_squeeze %dma_start3A_104 : memref<1x80x128xi32, #tpu.memory_space<hbm>> -> memref<80x128xi32, #tpu.memory_space<hbm>>
      %dma_start3A_106 = arith.constant 0 : i32
      %dma_start3A_107 = arith.constant 0 : i32
      %dma_start3A_108 = tpu.memref_slice %arg4[%arg1, %dma_start3A_106, %dma_start3A_107] : memref<16x80x128xi32, #tpu.memory_space<hbm>> -> memref<1x80x128xi32, #tpu.memory_space<hbm>>
      %dma_start3A_109 = tpu.memref_squeeze %dma_start3A_108 : memref<1x80x128xi32, #tpu.memory_space<hbm>> -> memref<80x128xi32, #tpu.memory_space<hbm>>
      tpu.enqueue_dma source(%dma_start3A_109 : memref<80x128xi32, #tpu.memory_space<hbm>>) target(%arg7 : memref<80x128xi32, #tpu.memory_space<vmem>>) target_semaphore(%run_scoped3A : memref<!tpu.dma_semaphore, #tpu.memory_space<semaphore_mem>>)
      %dma_wait3A = arith.constant 0 : i32
      %dma_wait3A_110 = arith.constant 0 : i32
      %dma_wait3A_111 = tpu.memref_slice %arg4[%arg1, %dma_wait3A, %dma_wait3A_110] : memref<16x80x128xi32, #tpu.memory_space<hbm>> -> memref<1x80x128xi32, #tpu.memory_space<hbm>>
      %dma_wait3A_112 = tpu.memref_squeeze %dma_wait3A_111 : memref<1x80x128xi32, #tpu.memory_space<hbm>> -> memref<80x128xi32, #tpu.memory_space<hbm>>
      %dma_wait3A_113 = arith.constant 0 : i32
      %dma_wait3A_114 = arith.constant 0 : i32
      %dma_wait3A_115 = tpu.memref_slice %arg4[%arg1, %dma_wait3A_113, %dma_wait3A_114] : memref<16x80x128xi32, #tpu.memory_space<hbm>> -> memref<1x80x128xi32, #tpu.memory_space<hbm>>
      %dma_wait3A_116 = tpu.memref_squeeze %dma_wait3A_115 : memref<1x80x128xi32, #tpu.memory_space<hbm>> -> memref<80x128xi32, #tpu.memory_space<hbm>>
      tpu.wait_dma2 semaphore(%run_scoped3A : memref<!tpu.dma_semaphore, #tpu.memory_space<semaphore_mem>>) src(%dma_wait3A_116 : memref<80x128xi32, #tpu.memory_space<hbm>>) dst(%arg7 : memref<80x128xi32, #tpu.memory_space<vmem>>)
      tpu.yield
    }) : () -> ()
    %mul3A = arith.constant 640 : i32
    %mul3A_0 = arith.muli %arg1, %mul3A : i32
    %mul3A_1 = arith.constant 10240 : i32
    %mul3A_2 = arith.muli %arg0, %mul3A_1 : i32
    %add3A = arith.addi %mul3A_2, %mul3A_0 : i32
    "tpu.region"() ({
      %run_scoped3A = tpu.sem_alloc : memref<!tpu.dma_semaphore, #tpu.memory_space<semaphore_mem>>
      %dma_start3A_102 = arith.constant 0 : i32
      %dma_start3A_103 = tpu.memref_slice %arg10[%mul3A_0, %dma_start3A_102] : memref<10240x128xf32, #tpu.memory_space<vmem_shared>> -> memref<640x128xf32, #tpu.memory_space<vmem_shared>>
      %dma_start3A_104 = arith.constant 0 : i32
      %dma_start3A_105 = tpu.memref_slice %arg2[%add3A, %dma_start3A_104] : memref<20480x128xf32, #tpu.memory_space<hbm>> -> memref<640x128xf32, #tpu.memory_space<hbm>>
      tpu.enqueue_dma source(%dma_start3A_105 : memref<640x128xf32, #tpu.memory_space<hbm>>) target(%dma_start3A_103 : memref<640x128xf32, #tpu.memory_space<vmem_shared>>) target_semaphore(%run_scoped3A : memref<!tpu.dma_semaphore, #tpu.memory_space<semaphore_mem>>)
      %dma_wait3A = arith.constant 0 : i32
      %dma_wait3A_106 = tpu.memref_slice %arg10[%mul3A_0, %dma_wait3A] : memref<10240x128xf32, #tpu.memory_space<vmem_shared>> -> memref<640x128xf32, #tpu.memory_space<vmem_shared>>
      %dma_wait3A_107 = arith.constant 0 : i32
      %dma_wait3A_108 = tpu.memref_slice %arg2[%add3A, %dma_wait3A_107] : memref<20480x128xf32, #tpu.memory_space<hbm>> -> memref<640x128xf32, #tpu.memory_space<hbm>>
      tpu.wait_dma2 semaphore(%run_scoped3A : memref<!tpu.dma_semaphore, #tpu.memory_space<semaphore_mem>>) src(%dma_wait3A_108 : memref<640x128xf32, #tpu.memory_space<hbm>>) dst(%dma_wait3A_106 : memref<640x128xf32, #tpu.memory_space<vmem_shared>>)
      tpu.yield
    }) : () -> ()
    %barrier3A = arith.constant 0 : index
    tpu.barrier barrier_id(%barrier3A)
    %mul3A_3 = arith.constant 2 : i32
    %mul3A_4 = arith.muli %arg1, %mul3A_3 : i32
    %add3A_5 = arith.constant 0 : i32
    %add3A_6 = arith.addi %mul3A_4, %add3A_5 : i32
    "tpu.region"() ({
      %run_scoped3A = tpu.sem_alloc : memref<!tpu.dma_semaphore, #tpu.memory_space<semaphore_mem>>
      %dma_start3A_102 = arith.constant 0 : i32
      %dma_start3A_103 = arith.constant 0 : i32
      %dma_start3A_104 = tpu.memref_slice %arg3[%arg0, %add3A_6, %dma_start3A_102, %dma_start3A_103] : memref<2x32x40x128xi32, #tpu.memory_space<hbm>> -> memref<1x1x40x128xi32, #tpu.memory_space<hbm>>
      %dma_start3A_105 = tpu.memref_squeeze %dma_start3A_104 : memref<1x1x40x128xi32, #tpu.memory_space<hbm>> -> memref<40x128xi32, #tpu.memory_space<hbm>>
      %dma_start3A_106 = arith.constant 0 : i32
      %dma_start3A_107 = arith.constant 0 : i32
      %dma_start3A_108 = tpu.memref_slice %arg3[%arg0, %add3A_6, %dma_start3A_106, %dma_start3A_107] : memref<2x32x40x128xi32, #tpu.memory_space<hbm>> -> memref<1x1x40x128xi32, #tpu.memory_space<hbm>>
      %dma_start3A_109 = tpu.memref_squeeze %dma_start3A_108 : memref<1x1x40x128xi32, #tpu.memory_space<hbm>> -> memref<40x128xi32, #tpu.memory_space<hbm>>
      tpu.enqueue_dma source(%dma_start3A_109 : memref<40x128xi32, #tpu.memory_space<hbm>>) target(%arg6 : memref<40x128xi32, #tpu.memory_space<vmem>>) target_semaphore(%run_scoped3A : memref<!tpu.dma_semaphore, #tpu.memory_space<semaphore_mem>>)
      %dma_wait3A = arith.constant 0 : i32
      %dma_wait3A_110 = arith.constant 0 : i32
      %dma_wait3A_111 = tpu.memref_slice %arg3[%arg0, %add3A_6, %dma_wait3A, %dma_wait3A_110] : memref<2x32x40x128xi32, #tpu.memory_space<hbm>> -> memref<1x1x40x128xi32, #tpu.memory_space<hbm>>
      %dma_wait3A_112 = tpu.memref_squeeze %dma_wait3A_111 : memref<1x1x40x128xi32, #tpu.memory_space<hbm>> -> memref<40x128xi32, #tpu.memory_space<hbm>>
      %dma_wait3A_113 = arith.constant 0 : i32
      %dma_wait3A_114 = arith.constant 0 : i32
      %dma_wait3A_115 = tpu.memref_slice %arg3[%arg0, %add3A_6, %dma_wait3A_113, %dma_wait3A_114] : memref<2x32x40x128xi32, #tpu.memory_space<hbm>> -> memref<1x1x40x128xi32, #tpu.memory_space<hbm>>
      %dma_wait3A_116 = tpu.memref_squeeze %dma_wait3A_115 : memref<1x1x40x128xi32, #tpu.memory_space<hbm>> -> memref<40x128xi32, #tpu.memory_space<hbm>>
      tpu.wait_dma2 semaphore(%run_scoped3A : memref<!tpu.dma_semaphore, #tpu.memory_space<semaphore_mem>>) src(%dma_wait3A_116 : memref<40x128xi32, #tpu.memory_space<hbm>>) dst(%arg6 : memref<40x128xi32, #tpu.memory_space<vmem>>)
      tpu.yield
    }) : () -> ()
    %dma_start3A = arith.constant 0 : i32
    %dma_start3A_7 = arith.constant 0 : i32
    %dma_start3A_8 = arith.constant 0 : i32
    %dma_start3A_9 = tpu.memref_slice %arg8[%dma_start3A_7, %dma_start3A_8] : memref<128x128xf32, #tpu.memory_space<vmem>> -> memref<64x128xf32, #tpu.memory_space<vmem>>
    %dma_start3A_10 = arith.constant 0 : i32
    %dma_start3A_11 = tpu.memref_slice %arg6[%dma_start3A, %dma_start3A_10] : memref<40x128xi32, #tpu.memory_space<vmem>> -> memref<1x64xi32, #tpu.memory_space<vmem>>
    %dma_start3A_12 = tpu.memref_squeeze %dma_start3A_11 : memref<1x64xi32, #tpu.memory_space<vmem>> -> memref<64xi32, #tpu.memory_space<vmem>>
    %dma_start3A_13 = arith.constant 0 : i32
    %dma_start3A_14 = arith.constant 0 : i32
    %dma_start3A_15 = tpu.memref_slice %arg2[%dma_start3A_13, %dma_start3A_14] : memref<20480x128xf32, #tpu.memory_space<hbm>> -> memref<20480x128xf32, #tpu.memory_space<hbm>>
    tpu.enqueue_indirect_dma source(%dma_start3A_15 : memref<20480x128xf32, #tpu.memory_space<hbm>>) target(%dma_start3A_9 : memref<64x128xf32, #tpu.memory_space<vmem>>) offsets(%dma_start3A_12 : memref<64xi32, #tpu.memory_space<vmem>>) semaphore(%arg11 : memref<!tpu.dma_semaphore, #tpu.memory_space<semaphore_mem>>)
    %dma_start3A_16 = arith.constant 0 : i32
    %dma_start3A_17 = arith.constant 64 : i32
    %dma_start3A_18 = arith.constant 0 : i32
    %dma_start3A_19 = tpu.memref_slice %arg8[%dma_start3A_17, %dma_start3A_18] : memref<128x128xf32, #tpu.memory_space<vmem>> -> memref<64x128xf32, #tpu.memory_space<vmem>>
    %dma_start3A_20 = arith.constant 64 : i32
    %dma_start3A_21 = tpu.memref_slice %arg6[%dma_start3A_16, %dma_start3A_20] : memref<40x128xi32, #tpu.memory_space<vmem>> -> memref<1x64xi32, #tpu.memory_space<vmem>>
    %dma_start3A_22 = tpu.memref_squeeze %dma_start3A_21 : memref<1x64xi32, #tpu.memory_space<vmem>> -> memref<64xi32, #tpu.memory_space<vmem>>
    %dma_start3A_23 = arith.constant 0 : i32
    %dma_start3A_24 = arith.constant 0 : i32
    %dma_start3A_25 = tpu.memref_slice %arg2[%dma_start3A_23, %dma_start3A_24] : memref<20480x128xf32, #tpu.memory_space<hbm>> -> memref<20480x128xf32, #tpu.memory_space<hbm>>
    tpu.enqueue_indirect_dma source(%dma_start3A_25 : memref<20480x128xf32, #tpu.memory_space<hbm>>) target(%dma_start3A_19 : memref<64x128xf32, #tpu.memory_space<vmem>>) offsets(%dma_start3A_22 : memref<64xi32, #tpu.memory_space<vmem>>) semaphore(%arg11 : memref<!tpu.dma_semaphore, #tpu.memory_space<semaphore_mem>>)
    %dma_start3A_26 = arith.constant 1 : i32
    %dma_start3A_27 = arith.constant 0 : i32
    %dma_start3A_28 = arith.constant 0 : i32
    %dma_start3A_29 = tpu.memref_slice %arg9[%dma_start3A_27, %dma_start3A_28] : memref<128x128xf32, #tpu.memory_space<vmem>> -> memref<64x128xf32, #tpu.memory_space<vmem>>
    %dma_start3A_30 = arith.constant 0 : i32
    %dma_start3A_31 = tpu.memref_slice %arg6[%dma_start3A_26, %dma_start3A_30] : memref<40x128xi32, #tpu.memory_space<vmem>> -> memref<1x64xi32, #tpu.memory_space<vmem>>
    %dma_start3A_32 = tpu.memref_squeeze %dma_start3A_31 : memref<1x64xi32, #tpu.memory_space<vmem>> -> memref<64xi32, #tpu.memory_space<vmem>>
    %dma_start3A_33 = arith.constant 0 : i32
    %dma_start3A_34 = arith.constant 0 : i32
    %dma_start3A_35 = tpu.memref_slice %arg2[%dma_start3A_33, %dma_start3A_34] : memref<20480x128xf32, #tpu.memory_space<hbm>> -> memref<20480x128xf32, #tpu.memory_space<hbm>>
    tpu.enqueue_indirect_dma source(%dma_start3A_35 : memref<20480x128xf32, #tpu.memory_space<hbm>>) target(%dma_start3A_29 : memref<64x128xf32, #tpu.memory_space<vmem>>) offsets(%dma_start3A_32 : memref<64xi32, #tpu.memory_space<vmem>>) semaphore(%arg12 : memref<!tpu.dma_semaphore, #tpu.memory_space<semaphore_mem>>)
    %dma_start3A_36 = arith.constant 1 : i32
    %dma_start3A_37 = arith.constant 64 : i32
    %dma_start3A_38 = arith.constant 0 : i32
    %dma_start3A_39 = tpu.memref_slice %arg9[%dma_start3A_37, %dma_start3A_38] : memref<128x128xf32, #tpu.memory_space<vmem>> -> memref<64x128xf32, #tpu.memory_space<vmem>>
    %dma_start3A_40 = arith.constant 64 : i32
    %dma_start3A_41 = tpu.memref_slice %arg6[%dma_start3A_36, %dma_start3A_40] : memref<40x128xi32, #tpu.memory_space<vmem>> -> memref<1x64xi32, #tpu.memory_space<vmem>>
    %dma_start3A_42 = tpu.memref_squeeze %dma_start3A_41 : memref<1x64xi32, #tpu.memory_space<vmem>> -> memref<64xi32, #tpu.memory_space<vmem>>
    %dma_start3A_43 = arith.constant 0 : i32
    %dma_start3A_44 = arith.constant 0 : i32
    %dma_start3A_45 = tpu.memref_slice %arg2[%dma_start3A_43, %dma_start3A_44] : memref<20480x128xf32, #tpu.memory_space<hbm>> -> memref<20480x128xf32, #tpu.memory_space<hbm>>
    tpu.enqueue_indirect_dma source(%dma_start3A_45 : memref<20480x128xf32, #tpu.memory_space<hbm>>) target(%dma_start3A_39 : memref<64x128xf32, #tpu.memory_space<vmem>>) offsets(%dma_start3A_42 : memref<64xi32, #tpu.memory_space<vmem>>) semaphore(%arg12 : memref<!tpu.dma_semaphore, #tpu.memory_space<semaphore_mem>>)
    %scan3A = arith.constant 0 : i32
    %scan3A_46 = arith.constant 0 : i32
    %scan3A_47 = arith.constant 20 : i32
    %scan3A_48 = arith.addi %scan3A_46, %scan3A_47 : i32
    %scan3A_49 = arith.constant 1 : i32
    scf.for %scan3A_102 = %scan3A_46 to %scan3A_48 step %scan3A_49  : i32 {
      %mul3A_103 = arith.constant 2 : i32
      %mul3A_104 = arith.muli %scan3A_102, %mul3A_103 : i32
      %add3A_105 = arith.constant 0 : i32
      %add3A_106 = arith.addi %mul3A_104, %add3A_105 : i32
      %dma_wait3A = arith.constant 0 : i32
      %dma_wait3A_107 = arith.constant 0 : i32
      %dma_wait3A_108 = tpu.memref_slice %arg8[%dma_wait3A, %dma_wait3A_107] : memref<128x128xf32, #tpu.memory_space<vmem>> -> memref<64x128xf32, #tpu.memory_space<vmem>>
      %dma_wait3A_109 = arith.constant 0 : i32
      %dma_wait3A_110 = tpu.memref_slice %arg6[%add3A_106, %dma_wait3A_109] : memref<40x128xi32, #tpu.memory_space<vmem>> -> memref<1x64xi32, #tpu.memory_space<vmem>>
      %dma_wait3A_111 = tpu.memref_squeeze %dma_wait3A_110 : memref<1x64xi32, #tpu.memory_space<vmem>> -> memref<64xi32, #tpu.memory_space<vmem>>
      %dma_wait3A_112 = arith.constant 0 : i32
      %dma_wait3A_113 = arith.constant 0 : i32
      %dma_wait3A_114 = tpu.memref_slice %arg2[%dma_wait3A_112, %dma_wait3A_113] : memref<20480x128xf32, #tpu.memory_space<hbm>> -> memref<20480x128xf32, #tpu.memory_space<hbm>>
      tpu.wait_indirect_dma semaphore(%arg11 : memref<!tpu.dma_semaphore, #tpu.memory_space<semaphore_mem>>) src(%dma_wait3A_114 : memref<20480x128xf32, #tpu.memory_space<hbm>>) dst(%dma_wait3A_108 : memref<64x128xf32, #tpu.memory_space<vmem>>)
      %dma_wait3A_115 = arith.constant 64 : i32
      %dma_wait3A_116 = arith.constant 0 : i32
      %dma_wait3A_117 = tpu.memref_slice %arg8[%dma_wait3A_115, %dma_wait3A_116] : memref<128x128xf32, #tpu.memory_space<vmem>> -> memref<64x128xf32, #tpu.memory_space<vmem>>
      %dma_wait3A_118 = arith.constant 64 : i32
      %dma_wait3A_119 = tpu.memref_slice %arg6[%add3A_106, %dma_wait3A_118] : memref<40x128xi32, #tpu.memory_space<vmem>> -> memref<1x64xi32, #tpu.memory_space<vmem>>
      %dma_wait3A_120 = tpu.memref_squeeze %dma_wait3A_119 : memref<1x64xi32, #tpu.memory_space<vmem>> -> memref<64xi32, #tpu.memory_space<vmem>>
      %dma_wait3A_121 = arith.constant 0 : i32
      %dma_wait3A_122 = arith.constant 0 : i32
      %dma_wait3A_123 = tpu.memref_slice %arg2[%dma_wait3A_121, %dma_wait3A_122] : memref<20480x128xf32, #tpu.memory_space<hbm>> -> memref<20480x128xf32, #tpu.memory_space<hbm>>
      tpu.wait_indirect_dma semaphore(%arg11 : memref<!tpu.dma_semaphore, #tpu.memory_space<semaphore_mem>>) src(%dma_wait3A_123 : memref<20480x128xf32, #tpu.memory_space<hbm>>) dst(%dma_wait3A_117 : memref<64x128xf32, #tpu.memory_space<vmem>>)
      %add3A_124 = arith.constant 0 : i32
      %add3A_125 = arith.addi %add3A_124, %add3A_106 : i32
      "tpu.region"() ({
        %run_scoped3A = tpu.sem_alloc : memref<!tpu.dma_semaphore, #tpu.memory_space<semaphore_mem>>
        %dma_start3A_161 = arith.constant 0 : i32
        %dma_start3A_162 = tpu.memref_slice %arg7[%add3A_125, %dma_start3A_161] : memref<80x128xi32, #tpu.memory_space<vmem>> -> memref<1x128xi32, #tpu.memory_space<vmem>>
        %dma_start3A_163 = tpu.memref_squeeze %dma_start3A_162 : memref<1x128xi32, #tpu.memory_space<vmem>> -> memref<128xi32, #tpu.memory_space<vmem>>
        %dma_start3A_164 = arith.constant 0 : i32
        %dma_start3A_165 = arith.constant 0 : i32
        %dma_start3A_166 = tpu.memref_slice %arg10[%dma_start3A_164, %dma_start3A_165] : memref<10240x128xf32, #tpu.memory_space<vmem_shared>> -> memref<10240x128xf32, #tpu.memory_space<vmem_shared>>
        tpu.enqueue_indirect_dma source(%arg8 : memref<128x128xf32, #tpu.memory_space<vmem>>) target(%dma_start3A_166 : memref<10240x128xf32, #tpu.memory_space<vmem_shared>>) offsets(%dma_start3A_163 : memref<128xi32, #tpu.memory_space<vmem>>) semaphore(%run_scoped3A : memref<!tpu.dma_semaphore, #tpu.memory_space<semaphore_mem>>) {add = true}
        %dma_wait3A_167 = arith.constant 0 : i32
        %dma_wait3A_168 = tpu.memref_slice %arg7[%add3A_125, %dma_wait3A_167] : memref<80x128xi32, #tpu.memory_space<vmem>> -> memref<1x128xi32, #tpu.memory_space<vmem>>
        %dma_wait3A_169 = tpu.memref_squeeze %dma_wait3A_168 : memref<1x128xi32, #tpu.memory_space<vmem>> -> memref<128xi32, #tpu.memory_space<vmem>>
        %dma_wait3A_170 = arith.constant 0 : i32
        %dma_wait3A_171 = arith.constant 0 : i32
        %dma_wait3A_172 = tpu.memref_slice %arg10[%dma_wait3A_170, %dma_wait3A_171] : memref<10240x128xf32, #tpu.memory_space<vmem_shared>> -> memref<10240x128xf32, #tpu.memory_space<vmem_shared>>
        tpu.wait_indirect_dma semaphore(%run_scoped3A : memref<!tpu.dma_semaphore, #tpu.memory_space<semaphore_mem>>) src(%arg8 : memref<128x128xf32, #tpu.memory_space<vmem>>) dst(%dma_wait3A_172 : memref<10240x128xf32, #tpu.memory_space<vmem_shared>>)
        tpu.yield
      }) : () -> ()
      %add3A_126 = arith.constant 2 : i32
      %add3A_127 = arith.addi %add3A_106, %add3A_126 : i32
      %lt3A = arith.constant 40 : i32
      %lt3A_128 = arith.cmpi slt, %add3A_127, %lt3A : i32
      %convert_element_type3A = arith.extui %lt3A_128 : i1 to i32
      %cond3A = arith.constant 0 : i32
      %cond3A_129 = arith.cmpi ne, %convert_element_type3A, %cond3A : i32
      scf.if %cond3A_129 {
        %add3A_161 = arith.constant 2 : i32
        %add3A_162 = arith.addi %add3A_106, %add3A_161 : i32
        %dma_start3A_163 = arith.constant 0 : i32
        %dma_start3A_164 = arith.constant 0 : i32
        %dma_start3A_165 = tpu.memref_slice %arg8[%dma_start3A_163, %dma_start3A_164] : memref<128x128xf32, #tpu.memory_space<vmem>> -> memref<64x128xf32, #tpu.memory_space<vmem>>
        %dma_start3A_166 = arith.constant 0 : i32
        %dma_start3A_167 = tpu.memref_slice %arg6[%add3A_162, %dma_start3A_166] : memref<40x128xi32, #tpu.memory_space<vmem>> -> memref<1x64xi32, #tpu.memory_space<vmem>>
        %dma_start3A_168 = tpu.memref_squeeze %dma_start3A_167 : memref<1x64xi32, #tpu.memory_space<vmem>> -> memref<64xi32, #tpu.memory_space<vmem>>
        %dma_start3A_169 = arith.constant 0 : i32
        %dma_start3A_170 = arith.constant 0 : i32
        %dma_start3A_171 = tpu.memref_slice %arg2[%dma_start3A_169, %dma_start3A_170] : memref<20480x128xf32, #tpu.memory_space<hbm>> -> memref<20480x128xf32, #tpu.memory_space<hbm>>
        tpu.enqueue_indirect_dma source(%dma_start3A_171 : memref<20480x128xf32, #tpu.memory_space<hbm>>) target(%dma_start3A_165 : memref<64x128xf32, #tpu.memory_space<vmem>>) offsets(%dma_start3A_168 : memref<64xi32, #tpu.memory_space<vmem>>) semaphore(%arg11 : memref<!tpu.dma_semaphore, #tpu.memory_space<semaphore_mem>>)
        %add3A_172 = arith.constant 2 : i32
        %add3A_173 = arith.addi %add3A_106, %add3A_172 : i32
        %dma_start3A_174 = arith.constant 64 : i32
        %dma_start3A_175 = arith.constant 0 : i32
        %dma_start3A_176 = tpu.memref_slice %arg8[%dma_start3A_174, %dma_start3A_175] : memref<128x128xf32, #tpu.memory_space<vmem>> -> memref<64x128xf32, #tpu.memory_space<vmem>>
        %dma_start3A_177 = arith.constant 64 : i32
        %dma_start3A_178 = tpu.memref_slice %arg6[%add3A_173, %dma_start3A_177] : memref<40x128xi32, #tpu.memory_space<vmem>> -> memref<1x64xi32, #tpu.memory_space<vmem>>
        %dma_start3A_179 = tpu.memref_squeeze %dma_start3A_178 : memref<1x64xi32, #tpu.memory_space<vmem>> -> memref<64xi32, #tpu.memory_space<vmem>>
        %dma_start3A_180 = arith.constant 0 : i32
        %dma_start3A_181 = arith.constant 0 : i32
        %dma_start3A_182 = tpu.memref_slice %arg2[%dma_start3A_180, %dma_start3A_181] : memref<20480x128xf32, #tpu.memory_space<hbm>> -> memref<20480x128xf32, #tpu.memory_space<hbm>>
        tpu.enqueue_indirect_dma source(%dma_start3A_182 : memref<20480x128xf32, #tpu.memory_space<hbm>>) target(%dma_start3A_176 : memref<64x128xf32, #tpu.memory_space<vmem>>) offsets(%dma_start3A_179 : memref<64xi32, #tpu.memory_space<vmem>>) semaphore(%arg11 : memref<!tpu.dma_semaphore, #tpu.memory_space<semaphore_mem>>)
      } else {
      }
      %mul3A_130 = arith.constant 2 : i32
      %mul3A_131 = arith.muli %scan3A_102, %mul3A_130 : i32
      %add3A_132 = arith.constant 1 : i32
      %add3A_133 = arith.addi %mul3A_131, %add3A_132 : i32
      %dma_wait3A_134 = arith.constant 0 : i32
      %dma_wait3A_135 = arith.constant 0 : i32
      %dma_wait3A_136 = tpu.memref_slice %arg9[%dma_wait3A_134, %dma_wait3A_135] : memref<128x128xf32, #tpu.memory_space<vmem>> -> memref<64x128xf32, #tpu.memory_space<vmem>>
      %dma_wait3A_137 = arith.constant 0 : i32
      %dma_wait3A_138 = tpu.memref_slice %arg6[%add3A_133, %dma_wait3A_137] : memref<40x128xi32, #tpu.memory_space<vmem>> -> memref<1x64xi32, #tpu.memory_space<vmem>>
      %dma_wait3A_139 = tpu.memref_squeeze %dma_wait3A_138 : memref<1x64xi32, #tpu.memory_space<vmem>> -> memref<64xi32, #tpu.memory_space<vmem>>
      %dma_wait3A_140 = arith.constant 0 : i32
      %dma_wait3A_141 = arith.constant 0 : i32
      %dma_wait3A_142 = tpu.memref_slice %arg2[%dma_wait3A_140, %dma_wait3A_141] : memref<20480x128xf32, #tpu.memory_space<hbm>> -> memref<20480x128xf32, #tpu.memory_space<hbm>>
      tpu.wait_indirect_dma semaphore(%arg12 : memref<!tpu.dma_semaphore, #tpu.memory_space<semaphore_mem>>) src(%dma_wait3A_142 : memref<20480x128xf32, #tpu.memory_space<hbm>>) dst(%dma_wait3A_136 : memref<64x128xf32, #tpu.memory_space<vmem>>)
      %dma_wait3A_143 = arith.constant 64 : i32
      %dma_wait3A_144 = arith.constant 0 : i32
      %dma_wait3A_145 = tpu.memref_slice %arg9[%dma_wait3A_143, %dma_wait3A_144] : memref<128x128xf32, #tpu.memory_space<vmem>> -> memref<64x128xf32, #tpu.memory_space<vmem>>
      %dma_wait3A_146 = arith.constant 64 : i32
      %dma_wait3A_147 = tpu.memref_slice %arg6[%add3A_133, %dma_wait3A_146] : memref<40x128xi32, #tpu.memory_space<vmem>> -> memref<1x64xi32, #tpu.memory_space<vmem>>
      %dma_wait3A_148 = tpu.memref_squeeze %dma_wait3A_147 : memref<1x64xi32, #tpu.memory_space<vmem>> -> memref<64xi32, #tpu.memory_space<vmem>>
      %dma_wait3A_149 = arith.constant 0 : i32
      %dma_wait3A_150 = arith.constant 0 : i32
      %dma_wait3A_151 = tpu.memref_slice %arg2[%dma_wait3A_149, %dma_wait3A_150] : memref<20480x128xf32, #tpu.memory_space<hbm>> -> memref<20480x128xf32, #tpu.memory_space<hbm>>
      tpu.wait_indirect_dma semaphore(%arg12 : memref<!tpu.dma_semaphore, #tpu.memory_space<semaphore_mem>>) src(%dma_wait3A_151 : memref<20480x128xf32, #tpu.memory_space<hbm>>) dst(%dma_wait3A_145 : memref<64x128xf32, #tpu.memory_space<vmem>>)
      %add3A_152 = arith.constant 0 : i32
      %add3A_153 = arith.addi %add3A_152, %add3A_133 : i32
      "tpu.region"() ({
        %run_scoped3A = tpu.sem_alloc : memref<!tpu.dma_semaphore, #tpu.memory_space<semaphore_mem>>
        %dma_start3A_161 = arith.constant 0 : i32
        %dma_start3A_162 = tpu.memref_slice %arg7[%add3A_153, %dma_start3A_161] : memref<80x128xi32, #tpu.memory_space<vmem>> -> memref<1x128xi32, #tpu.memory_space<vmem>>
        %dma_start3A_163 = tpu.memref_squeeze %dma_start3A_162 : memref<1x128xi32, #tpu.memory_space<vmem>> -> memref<128xi32, #tpu.memory_space<vmem>>
        %dma_start3A_164 = arith.constant 0 : i32
        %dma_start3A_165 = arith.constant 0 : i32
        %dma_start3A_166 = tpu.memref_slice %arg10[%dma_start3A_164, %dma_start3A_165] : memref<10240x128xf32, #tpu.memory_space<vmem_shared>> -> memref<10240x128xf32, #tpu.memory_space<vmem_shared>>
        tpu.enqueue_indirect_dma source(%arg9 : memref<128x128xf32, #tpu.memory_space<vmem>>) target(%dma_start3A_166 : memref<10240x128xf32, #tpu.memory_space<vmem_shared>>) offsets(%dma_start3A_163 : memref<128xi32, #tpu.memory_space<vmem>>) semaphore(%run_scoped3A : memref<!tpu.dma_semaphore, #tpu.memory_space<semaphore_mem>>) {add = true}
        %dma_wait3A_167 = arith.constant 0 : i32
        %dma_wait3A_168 = tpu.memref_slice %arg7[%add3A_153, %dma_wait3A_167] : memref<80x128xi32, #tpu.memory_space<vmem>> -> memref<1x128xi32, #tpu.memory_space<vmem>>
        %dma_wait3A_169 = tpu.memref_squeeze %dma_wait3A_168 : memref<1x128xi32, #tpu.memory_space<vmem>> -> memref<128xi32, #tpu.memory_space<vmem>>
        %dma_wait3A_170 = arith.constant 0 : i32
        %dma_wait3A_171 = arith.constant 0 : i32
        %dma_wait3A_172 = tpu.memref_slice %arg10[%dma_wait3A_170, %dma_wait3A_171] : memref<10240x128xf32, #tpu.memory_space<vmem_shared>> -> memref<10240x128xf32, #tpu.memory_space<vmem_shared>>
        tpu.wait_indirect_dma semaphore(%run_scoped3A : memref<!tpu.dma_semaphore, #tpu.memory_space<semaphore_mem>>) src(%arg9 : memref<128x128xf32, #tpu.memory_space<vmem>>) dst(%dma_wait3A_172 : memref<10240x128xf32, #tpu.memory_space<vmem_shared>>)
        tpu.yield
      }) : () -> ()
      %add3A_154 = arith.constant 2 : i32
      %add3A_155 = arith.addi %add3A_133, %add3A_154 : i32
      %lt3A_156 = arith.constant 40 : i32
      %lt3A_157 = arith.cmpi slt, %add3A_155, %lt3A_156 : i32
      %convert_element_type3A_158 = arith.extui %lt3A_157 : i1 to i32
      %cond3A_159 = arith.constant 0 : i32
      %cond3A_160 = arith.cmpi ne, %convert_element_type3A_158, %cond3A_159 : i32
      scf.if %cond3A_160 {
        %add3A_161 = arith.constant 2 : i32
        %add3A_162 = arith.addi %add3A_133, %add3A_161 : i32
        %dma_start3A_163 = arith.constant 0 : i32
        %dma_start3A_164 = arith.constant 0 : i32
        %dma_start3A_165 = tpu.memref_slice %arg9[%dma_start3A_163, %dma_start3A_164] : memref<128x128xf32, #tpu.memory_space<vmem>> -> memref<64x128xf32, #tpu.memory_space<vmem>>
        %dma_start3A_166 = arith.constant 0 : i32
        %dma_start3A_167 = tpu.memref_slice %arg6[%add3A_162, %dma_start3A_166] : memref<40x128xi32, #tpu.memory_space<vmem>> -> memref<1x64xi32, #tpu.memory_space<vmem>>
        %dma_start3A_168 = tpu.memref_squeeze %dma_start3A_167 : memref<1x64xi32, #tpu.memory_space<vmem>> -> memref<64xi32, #tpu.memory_space<vmem>>
        %dma_start3A_169 = arith.constant 0 : i32
        %dma_start3A_170 = arith.constant 0 : i32
        %dma_start3A_171 = tpu.memref_slice %arg2[%dma_start3A_169, %dma_start3A_170] : memref<20480x128xf32, #tpu.memory_space<hbm>> -> memref<20480x128xf32, #tpu.memory_space<hbm>>
        tpu.enqueue_indirect_dma source(%dma_start3A_171 : memref<20480x128xf32, #tpu.memory_space<hbm>>) target(%dma_start3A_165 : memref<64x128xf32, #tpu.memory_space<vmem>>) offsets(%dma_start3A_168 : memref<64xi32, #tpu.memory_space<vmem>>) semaphore(%arg12 : memref<!tpu.dma_semaphore, #tpu.memory_space<semaphore_mem>>)
        %add3A_172 = arith.constant 2 : i32
        %add3A_173 = arith.addi %add3A_133, %add3A_172 : i32
        %dma_start3A_174 = arith.constant 64 : i32
        %dma_start3A_175 = arith.constant 0 : i32
        %dma_start3A_176 = tpu.memref_slice %arg9[%dma_start3A_174, %dma_start3A_175] : memref<128x128xf32, #tpu.memory_space<vmem>> -> memref<64x128xf32, #tpu.memory_space<vmem>>
        %dma_start3A_177 = arith.constant 64 : i32
        %dma_start3A_178 = tpu.memref_slice %arg6[%add3A_173, %dma_start3A_177] : memref<40x128xi32, #tpu.memory_space<vmem>> -> memref<1x64xi32, #tpu.memory_space<vmem>>
        %dma_start3A_179 = tpu.memref_squeeze %dma_start3A_178 : memref<1x64xi32, #tpu.memory_space<vmem>> -> memref<64xi32, #tpu.memory_space<vmem>>
        %dma_start3A_180 = arith.constant 0 : i32
        %dma_start3A_181 = arith.constant 0 : i32
        %dma_start3A_182 = tpu.memref_slice %arg2[%dma_start3A_180, %dma_start3A_181] : memref<20480x128xf32, #tpu.memory_space<hbm>> -> memref<20480x128xf32, #tpu.memory_space<hbm>>
        tpu.enqueue_indirect_dma source(%dma_start3A_182 : memref<20480x128xf32, #tpu.memory_space<hbm>>) target(%dma_start3A_176 : memref<64x128xf32, #tpu.memory_space<vmem>>) offsets(%dma_start3A_179 : memref<64xi32, #tpu.memory_space<vmem>>) semaphore(%arg12 : memref<!tpu.dma_semaphore, #tpu.memory_space<semaphore_mem>>)
      } else {
      }
    }
    %scan3A_50 = arith.constant 20 : i32
    %mul3A_51 = arith.constant 2 : i32
    %mul3A_52 = arith.muli %arg1, %mul3A_51 : i32
    %add3A_53 = arith.constant 1 : i32
    %add3A_54 = arith.addi %mul3A_52, %add3A_53 : i32
    "tpu.region"() ({
      %run_scoped3A = tpu.sem_alloc : memref<!tpu.dma_semaphore, #tpu.memory_space<semaphore_mem>>
      %dma_start3A_102 = arith.constant 0 : i32
      %dma_start3A_103 = arith.constant 0 : i32
      %dma_start3A_104 = tpu.memref_slice %arg3[%arg0, %add3A_54, %dma_start3A_102, %dma_start3A_103] : memref<2x32x40x128xi32, #tpu.memory_space<hbm>> -> memref<1x1x40x128xi32, #tpu.memory_space<hbm>>
      %dma_start3A_105 = tpu.memref_squeeze %dma_start3A_104 : memref<1x1x40x128xi32, #tpu.memory_space<hbm>> -> memref<40x128xi32, #tpu.memory_space<hbm>>
      %dma_start3A_106 = arith.constant 0 : i32
      %dma_start3A_107 = arith.constant 0 : i32
      %dma_start3A_108 = tpu.memref_slice %arg3[%arg0, %add3A_54, %dma_start3A_106, %dma_start3A_107] : memref<2x32x40x128xi32, #tpu.memory_space<hbm>> -> memref<1x1x40x128xi32, #tpu.memory_space<hbm>>
      %dma_start3A_109 = tpu.memref_squeeze %dma_start3A_108 : memref<1x1x40x128xi32, #tpu.memory_space<hbm>> -> memref<40x128xi32, #tpu.memory_space<hbm>>
      tpu.enqueue_dma source(%dma_start3A_109 : memref<40x128xi32, #tpu.memory_space<hbm>>) target(%arg6 : memref<40x128xi32, #tpu.memory_space<vmem>>) target_semaphore(%run_scoped3A : memref<!tpu.dma_semaphore, #tpu.memory_space<semaphore_mem>>)
      %dma_wait3A = arith.constant 0 : i32
      %dma_wait3A_110 = arith.constant 0 : i32
      %dma_wait3A_111 = tpu.memref_slice %arg3[%arg0, %add3A_54, %dma_wait3A, %dma_wait3A_110] : memref<2x32x40x128xi32, #tpu.memory_space<hbm>> -> memref<1x1x40x128xi32, #tpu.memory_space<hbm>>
      %dma_wait3A_112 = tpu.memref_squeeze %dma_wait3A_111 : memref<1x1x40x128xi32, #tpu.memory_space<hbm>> -> memref<40x128xi32, #tpu.memory_space<hbm>>
      %dma_wait3A_113 = arith.constant 0 : i32
      %dma_wait3A_114 = arith.constant 0 : i32
      %dma_wait3A_115 = tpu.memref_slice %arg3[%arg0, %add3A_54, %dma_wait3A_113, %dma_wait3A_114] : memref<2x32x40x128xi32, #tpu.memory_space<hbm>> -> memref<1x1x40x128xi32, #tpu.memory_space<hbm>>
      %dma_wait3A_116 = tpu.memref_squeeze %dma_wait3A_115 : memref<1x1x40x128xi32, #tpu.memory_space<hbm>> -> memref<40x128xi32, #tpu.memory_space<hbm>>
      tpu.wait_dma2 semaphore(%run_scoped3A : memref<!tpu.dma_semaphore, #tpu.memory_space<semaphore_mem>>) src(%dma_wait3A_116 : memref<40x128xi32, #tpu.memory_space<hbm>>) dst(%arg6 : memref<40x128xi32, #tpu.memory_space<vmem>>)
      tpu.yield
    }) : () -> ()
    %dma_start3A_55 = arith.constant 0 : i32
    %dma_start3A_56 = arith.constant 0 : i32
    %dma_start3A_57 = arith.constant 0 : i32
    %dma_start3A_58 = tpu.memref_slice %arg8[%dma_start3A_56, %dma_start3A_57] : memref<128x128xf32, #tpu.memory_space<vmem>> -> memref<64x128xf32, #tpu.memory_space<vmem>>
    %dma_start3A_59 = arith.constant 0 : i32
    %dma_start3A_60 = tpu.memref_slice %arg6[%dma_start3A_55, %dma_start3A_59] : memref<40x128xi32, #tpu.memory_space<vmem>> -> memref<1x64xi32, #tpu.memory_space<vmem>>
    %dma_start3A_61 = tpu.memref_squeeze %dma_start3A_60 : memref<1x64xi32, #tpu.memory_space<vmem>> -> memref<64xi32, #tpu.memory_space<vmem>>
    %dma_start3A_62 = arith.constant 0 : i32
    %dma_start3A_63 = arith.constant 0 : i32
    %dma_start3A_64 = tpu.memref_slice %arg2[%dma_start3A_62, %dma_start3A_63] : memref<20480x128xf32, #tpu.memory_space<hbm>> -> memref<20480x128xf32, #tpu.memory_space<hbm>>
    tpu.enqueue_indirect_dma source(%dma_start3A_64 : memref<20480x128xf32, #tpu.memory_space<hbm>>) target(%dma_start3A_58 : memref<64x128xf32, #tpu.memory_space<vmem>>) offsets(%dma_start3A_61 : memref<64xi32, #tpu.memory_space<vmem>>) semaphore(%arg11 : memref<!tpu.dma_semaphore, #tpu.memory_space<semaphore_mem>>)
    %dma_start3A_65 = arith.constant 0 : i32
    %dma_start3A_66 = arith.constant 64 : i32
    %dma_start3A_67 = arith.constant 0 : i32
    %dma_start3A_68 = tpu.memref_slice %arg8[%dma_start3A_66, %dma_start3A_67] : memref<128x128xf32, #tpu.memory_space<vmem>> -> memref<64x128xf32, #tpu.memory_space<vmem>>
    %dma_start3A_69 = arith.constant 64 : i32
    %dma_start3A_70 = tpu.memref_slice %arg6[%dma_start3A_65, %dma_start3A_69] : memref<40x128xi32, #tpu.memory_space<vmem>> -> memref<1x64xi32, #tpu.memory_space<vmem>>
    %dma_start3A_71 = tpu.memref_squeeze %dma_start3A_70 : memref<1x64xi32, #tpu.memory_space<vmem>> -> memref<64xi32, #tpu.memory_space<vmem>>
    %dma_start3A_72 = arith.constant 0 : i32
    %dma_start3A_73 = arith.constant 0 : i32
    %dma_start3A_74 = tpu.memref_slice %arg2[%dma_start3A_72, %dma_start3A_73] : memref<20480x128xf32, #tpu.memory_space<hbm>> -> memref<20480x128xf32, #tpu.memory_space<hbm>>
    tpu.enqueue_indirect_dma source(%dma_start3A_74 : memref<20480x128xf32, #tpu.memory_space<hbm>>) target(%dma_start3A_68 : memref<64x128xf32, #tpu.memory_space<vmem>>) offsets(%dma_start3A_71 : memref<64xi32, #tpu.memory_space<vmem>>) semaphore(%arg11 : memref<!tpu.dma_semaphore, #tpu.memory_space<semaphore_mem>>)
    %dma_start3A_75 = arith.constant 1 : i32
    %dma_start3A_76 = arith.constant 0 : i32
    %dma_start3A_77 = arith.constant 0 : i32
    %dma_start3A_78 = tpu.memref_slice %arg9[%dma_start3A_76, %dma_start3A_77] : memref<128x128xf32, #tpu.memory_space<vmem>> -> memref<64x128xf32, #tpu.memory_space<vmem>>
    %dma_start3A_79 = arith.constant 0 : i32
    %dma_start3A_80 = tpu.memref_slice %arg6[%dma_start3A_75, %dma_start3A_79] : memref<40x128xi32, #tpu.memory_space<vmem>> -> memref<1x64xi32, #tpu.memory_space<vmem>>
    %dma_start3A_81 = tpu.memref_squeeze %dma_start3A_80 : memref<1x64xi32, #tpu.memory_space<vmem>> -> memref<64xi32, #tpu.memory_space<vmem>>
    %dma_start3A_82 = arith.constant 0 : i32
    %dma_start3A_83 = arith.constant 0 : i32
    %dma_start3A_84 = tpu.memref_slice %arg2[%dma_start3A_82, %dma_start3A_83] : memref<20480x128xf32, #tpu.memory_space<hbm>> -> memref<20480x128xf32, #tpu.memory_space<hbm>>
    tpu.enqueue_indirect_dma source(%dma_start3A_84 : memref<20480x128xf32, #tpu.memory_space<hbm>>) target(%dma_start3A_78 : memref<64x128xf32, #tpu.memory_space<vmem>>) offsets(%dma_start3A_81 : memref<64xi32, #tpu.memory_space<vmem>>) semaphore(%arg12 : memref<!tpu.dma_semaphore, #tpu.memory_space<semaphore_mem>>)
    %dma_start3A_85 = arith.constant 1 : i32
    %dma_start3A_86 = arith.constant 64 : i32
    %dma_start3A_87 = arith.constant 0 : i32
    %dma_start3A_88 = tpu.memref_slice %arg9[%dma_start3A_86, %dma_start3A_87] : memref<128x128xf32, #tpu.memory_space<vmem>> -> memref<64x128xf32, #tpu.memory_space<vmem>>
    %dma_start3A_89 = arith.constant 64 : i32
    %dma_start3A_90 = tpu.memref_slice %arg6[%dma_start3A_85, %dma_start3A_89] : memref<40x128xi32, #tpu.memory_space<vmem>> -> memref<1x64xi32, #tpu.memory_space<vmem>>
    %dma_start3A_91 = tpu.memref_squeeze %dma_start3A_90 : memref<1x64xi32, #tpu.memory_space<vmem>> -> memref<64xi32, #tpu.memory_space<vmem>>
    %dma_start3A_92 = arith.constant 0 : i32
    %dma_start3A_93 = arith.constant 0 : i32
    %dma_start3A_94 = tpu.memref_slice %arg2[%dma_start3A_92, %dma_start3A_93] : memref<20480x128xf32, #tpu.memory_space<hbm>> -> memref<20480x128xf32, #tpu.memory_space<hbm>>
    tpu.enqueue_indirect_dma source(%dma_start3A_94 : memref<20480x128xf32, #tpu.memory_space<hbm>>) target(%dma_start3A_88 : memref<64x128xf32, #tpu.memory_space<vmem>>) offsets(%dma_start3A_91 : memref<64xi32, #tpu.memory_space<vmem>>) semaphore(%arg12 : memref<!tpu.dma_semaphore, #tpu.memory_space<semaphore_mem>>)
    %scan3A_95 = arith.constant 0 : i32
    %scan3A_96 = arith.constant 0 : i32
    %scan3A_97 = arith.constant 20 : i32
    %scan3A_98 = arith.addi %scan3A_96, %scan3A_97 : i32
    %scan3A_99 = arith.constant 1 : i32
    scf.for %scan3A_102 = %scan3A_96 to %scan3A_98 step %scan3A_99  : i32 {
      %mul3A_103 = arith.constant 2 : i32
      %mul3A_104 = arith.muli %scan3A_102, %mul3A_103 : i32
      %add3A_105 = arith.constant 0 : i32
      %add3A_106 = arith.addi %mul3A_104, %add3A_105 : i32
      %dma_wait3A = arith.constant 0 : i32
      %dma_wait3A_107 = arith.constant 0 : i32
      %dma_wait3A_108 = tpu.memref_slice %arg8[%dma_wait3A, %dma_wait3A_107] : memref<128x128xf32, #tpu.memory_space<vmem>> -> memref<64x128xf32, #tpu.memory_space<vmem>>
      %dma_wait3A_109 = arith.constant 0 : i32
      %dma_wait3A_110 = tpu.memref_slice %arg6[%add3A_106, %dma_wait3A_109] : memref<40x128xi32, #tpu.memory_space<vmem>> -> memref<1x64xi32, #tpu.memory_space<vmem>>
      %dma_wait3A_111 = tpu.memref_squeeze %dma_wait3A_110 : memref<1x64xi32, #tpu.memory_space<vmem>> -> memref<64xi32, #tpu.memory_space<vmem>>
      %dma_wait3A_112 = arith.constant 0 : i32
      %dma_wait3A_113 = arith.constant 0 : i32
      %dma_wait3A_114 = tpu.memref_slice %arg2[%dma_wait3A_112, %dma_wait3A_113] : memref<20480x128xf32, #tpu.memory_space<hbm>> -> memref<20480x128xf32, #tpu.memory_space<hbm>>
      tpu.wait_indirect_dma semaphore(%arg11 : memref<!tpu.dma_semaphore, #tpu.memory_space<semaphore_mem>>) src(%dma_wait3A_114 : memref<20480x128xf32, #tpu.memory_space<hbm>>) dst(%dma_wait3A_108 : memref<64x128xf32, #tpu.memory_space<vmem>>)
      %dma_wait3A_115 = arith.constant 64 : i32
      %dma_wait3A_116 = arith.constant 0 : i32
      %dma_wait3A_117 = tpu.memref_slice %arg8[%dma_wait3A_115, %dma_wait3A_116] : memref<128x128xf32, #tpu.memory_space<vmem>> -> memref<64x128xf32, #tpu.memory_space<vmem>>
      %dma_wait3A_118 = arith.constant 64 : i32
      %dma_wait3A_119 = tpu.memref_slice %arg6[%add3A_106, %dma_wait3A_118] : memref<40x128xi32, #tpu.memory_space<vmem>> -> memref<1x64xi32, #tpu.memory_space<vmem>>
      %dma_wait3A_120 = tpu.memref_squeeze %dma_wait3A_119 : memref<1x64xi32, #tpu.memory_space<vmem>> -> memref<64xi32, #tpu.memory_space<vmem>>
      %dma_wait3A_121 = arith.constant 0 : i32
      %dma_wait3A_122 = arith.constant 0 : i32
      %dma_wait3A_123 = tpu.memref_slice %arg2[%dma_wait3A_121, %dma_wait3A_122] : memref<20480x128xf32, #tpu.memory_space<hbm>> -> memref<20480x128xf32, #tpu.memory_space<hbm>>
      tpu.wait_indirect_dma semaphore(%arg11 : memref<!tpu.dma_semaphore, #tpu.memory_space<semaphore_mem>>) src(%dma_wait3A_123 : memref<20480x128xf32, #tpu.memory_space<hbm>>) dst(%dma_wait3A_117 : memref<64x128xf32, #tpu.memory_space<vmem>>)
      %add3A_124 = arith.constant 40 : i32
      %add3A_125 = arith.addi %add3A_124, %add3A_106 : i32
      "tpu.region"() ({
        %run_scoped3A = tpu.sem_alloc : memref<!tpu.dma_semaphore, #tpu.memory_space<semaphore_mem>>
        %dma_start3A_161 = arith.constant 0 : i32
        %dma_start3A_162 = tpu.memref_slice %arg7[%add3A_125, %dma_start3A_161] : memref<80x128xi32, #tpu.memory_space<vmem>> -> memref<1x128xi32, #tpu.memory_space<vmem>>
        %dma_start3A_163 = tpu.memref_squeeze %dma_start3A_162 : memref<1x128xi32, #tpu.memory_space<vmem>> -> memref<128xi32, #tpu.memory_space<vmem>>
        %dma_start3A_164 = arith.constant 0 : i32
        %dma_start3A_165 = arith.constant 0 : i32
        %dma_start3A_166 = tpu.memref_slice %arg10[%dma_start3A_164, %dma_start3A_165] : memref<10240x128xf32, #tpu.memory_space<vmem_shared>> -> memref<10240x128xf32, #tpu.memory_space<vmem_shared>>
        tpu.enqueue_indirect_dma source(%arg8 : memref<128x128xf32, #tpu.memory_space<vmem>>) target(%dma_start3A_166 : memref<10240x128xf32, #tpu.memory_space<vmem_shared>>) offsets(%dma_start3A_163 : memref<128xi32, #tpu.memory_space<vmem>>) semaphore(%run_scoped3A : memref<!tpu.dma_semaphore, #tpu.memory_space<semaphore_mem>>) {add = true}
        %dma_wait3A_167 = arith.constant 0 : i32
        %dma_wait3A_168 = tpu.memref_slice %arg7[%add3A_125, %dma_wait3A_167] : memref<80x128xi32, #tpu.memory_space<vmem>> -> memref<1x128xi32, #tpu.memory_space<vmem>>
        %dma_wait3A_169 = tpu.memref_squeeze %dma_wait3A_168 : memref<1x128xi32, #tpu.memory_space<vmem>> -> memref<128xi32, #tpu.memory_space<vmem>>
        %dma_wait3A_170 = arith.constant 0 : i32
        %dma_wait3A_171 = arith.constant 0 : i32
        %dma_wait3A_172 = tpu.memref_slice %arg10[%dma_wait3A_170, %dma_wait3A_171] : memref<10240x128xf32, #tpu.memory_space<vmem_shared>> -> memref<10240x128xf32, #tpu.memory_space<vmem_shared>>
        tpu.wait_indirect_dma semaphore(%run_scoped3A : memref<!tpu.dma_semaphore, #tpu.memory_space<semaphore_mem>>) src(%arg8 : memref<128x128xf32, #tpu.memory_space<vmem>>) dst(%dma_wait3A_172 : memref<10240x128xf32, #tpu.memory_space<vmem_shared>>)
        tpu.yield
      }) : () -> ()
      %add3A_126 = arith.constant 2 : i32
      %add3A_127 = arith.addi %add3A_106, %add3A_126 : i32
      %lt3A = arith.constant 40 : i32
      %lt3A_128 = arith.cmpi slt, %add3A_127, %lt3A : i32
      %convert_element_type3A = arith.extui %lt3A_128 : i1 to i32
      %cond3A = arith.constant 0 : i32
      %cond3A_129 = arith.cmpi ne, %convert_element_type3A, %cond3A : i32
      scf.if %cond3A_129 {
        %add3A_161 = arith.constant 2 : i32
        %add3A_162 = arith.addi %add3A_106, %add3A_161 : i32
        %dma_start3A_163 = arith.constant 0 : i32
        %dma_start3A_164 = arith.constant 0 : i32
        %dma_start3A_165 = tpu.memref_slice %arg8[%dma_start3A_163, %dma_start3A_164] : memref<128x128xf32, #tpu.memory_space<vmem>> -> memref<64x128xf32, #tpu.memory_space<vmem>>
        %dma_start3A_166 = arith.constant 0 : i32
        %dma_start3A_167 = tpu.memref_slice %arg6[%add3A_162, %dma_start3A_166] : memref<40x128xi32, #tpu.memory_space<vmem>> -> memref<1x64xi32, #tpu.memory_space<vmem>>
        %dma_start3A_168 = tpu.memref_squeeze %dma_start3A_167 : memref<1x64xi32, #tpu.memory_space<vmem>> -> memref<64xi32, #tpu.memory_space<vmem>>
        %dma_start3A_169 = arith.constant 0 : i32
        %dma_start3A_170 = arith.constant 0 : i32
        %dma_start3A_171 = tpu.memref_slice %arg2[%dma_start3A_169, %dma_start3A_170] : memref<20480x128xf32, #tpu.memory_space<hbm>> -> memref<20480x128xf32, #tpu.memory_space<hbm>>
        tpu.enqueue_indirect_dma source(%dma_start3A_171 : memref<20480x128xf32, #tpu.memory_space<hbm>>) target(%dma_start3A_165 : memref<64x128xf32, #tpu.memory_space<vmem>>) offsets(%dma_start3A_168 : memref<64xi32, #tpu.memory_space<vmem>>) semaphore(%arg11 : memref<!tpu.dma_semaphore, #tpu.memory_space<semaphore_mem>>)
        %add3A_172 = arith.constant 2 : i32
        %add3A_173 = arith.addi %add3A_106, %add3A_172 : i32
        %dma_start3A_174 = arith.constant 64 : i32
        %dma_start3A_175 = arith.constant 0 : i32
        %dma_start3A_176 = tpu.memref_slice %arg8[%dma_start3A_174, %dma_start3A_175] : memref<128x128xf32, #tpu.memory_space<vmem>> -> memref<64x128xf32, #tpu.memory_space<vmem>>
        %dma_start3A_177 = arith.constant 64 : i32
        %dma_start3A_178 = tpu.memref_slice %arg6[%add3A_173, %dma_start3A_177] : memref<40x128xi32, #tpu.memory_space<vmem>> -> memref<1x64xi32, #tpu.memory_space<vmem>>
        %dma_start3A_179 = tpu.memref_squeeze %dma_start3A_178 : memref<1x64xi32, #tpu.memory_space<vmem>> -> memref<64xi32, #tpu.memory_space<vmem>>
        %dma_start3A_180 = arith.constant 0 : i32
        %dma_start3A_181 = arith.constant 0 : i32
        %dma_start3A_182 = tpu.memref_slice %arg2[%dma_start3A_180, %dma_start3A_181] : memref<20480x128xf32, #tpu.memory_space<hbm>> -> memref<20480x128xf32, #tpu.memory_space<hbm>>
        tpu.enqueue_indirect_dma source(%dma_start3A_182 : memref<20480x128xf32, #tpu.memory_space<hbm>>) target(%dma_start3A_176 : memref<64x128xf32, #tpu.memory_space<vmem>>) offsets(%dma_start3A_179 : memref<64xi32, #tpu.memory_space<vmem>>) semaphore(%arg11 : memref<!tpu.dma_semaphore, #tpu.memory_space<semaphore_mem>>)
      } else {
      }
      %mul3A_130 = arith.constant 2 : i32
      %mul3A_131 = arith.muli %scan3A_102, %mul3A_130 : i32
      %add3A_132 = arith.constant 1 : i32
      %add3A_133 = arith.addi %mul3A_131, %add3A_132 : i32
      %dma_wait3A_134 = arith.constant 0 : i32
      %dma_wait3A_135 = arith.constant 0 : i32
      %dma_wait3A_136 = tpu.memref_slice %arg9[%dma_wait3A_134, %dma_wait3A_135] : memref<128x128xf32, #tpu.memory_space<vmem>> -> memref<64x128xf32, #tpu.memory_space<vmem>>
      %dma_wait3A_137 = arith.constant 0 : i32
      %dma_wait3A_138 = tpu.memref_slice %arg6[%add3A_133, %dma_wait3A_137] : memref<40x128xi32, #tpu.memory_space<vmem>> -> memref<1x64xi32, #tpu.memory_space<vmem>>
      %dma_wait3A_139 = tpu.memref_squeeze %dma_wait3A_138 : memref<1x64xi32, #tpu.memory_space<vmem>> -> memref<64xi32, #tpu.memory_space<vmem>>
      %dma_wait3A_140 = arith.constant 0 : i32
      %dma_wait3A_141 = arith.constant 0 : i32
      %dma_wait3A_142 = tpu.memref_slice %arg2[%dma_wait3A_140, %dma_wait3A_141] : memref<20480x128xf32, #tpu.memory_space<hbm>> -> memref<20480x128xf32, #tpu.memory_space<hbm>>
      tpu.wait_indirect_dma semaphore(%arg12 : memref<!tpu.dma_semaphore, #tpu.memory_space<semaphore_mem>>) src(%dma_wait3A_142 : memref<20480x128xf32, #tpu.memory_space<hbm>>) dst(%dma_wait3A_136 : memref<64x128xf32, #tpu.memory_space<vmem>>)
      %dma_wait3A_143 = arith.constant 64 : i32
      %dma_wait3A_144 = arith.constant 0 : i32
      %dma_wait3A_145 = tpu.memref_slice %arg9[%dma_wait3A_143, %dma_wait3A_144] : memref<128x128xf32, #tpu.memory_space<vmem>> -> memref<64x128xf32, #tpu.memory_space<vmem>>
      %dma_wait3A_146 = arith.constant 64 : i32
      %dma_wait3A_147 = tpu.memref_slice %arg6[%add3A_133, %dma_wait3A_146] : memref<40x128xi32, #tpu.memory_space<vmem>> -> memref<1x64xi32, #tpu.memory_space<vmem>>
      %dma_wait3A_148 = tpu.memref_squeeze %dma_wait3A_147 : memref<1x64xi32, #tpu.memory_space<vmem>> -> memref<64xi32, #tpu.memory_space<vmem>>
      %dma_wait3A_149 = arith.constant 0 : i32
      %dma_wait3A_150 = arith.constant 0 : i32
      %dma_wait3A_151 = tpu.memref_slice %arg2[%dma_wait3A_149, %dma_wait3A_150] : memref<20480x128xf32, #tpu.memory_space<hbm>> -> memref<20480x128xf32, #tpu.memory_space<hbm>>
      tpu.wait_indirect_dma semaphore(%arg12 : memref<!tpu.dma_semaphore, #tpu.memory_space<semaphore_mem>>) src(%dma_wait3A_151 : memref<20480x128xf32, #tpu.memory_space<hbm>>) dst(%dma_wait3A_145 : memref<64x128xf32, #tpu.memory_space<vmem>>)
      %add3A_152 = arith.constant 40 : i32
      %add3A_153 = arith.addi %add3A_152, %add3A_133 : i32
      "tpu.region"() ({
        %run_scoped3A = tpu.sem_alloc : memref<!tpu.dma_semaphore, #tpu.memory_space<semaphore_mem>>
        %dma_start3A_161 = arith.constant 0 : i32
        %dma_start3A_162 = tpu.memref_slice %arg7[%add3A_153, %dma_start3A_161] : memref<80x128xi32, #tpu.memory_space<vmem>> -> memref<1x128xi32, #tpu.memory_space<vmem>>
        %dma_start3A_163 = tpu.memref_squeeze %dma_start3A_162 : memref<1x128xi32, #tpu.memory_space<vmem>> -> memref<128xi32, #tpu.memory_space<vmem>>
        %dma_start3A_164 = arith.constant 0 : i32
        %dma_start3A_165 = arith.constant 0 : i32
        %dma_start3A_166 = tpu.memref_slice %arg10[%dma_start3A_164, %dma_start3A_165] : memref<10240x128xf32, #tpu.memory_space<vmem_shared>> -> memref<10240x128xf32, #tpu.memory_space<vmem_shared>>
        tpu.enqueue_indirect_dma source(%arg9 : memref<128x128xf32, #tpu.memory_space<vmem>>) target(%dma_start3A_166 : memref<10240x128xf32, #tpu.memory_space<vmem_shared>>) offsets(%dma_start3A_163 : memref<128xi32, #tpu.memory_space<vmem>>) semaphore(%run_scoped3A : memref<!tpu.dma_semaphore, #tpu.memory_space<semaphore_mem>>) {add = true}
        %dma_wait3A_167 = arith.constant 0 : i32
        %dma_wait3A_168 = tpu.memref_slice %arg7[%add3A_153, %dma_wait3A_167] : memref<80x128xi32, #tpu.memory_space<vmem>> -> memref<1x128xi32, #tpu.memory_space<vmem>>
        %dma_wait3A_169 = tpu.memref_squeeze %dma_wait3A_168 : memref<1x128xi32, #tpu.memory_space<vmem>> -> memref<128xi32, #tpu.memory_space<vmem>>
        %dma_wait3A_170 = arith.constant 0 : i32
        %dma_wait3A_171 = arith.constant 0 : i32
        %dma_wait3A_172 = tpu.memref_slice %arg10[%dma_wait3A_170, %dma_wait3A_171] : memref<10240x128xf32, #tpu.memory_space<vmem_shared>> -> memref<10240x128xf32, #tpu.memory_space<vmem_shared>>
        tpu.wait_indirect_dma semaphore(%run_scoped3A : memref<!tpu.dma_semaphore, #tpu.memory_space<semaphore_mem>>) src(%arg9 : memref<128x128xf32, #tpu.memory_space<vmem>>) dst(%dma_wait3A_172 : memref<10240x128xf32, #tpu.memory_space<vmem_shared>>)
        tpu.yield
      }) : () -> ()
      %add3A_154 = arith.constant 2 : i32
      %add3A_155 = arith.addi %add3A_133, %add3A_154 : i32
      %lt3A_156 = arith.constant 40 : i32
      %lt3A_157 = arith.cmpi slt, %add3A_155, %lt3A_156 : i32
      %convert_element_type3A_158 = arith.extui %lt3A_157 : i1 to i32
      %cond3A_159 = arith.constant 0 : i32
      %cond3A_160 = arith.cmpi ne, %convert_element_type3A_158, %cond3A_159 : i32
      scf.if %cond3A_160 {
        %add3A_161 = arith.constant 2 : i32
        %add3A_162 = arith.addi %add3A_133, %add3A_161 : i32
        %dma_start3A_163 = arith.constant 0 : i32
        %dma_start3A_164 = arith.constant 0 : i32
        %dma_start3A_165 = tpu.memref_slice %arg9[%dma_start3A_163, %dma_start3A_164] : memref<128x128xf32, #tpu.memory_space<vmem>> -> memref<64x128xf32, #tpu.memory_space<vmem>>
        %dma_start3A_166 = arith.constant 0 : i32
        %dma_start3A_167 = tpu.memref_slice %arg6[%add3A_162, %dma_start3A_166] : memref<40x128xi32, #tpu.memory_space<vmem>> -> memref<1x64xi32, #tpu.memory_space<vmem>>
        %dma_start3A_168 = tpu.memref_squeeze %dma_start3A_167 : memref<1x64xi32, #tpu.memory_space<vmem>> -> memref<64xi32, #tpu.memory_space<vmem>>
        %dma_start3A_169 = arith.constant 0 : i32
        %dma_start3A_170 = arith.constant 0 : i32
        %dma_start3A_171 = tpu.memref_slice %arg2[%dma_start3A_169, %dma_start3A_170] : memref<20480x128xf32, #tpu.memory_space<hbm>> -> memref<20480x128xf32, #tpu.memory_space<hbm>>
        tpu.enqueue_indirect_dma source(%dma_start3A_171 : memref<20480x128xf32, #tpu.memory_space<hbm>>) target(%dma_start3A_165 : memref<64x128xf32, #tpu.memory_space<vmem>>) offsets(%dma_start3A_168 : memref<64xi32, #tpu.memory_space<vmem>>) semaphore(%arg12 : memref<!tpu.dma_semaphore, #tpu.memory_space<semaphore_mem>>)
        %add3A_172 = arith.constant 2 : i32
        %add3A_173 = arith.addi %add3A_133, %add3A_172 : i32
        %dma_start3A_174 = arith.constant 64 : i32
        %dma_start3A_175 = arith.constant 0 : i32
        %dma_start3A_176 = tpu.memref_slice %arg9[%dma_start3A_174, %dma_start3A_175] : memref<128x128xf32, #tpu.memory_space<vmem>> -> memref<64x128xf32, #tpu.memory_space<vmem>>
        %dma_start3A_177 = arith.constant 64 : i32
        %dma_start3A_178 = tpu.memref_slice %arg6[%add3A_173, %dma_start3A_177] : memref<40x128xi32, #tpu.memory_space<vmem>> -> memref<1x64xi32, #tpu.memory_space<vmem>>
        %dma_start3A_179 = tpu.memref_squeeze %dma_start3A_178 : memref<1x64xi32, #tpu.memory_space<vmem>> -> memref<64xi32, #tpu.memory_space<vmem>>
        %dma_start3A_180 = arith.constant 0 : i32
        %dma_start3A_181 = arith.constant 0 : i32
        %dma_start3A_182 = tpu.memref_slice %arg2[%dma_start3A_180, %dma_start3A_181] : memref<20480x128xf32, #tpu.memory_space<hbm>> -> memref<20480x128xf32, #tpu.memory_space<hbm>>
        tpu.enqueue_indirect_dma source(%dma_start3A_182 : memref<20480x128xf32, #tpu.memory_space<hbm>>) target(%dma_start3A_176 : memref<64x128xf32, #tpu.memory_space<vmem>>) offsets(%dma_start3A_179 : memref<64xi32, #tpu.memory_space<vmem>>) semaphore(%arg12 : memref<!tpu.dma_semaphore, #tpu.memory_space<semaphore_mem>>)
      } else {
      }
    }
    %scan3A_100 = arith.constant 20 : i32
    %barrier3A_101 = arith.constant 0 : index
    tpu.barrier barrier_id(%barrier3A_101)
    "tpu.region"() ({
      %run_scoped3A = tpu.sem_alloc : memref<!tpu.dma_semaphore, #tpu.memory_space<semaphore_mem>>
      %dma_start3A_102 = arith.constant 0 : i32
      %dma_start3A_103 = tpu.memref_slice %arg5[%arg0, %mul3A_0, %dma_start3A_102] : memref<2x10240x128xf32, #tpu.memory_space<hbm>> -> memref<1x640x128xf32, #tpu.memory_space<hbm>>
      %dma_start3A_104 = tpu.memref_squeeze %dma_start3A_103 : memref<1x640x128xf32, #tpu.memory_space<hbm>> -> memref<640x128xf32, #tpu.memory_space<hbm>>
      %dma_start3A_105 = arith.constant 0 : i32
      %dma_start3A_106 = tpu.memref_slice %arg10[%mul3A_0, %dma_start3A_105] : memref<10240x128xf32, #tpu.memory_space<vmem_shared>> -> memref<640x128xf32, #tpu.memory_space<vmem_shared>>
      tpu.enqueue_dma source(%dma_start3A_106 : memref<640x128xf32, #tpu.memory_space<vmem_shared>>) target(%dma_start3A_104 : memref<640x128xf32, #tpu.memory_space<hbm>>) target_semaphore(%run_scoped3A : memref<!tpu.dma_semaphore, #tpu.memory_space<semaphore_mem>>)
      %dma_wait3A = arith.constant 0 : i32
      %dma_wait3A_107 = tpu.memref_slice %arg5[%arg0, %mul3A_0, %dma_wait3A] : memref<2x10240x128xf32, #tpu.memory_space<hbm>> -> memref<1x640x128xf32, #tpu.memory_space<hbm>>
      %dma_wait3A_108 = tpu.memref_squeeze %dma_wait3A_107 : memref<1x640x128xf32, #tpu.memory_space<hbm>> -> memref<640x128xf32, #tpu.memory_space<hbm>>
      %dma_wait3A_109 = arith.constant 0 : i32
      %dma_wait3A_110 = tpu.memref_slice %arg10[%mul3A_0, %dma_wait3A_109] : memref<10240x128xf32, #tpu.memory_space<vmem_shared>> -> memref<640x128xf32, #tpu.memory_space<vmem_shared>>
      tpu.wait_dma2 semaphore(%run_scoped3A : memref<!tpu.dma_semaphore, #tpu.memory_space<semaphore_mem>>) src(%dma_wait3A_110 : memref<640x128xf32, #tpu.memory_space<vmem_shared>>) dst(%dma_wait3A_108 : memref<640x128xf32, #tpu.memory_space<hbm>>)
      tpu.yield
    }) : () -> ()
    return
  }
}

#map = affine_map<(d0, d1) -> (0, 0)>
#map1 = affine_map<(d0, d1) -> (0, 0, 0, 0)>
#map2 = affine_map<(d0, d1) -> (0, 0, 0)>
module attributes {stable_mosaic.version = 14 : i64} {
  func.func @_prop_body(%arg0: i32, %arg1: i32, %arg2: memref<20480x128xf32, #tpu.memory_space<hbm>>, %arg3: memref<2x32x40x128xi32, #tpu.memory_space<hbm>>, %arg4: memref<16x80x128xi32, #tpu.memory_space<hbm>>, %arg5: memref<2x10240x128xf32, #tpu.memory_space<hbm>>, %arg6: memref<40x128xi32, #tpu.memory_space<vmem>>, %arg7: memref<80x128xi32, #tpu.memory_space<vmem>>, %arg8: memref<128x128xf32, #tpu.memory_space<vmem>>, %arg9: memref<128x128xf32, #tpu.memory_space<vmem>>, %arg10: memref<10240x128xf32, #tpu.memory_space<vmem_shared>>, %arg11: memref<!tpu.dma_semaphore, #tpu.memory_space<semaphore_mem>>, %arg12: memref<!tpu.dma_semaphore, #tpu.memory_space<semaphore_mem>>) attributes {dimension_semantics = [#tpu.dimension_semantics<core_parallel>, #tpu.dimension_semantics<subcore_parallel>], iteration_bounds = array<i64: 2, 16>, scalar_prefetch = 0 : i64, scratch_operands = 7 : i64, tpu.core_type = #tpu.core_type<sc_vector_subcore>, window_params = [{transform_indices = #map}, {transform_indices = #map1}, {transform_indices = #map2}, {transform_indices = #map2}]} {
    "tpu.region"() ({
      %run_scoped3A = tpu.sem_alloc : memref<!tpu.dma_semaphore, #tpu.memory_space<semaphore_mem>>
      %dma_start3A_102 = arith.constant 0 : i32
      %dma_start3A_103 = arith.constant 0 : i32
      %dma_start3A_104 = tpu.memref_slice %arg4[%arg1, %dma_start3A_102, %dma_start3A_103] : memref<16x80x128xi32, #tpu.memory_space<hbm>> -> memref<1x80x128xi32, #tpu.memory_space<hbm>>
      %dma_start3A_105 = tpu.memref_squeeze %dma_start3A_104 : memref<1x80x128xi32, #tpu.memory_space<hbm>> -> memref<80x128xi32, #tpu.memory_space<hbm>>
      %dma_start3A_106 = arith.constant 0 : i32
      %dma_start3A_107 = arith.constant 0 : i32
      %dma_start3A_108 = tpu.memref_slice %arg4[%arg1, %dma_start3A_106, %dma_start3A_107] : memref<16x80x128xi32, #tpu.memory_space<hbm>> -> memref<1x80x128xi32, #tpu.memory_space<hbm>>
      %dma_start3A_109 = tpu.memref_squeeze %dma_start3A_108 : memref<1x80x128xi32, #tpu.memory_space<hbm>> -> memref<80x128xi32, #tpu.memory_space<hbm>>
      tpu.enqueue_dma source(%dma_start3A_109 : memref<80x128xi32, #tpu.memory_space<hbm>>) target(%arg7 : memref<80x128xi32, #tpu.memory_space<vmem>>) target_semaphore(%run_scoped3A : memref<!tpu.dma_semaphore, #tpu.memory_space<semaphore_mem>>)
      %dma_wait3A = arith.constant 0 : i32
      %dma_wait3A_110 = arith.constant 0 : i32
      %dma_wait3A_111 = tpu.memref_slice %arg4[%arg1, %dma_wait3A, %dma_wait3A_110] : memref<16x80x128xi32, #tpu.memory_space<hbm>> -> memref<1x80x128xi32, #tpu.memory_space<hbm>>
      %dma_wait3A_112 = tpu.memref_squeeze %dma_wait3A_111 : memref<1x80x128xi32, #tpu.memory_space<hbm>> -> memref<80x128xi32, #tpu.memory_space<hbm>>
      %dma_wait3A_113 = arith.constant 0 : i32
      %dma_wait3A_114 = arith.constant 0 : i32
      %dma_wait3A_115 = tpu.memref_slice %arg4[%arg1, %dma_wait3A_113, %dma_wait3A_114] : memref<16x80x128xi32, #tpu.memory_space<hbm>> -> memref<1x80x128xi32, #tpu.memory_space<hbm>>
      %dma_wait3A_116 = tpu.memref_squeeze %dma_wait3A_115 : memref<1x80x128xi32, #tpu.memory_space<hbm>> -> memref<80x128xi32, #tpu.memory_space<hbm>>
      tpu.wait_dma2 semaphore(%run_scoped3A : memref<!tpu.dma_semaphore, #tpu.memory_space<semaphore_mem>>) src(%dma_wait3A_116 : memref<80x128xi32, #tpu.memory_space<hbm>>) dst(%arg7 : memref<80x128xi32, #tpu.memory_space<vmem>>)
      tpu.yield
    }) : () -> ()
    %mul3A = arith.constant 640 : i32
    %mul3A_0 = arith.muli %arg1, %mul3A : i32
    %mul3A_1 = arith.constant 10240 : i32
    %mul3A_2 = arith.muli %arg0, %mul3A_1 : i32
    %add3A = arith.addi %mul3A_2, %mul3A_0 : i32
    "tpu.region"() ({
      %run_scoped3A = tpu.sem_alloc : memref<!tpu.dma_semaphore, #tpu.memory_space<semaphore_mem>>
      %dma_start3A_102 = arith.constant 0 : i32
      %dma_start3A_103 = tpu.memref_slice %arg10[%mul3A_0, %dma_start3A_102] : memref<10240x128xf32, #tpu.memory_space<vmem_shared>> -> memref<640x128xf32, #tpu.memory_space<vmem_shared>>
      %dma_start3A_104 = arith.constant 0 : i32
      %dma_start3A_105 = tpu.memref_slice %arg2[%add3A, %dma_start3A_104] : memref<20480x128xf32, #tpu.memory_space<hbm>> -> memref<640x128xf32, #tpu.memory_space<hbm>>
      tpu.enqueue_dma source(%dma_start3A_105 : memref<640x128xf32, #tpu.memory_space<hbm>>) target(%dma_start3A_103 : memref<640x128xf32, #tpu.memory_space<vmem_shared>>) target_semaphore(%run_scoped3A : memref<!tpu.dma_semaphore, #tpu.memory_space<semaphore_mem>>)
      %dma_wait3A = arith.constant 0 : i32
      %dma_wait3A_106 = tpu.memref_slice %arg10[%mul3A_0, %dma_wait3A] : memref<10240x128xf32, #tpu.memory_space<vmem_shared>> -> memref<640x128xf32, #tpu.memory_space<vmem_shared>>
      %dma_wait3A_107 = arith.constant 0 : i32
      %dma_wait3A_108 = tpu.memref_slice %arg2[%add3A, %dma_wait3A_107] : memref<20480x128xf32, #tpu.memory_space<hbm>> -> memref<640x128xf32, #tpu.memory_space<hbm>>
      tpu.wait_dma2 semaphore(%run_scoped3A : memref<!tpu.dma_semaphore, #tpu.memory_space<semaphore_mem>>) src(%dma_wait3A_108 : memref<640x128xf32, #tpu.memory_space<hbm>>) dst(%dma_wait3A_106 : memref<640x128xf32, #tpu.memory_space<vmem_shared>>)
      tpu.yield
    }) : () -> ()
    %barrier3A = arith.constant 0 : index
    tpu.barrier barrier_id(%barrier3A)
    %mul3A_3 = arith.constant 2 : i32
    %mul3A_4 = arith.muli %arg1, %mul3A_3 : i32
    %add3A_5 = arith.constant 0 : i32
    %add3A_6 = arith.addi %mul3A_4, %add3A_5 : i32
    "tpu.region"() ({
      %run_scoped3A = tpu.sem_alloc : memref<!tpu.dma_semaphore, #tpu.memory_space<semaphore_mem>>
      %dma_start3A_102 = arith.constant 0 : i32
      %dma_start3A_103 = arith.constant 0 : i32
      %dma_start3A_104 = tpu.memref_slice %arg3[%arg0, %add3A_6, %dma_start3A_102, %dma_start3A_103] : memref<2x32x40x128xi32, #tpu.memory_space<hbm>> -> memref<1x1x40x128xi32, #tpu.memory_space<hbm>>
      %dma_start3A_105 = tpu.memref_squeeze %dma_start3A_104 : memref<1x1x40x128xi32, #tpu.memory_space<hbm>> -> memref<40x128xi32, #tpu.memory_space<hbm>>
      %dma_start3A_106 = arith.constant 0 : i32
      %dma_start3A_107 = arith.constant 0 : i32
      %dma_start3A_108 = tpu.memref_slice %arg3[%arg0, %add3A_6, %dma_start3A_106, %dma_start3A_107] : memref<2x32x40x128xi32, #tpu.memory_space<hbm>> -> memref<1x1x40x128xi32, #tpu.memory_space<hbm>>
      %dma_start3A_109 = tpu.memref_squeeze %dma_start3A_108 : memref<1x1x40x128xi32, #tpu.memory_space<hbm>> -> memref<40x128xi32, #tpu.memory_space<hbm>>
      tpu.enqueue_dma source(%dma_start3A_109 : memref<40x128xi32, #tpu.memory_space<hbm>>) target(%arg6 : memref<40x128xi32, #tpu.memory_space<vmem>>) target_semaphore(%run_scoped3A : memref<!tpu.dma_semaphore, #tpu.memory_space<semaphore_mem>>)
      %dma_wait3A = arith.constant 0 : i32
      %dma_wait3A_110 = arith.constant 0 : i32
      %dma_wait3A_111 = tpu.memref_slice %arg3[%arg0, %add3A_6, %dma_wait3A, %dma_wait3A_110] : memref<2x32x40x128xi32, #tpu.memory_space<hbm>> -> memref<1x1x40x128xi32, #tpu.memory_space<hbm>>
      %dma_wait3A_112 = tpu.memref_squeeze %dma_wait3A_111 : memref<1x1x40x128xi32, #tpu.memory_space<hbm>> -> memref<40x128xi32, #tpu.memory_space<hbm>>
      %dma_wait3A_113 = arith.constant 0 : i32
      %dma_wait3A_114 = arith.constant 0 : i32
      %dma_wait3A_115 = tpu.memref_slice %arg3[%arg0, %add3A_6, %dma_wait3A_113, %dma_wait3A_114] : memref<2x32x40x128xi32, #tpu.memory_space<hbm>> -> memref<1x1x40x128xi32, #tpu.memory_space<hbm>>
      %dma_wait3A_116 = tpu.memref_squeeze %dma_wait3A_115 : memref<1x1x40x128xi32, #tpu.memory_space<hbm>> -> memref<40x128xi32, #tpu.memory_space<hbm>>
      tpu.wait_dma2 semaphore(%run_scoped3A : memref<!tpu.dma_semaphore, #tpu.memory_space<semaphore_mem>>) src(%dma_wait3A_116 : memref<40x128xi32, #tpu.memory_space<hbm>>) dst(%arg6 : memref<40x128xi32, #tpu.memory_space<vmem>>)
      tpu.yield
    }) : () -> ()
    %dma_start3A = arith.constant 0 : i32
    %dma_start3A_7 = arith.constant 0 : i32
    %dma_start3A_8 = arith.constant 0 : i32
    %dma_start3A_9 = tpu.memref_slice %arg8[%dma_start3A_7, %dma_start3A_8] : memref<128x128xf32, #tpu.memory_space<vmem>> -> memref<64x128xf32, #tpu.memory_space<vmem>>
    %dma_start3A_10 = arith.constant 0 : i32
    %dma_start3A_11 = tpu.memref_slice %arg6[%dma_start3A, %dma_start3A_10] : memref<40x128xi32, #tpu.memory_space<vmem>> -> memref<1x64xi32, #tpu.memory_space<vmem>>
    %dma_start3A_12 = tpu.memref_squeeze %dma_start3A_11 : memref<1x64xi32, #tpu.memory_space<vmem>> -> memref<64xi32, #tpu.memory_space<vmem>>
    %dma_start3A_13 = arith.constant 0 : i32
    %dma_start3A_14 = arith.constant 0 : i32
    %dma_start3A_15 = tpu.memref_slice %arg2[%dma_start3A_13, %dma_start3A_14] : memref<20480x128xf32, #tpu.memory_space<hbm>> -> memref<20480x128xf32, #tpu.memory_space<hbm>>
    tpu.enqueue_indirect_dma source(%dma_start3A_15 : memref<20480x128xf32, #tpu.memory_space<hbm>>) target(%dma_start3A_9 : memref<64x128xf32, #tpu.memory_space<vmem>>) offsets(%dma_start3A_12 : memref<64xi32, #tpu.memory_space<vmem>>) semaphore(%arg11 : memref<!tpu.dma_semaphore, #tpu.memory_space<semaphore_mem>>)
    %dma_start3A_16 = arith.constant 0 : i32
    %dma_start3A_17 = arith.constant 64 : i32
    %dma_start3A_18 = arith.constant 0 : i32
    %dma_start3A_19 = tpu.memref_slice %arg8[%dma_start3A_17, %dma_start3A_18] : memref<128x128xf32, #tpu.memory_space<vmem>> -> memref<64x128xf32, #tpu.memory_space<vmem>>
    %dma_start3A_20 = arith.constant 64 : i32
    %dma_start3A_21 = tpu.memref_slice %arg6[%dma_start3A_16, %dma_start3A_20] : memref<40x128xi32, #tpu.memory_space<vmem>> -> memref<1x64xi32, #tpu.memory_space<vmem>>
    %dma_start3A_22 = tpu.memref_squeeze %dma_start3A_21 : memref<1x64xi32, #tpu.memory_space<vmem>> -> memref<64xi32, #tpu.memory_space<vmem>>
    %dma_start3A_23 = arith.constant 0 : i32
    %dma_start3A_24 = arith.constant 0 : i32
    %dma_start3A_25 = tpu.memref_slice %arg2[%dma_start3A_23, %dma_start3A_24] : memref<20480x128xf32, #tpu.memory_space<hbm>> -> memref<20480x128xf32, #tpu.memory_space<hbm>>
    tpu.enqueue_indirect_dma source(%dma_start3A_25 : memref<20480x128xf32, #tpu.memory_space<hbm>>) target(%dma_start3A_19 : memref<64x128xf32, #tpu.memory_space<vmem>>) offsets(%dma_start3A_22 : memref<64xi32, #tpu.memory_space<vmem>>) semaphore(%arg11 : memref<!tpu.dma_semaphore, #tpu.memory_space<semaphore_mem>>)
    %dma_start3A_26 = arith.constant 1 : i32
    %dma_start3A_27 = arith.constant 0 : i32
    %dma_start3A_28 = arith.constant 0 : i32
    %dma_start3A_29 = tpu.memref_slice %arg9[%dma_start3A_27, %dma_start3A_28] : memref<128x128xf32, #tpu.memory_space<vmem>> -> memref<64x128xf32, #tpu.memory_space<vmem>>
    %dma_start3A_30 = arith.constant 0 : i32
    %dma_start3A_31 = tpu.memref_slice %arg6[%dma_start3A_26, %dma_start3A_30] : memref<40x128xi32, #tpu.memory_space<vmem>> -> memref<1x64xi32, #tpu.memory_space<vmem>>
    %dma_start3A_32 = tpu.memref_squeeze %dma_start3A_31 : memref<1x64xi32, #tpu.memory_space<vmem>> -> memref<64xi32, #tpu.memory_space<vmem>>
    %dma_start3A_33 = arith.constant 0 : i32
    %dma_start3A_34 = arith.constant 0 : i32
    %dma_start3A_35 = tpu.memref_slice %arg2[%dma_start3A_33, %dma_start3A_34] : memref<20480x128xf32, #tpu.memory_space<hbm>> -> memref<20480x128xf32, #tpu.memory_space<hbm>>
    tpu.enqueue_indirect_dma source(%dma_start3A_35 : memref<20480x128xf32, #tpu.memory_space<hbm>>) target(%dma_start3A_29 : memref<64x128xf32, #tpu.memory_space<vmem>>) offsets(%dma_start3A_32 : memref<64xi32, #tpu.memory_space<vmem>>) semaphore(%arg12 : memref<!tpu.dma_semaphore, #tpu.memory_space<semaphore_mem>>)
    %dma_start3A_36 = arith.constant 1 : i32
    %dma_start3A_37 = arith.constant 64 : i32
    %dma_start3A_38 = arith.constant 0 : i32
    %dma_start3A_39 = tpu.memref_slice %arg9[%dma_start3A_37, %dma_start3A_38] : memref<128x128xf32, #tpu.memory_space<vmem>> -> memref<64x128xf32, #tpu.memory_space<vmem>>
    %dma_start3A_40 = arith.constant 64 : i32
    %dma_start3A_41 = tpu.memref_slice %arg6[%dma_start3A_36, %dma_start3A_40] : memref<40x128xi32, #tpu.memory_space<vmem>> -> memref<1x64xi32, #tpu.memory_space<vmem>>
    %dma_start3A_42 = tpu.memref_squeeze %dma_start3A_41 : memref<1x64xi32, #tpu.memory_space<vmem>> -> memref<64xi32, #tpu.memory_space<vmem>>
    %dma_start3A_43 = arith.constant 0 : i32
    %dma_start3A_44 = arith.constant 0 : i32
    %dma_start3A_45 = tpu.memref_slice %arg2[%dma_start3A_43, %dma_start3A_44] : memref<20480x128xf32, #tpu.memory_space<hbm>> -> memref<20480x128xf32, #tpu.memory_space<hbm>>
    tpu.enqueue_indirect_dma source(%dma_start3A_45 : memref<20480x128xf32, #tpu.memory_space<hbm>>) target(%dma_start3A_39 : memref<64x128xf32, #tpu.memory_space<vmem>>) offsets(%dma_start3A_42 : memref<64xi32, #tpu.memory_space<vmem>>) semaphore(%arg12 : memref<!tpu.dma_semaphore, #tpu.memory_space<semaphore_mem>>)
    %scan3A = arith.constant 0 : i32
    %scan3A_46 = arith.constant 0 : i32
    %scan3A_47 = arith.constant 20 : i32
    %scan3A_48 = arith.addi %scan3A_46, %scan3A_47 : i32
    %scan3A_49 = arith.constant 1 : i32
    scf.for %scan3A_102 = %scan3A_46 to %scan3A_48 step %scan3A_49  : i32 {
      %mul3A_103 = arith.constant 2 : i32
      %mul3A_104 = arith.muli %scan3A_102, %mul3A_103 : i32
      %add3A_105 = arith.constant 0 : i32
      %add3A_106 = arith.addi %mul3A_104, %add3A_105 : i32
      %dma_wait3A = arith.constant 0 : i32
      %dma_wait3A_107 = arith.constant 0 : i32
      %dma_wait3A_108 = tpu.memref_slice %arg8[%dma_wait3A, %dma_wait3A_107] : memref<128x128xf32, #tpu.memory_space<vmem>> -> memref<64x128xf32, #tpu.memory_space<vmem>>
      %dma_wait3A_109 = arith.constant 0 : i32
      %dma_wait3A_110 = tpu.memref_slice %arg6[%add3A_106, %dma_wait3A_109] : memref<40x128xi32, #tpu.memory_space<vmem>> -> memref<1x64xi32, #tpu.memory_space<vmem>>
      %dma_wait3A_111 = tpu.memref_squeeze %dma_wait3A_110 : memref<1x64xi32, #tpu.memory_space<vmem>> -> memref<64xi32, #tpu.memory_space<vmem>>
      %dma_wait3A_112 = arith.constant 0 : i32
      %dma_wait3A_113 = arith.constant 0 : i32
      %dma_wait3A_114 = tpu.memref_slice %arg2[%dma_wait3A_112, %dma_wait3A_113] : memref<20480x128xf32, #tpu.memory_space<hbm>> -> memref<20480x128xf32, #tpu.memory_space<hbm>>
      tpu.wait_indirect_dma semaphore(%arg11 : memref<!tpu.dma_semaphore, #tpu.memory_space<semaphore_mem>>) src(%dma_wait3A_114 : memref<20480x128xf32, #tpu.memory_space<hbm>>) dst(%dma_wait3A_108 : memref<64x128xf32, #tpu.memory_space<vmem>>)
      %dma_wait3A_115 = arith.constant 64 : i32
      %dma_wait3A_116 = arith.constant 0 : i32
      %dma_wait3A_117 = tpu.memref_slice %arg8[%dma_wait3A_115, %dma_wait3A_116] : memref<128x128xf32, #tpu.memory_space<vmem>> -> memref<64x128xf32, #tpu.memory_space<vmem>>
      %dma_wait3A_118 = arith.constant 64 : i32
      %dma_wait3A_119 = tpu.memref_slice %arg6[%add3A_106, %dma_wait3A_118] : memref<40x128xi32, #tpu.memory_space<vmem>> -> memref<1x64xi32, #tpu.memory_space<vmem>>
      %dma_wait3A_120 = tpu.memref_squeeze %dma_wait3A_119 : memref<1x64xi32, #tpu.memory_space<vmem>> -> memref<64xi32, #tpu.memory_space<vmem>>
      %dma_wait3A_121 = arith.constant 0 : i32
      %dma_wait3A_122 = arith.constant 0 : i32
      %dma_wait3A_123 = tpu.memref_slice %arg2[%dma_wait3A_121, %dma_wait3A_122] : memref<20480x128xf32, #tpu.memory_space<hbm>> -> memref<20480x128xf32, #tpu.memory_space<hbm>>
      tpu.wait_indirect_dma semaphore(%arg11 : memref<!tpu.dma_semaphore, #tpu.memory_space<semaphore_mem>>) src(%dma_wait3A_123 : memref<20480x128xf32, #tpu.memory_space<hbm>>) dst(%dma_wait3A_117 : memref<64x128xf32, #tpu.memory_space<vmem>>)
      %add3A_124 = arith.constant 0 : i32
      %add3A_125 = arith.addi %add3A_124, %add3A_106 : i32
      "tpu.region"() ({
        %run_scoped3A = tpu.sem_alloc : memref<!tpu.dma_semaphore, #tpu.memory_space<semaphore_mem>>
        %dma_start3A_161 = arith.constant 0 : i32
        %dma_start3A_162 = tpu.memref_slice %arg7[%add3A_125, %dma_start3A_161] : memref<80x128xi32, #tpu.memory_space<vmem>> -> memref<1x128xi32, #tpu.memory_space<vmem>>
        %dma_start3A_163 = tpu.memref_squeeze %dma_start3A_162 : memref<1x128xi32, #tpu.memory_space<vmem>> -> memref<128xi32, #tpu.memory_space<vmem>>
        %dma_start3A_164 = arith.constant 0 : i32
        %dma_start3A_165 = arith.constant 0 : i32
        %dma_start3A_166 = tpu.memref_slice %arg10[%dma_start3A_164, %dma_start3A_165] : memref<10240x128xf32, #tpu.memory_space<vmem_shared>> -> memref<10240x128xf32, #tpu.memory_space<vmem_shared>>
        tpu.enqueue_indirect_dma source(%arg8 : memref<128x128xf32, #tpu.memory_space<vmem>>) target(%dma_start3A_166 : memref<10240x128xf32, #tpu.memory_space<vmem_shared>>) offsets(%dma_start3A_163 : memref<128xi32, #tpu.memory_space<vmem>>) semaphore(%run_scoped3A : memref<!tpu.dma_semaphore, #tpu.memory_space<semaphore_mem>>) {add = true}
        %dma_wait3A_167 = arith.constant 0 : i32
        %dma_wait3A_168 = tpu.memref_slice %arg7[%add3A_125, %dma_wait3A_167] : memref<80x128xi32, #tpu.memory_space<vmem>> -> memref<1x128xi32, #tpu.memory_space<vmem>>
        %dma_wait3A_169 = tpu.memref_squeeze %dma_wait3A_168 : memref<1x128xi32, #tpu.memory_space<vmem>> -> memref<128xi32, #tpu.memory_space<vmem>>
        %dma_wait3A_170 = arith.constant 0 : i32
        %dma_wait3A_171 = arith.constant 0 : i32
        %dma_wait3A_172 = tpu.memref_slice %arg10[%dma_wait3A_170, %dma_wait3A_171] : memref<10240x128xf32, #tpu.memory_space<vmem_shared>> -> memref<10240x128xf32, #tpu.memory_space<vmem_shared>>
        tpu.wait_indirect_dma semaphore(%run_scoped3A : memref<!tpu.dma_semaphore, #tpu.memory_space<semaphore_mem>>) src(%arg8 : memref<128x128xf32, #tpu.memory_space<vmem>>) dst(%dma_wait3A_172 : memref<10240x128xf32, #tpu.memory_space<vmem_shared>>)
        tpu.yield
      }) : () -> ()
      %add3A_126 = arith.constant 2 : i32
      %add3A_127 = arith.addi %add3A_106, %add3A_126 : i32
      %lt3A = arith.constant 40 : i32
      %lt3A_128 = arith.cmpi slt, %add3A_127, %lt3A : i32
      %convert_element_type3A = arith.extui %lt3A_128 : i1 to i32
      %cond3A = arith.constant 0 : i32
      %cond3A_129 = arith.cmpi ne, %convert_element_type3A, %cond3A : i32
      scf.if %cond3A_129 {
        %add3A_161 = arith.constant 2 : i32
        %add3A_162 = arith.addi %add3A_106, %add3A_161 : i32
        %dma_start3A_163 = arith.constant 0 : i32
        %dma_start3A_164 = arith.constant 0 : i32
        %dma_start3A_165 = tpu.memref_slice %arg8[%dma_start3A_163, %dma_start3A_164] : memref<128x128xf32, #tpu.memory_space<vmem>> -> memref<64x128xf32, #tpu.memory_space<vmem>>
        %dma_start3A_166 = arith.constant 0 : i32
        %dma_start3A_167 = tpu.memref_slice %arg6[%add3A_162, %dma_start3A_166] : memref<40x128xi32, #tpu.memory_space<vmem>> -> memref<1x64xi32, #tpu.memory_space<vmem>>
        %dma_start3A_168 = tpu.memref_squeeze %dma_start3A_167 : memref<1x64xi32, #tpu.memory_space<vmem>> -> memref<64xi32, #tpu.memory_space<vmem>>
        %dma_start3A_169 = arith.constant 0 : i32
        %dma_start3A_170 = arith.constant 0 : i32
        %dma_start3A_171 = tpu.memref_slice %arg2[%dma_start3A_169, %dma_start3A_170] : memref<20480x128xf32, #tpu.memory_space<hbm>> -> memref<20480x128xf32, #tpu.memory_space<hbm>>
        tpu.enqueue_indirect_dma source(%dma_start3A_171 : memref<20480x128xf32, #tpu.memory_space<hbm>>) target(%dma_start3A_165 : memref<64x128xf32, #tpu.memory_space<vmem>>) offsets(%dma_start3A_168 : memref<64xi32, #tpu.memory_space<vmem>>) semaphore(%arg11 : memref<!tpu.dma_semaphore, #tpu.memory_space<semaphore_mem>>)
        %add3A_172 = arith.constant 2 : i32
        %add3A_173 = arith.addi %add3A_106, %add3A_172 : i32
        %dma_start3A_174 = arith.constant 64 : i32
        %dma_start3A_175 = arith.constant 0 : i32
        %dma_start3A_176 = tpu.memref_slice %arg8[%dma_start3A_174, %dma_start3A_175] : memref<128x128xf32, #tpu.memory_space<vmem>> -> memref<64x128xf32, #tpu.memory_space<vmem>>
        %dma_start3A_177 = arith.constant 64 : i32
        %dma_start3A_178 = tpu.memref_slice %arg6[%add3A_173, %dma_start3A_177] : memref<40x128xi32, #tpu.memory_space<vmem>> -> memref<1x64xi32, #tpu.memory_space<vmem>>
        %dma_start3A_179 = tpu.memref_squeeze %dma_start3A_178 : memref<1x64xi32, #tpu.memory_space<vmem>> -> memref<64xi32, #tpu.memory_space<vmem>>
        %dma_start3A_180 = arith.constant 0 : i32
        %dma_start3A_181 = arith.constant 0 : i32
        %dma_start3A_182 = tpu.memref_slice %arg2[%dma_start3A_180, %dma_start3A_181] : memref<20480x128xf32, #tpu.memory_space<hbm>> -> memref<20480x128xf32, #tpu.memory_space<hbm>>
        tpu.enqueue_indirect_dma source(%dma_start3A_182 : memref<20480x128xf32, #tpu.memory_space<hbm>>) target(%dma_start3A_176 : memref<64x128xf32, #tpu.memory_space<vmem>>) offsets(%dma_start3A_179 : memref<64xi32, #tpu.memory_space<vmem>>) semaphore(%arg11 : memref<!tpu.dma_semaphore, #tpu.memory_space<semaphore_mem>>)
      } else {
      }
      %mul3A_130 = arith.constant 2 : i32
      %mul3A_131 = arith.muli %scan3A_102, %mul3A_130 : i32
      %add3A_132 = arith.constant 1 : i32
      %add3A_133 = arith.addi %mul3A_131, %add3A_132 : i32
      %dma_wait3A_134 = arith.constant 0 : i32
      %dma_wait3A_135 = arith.constant 0 : i32
      %dma_wait3A_136 = tpu.memref_slice %arg9[%dma_wait3A_134, %dma_wait3A_135] : memref<128x128xf32, #tpu.memory_space<vmem>> -> memref<64x128xf32, #tpu.memory_space<vmem>>
      %dma_wait3A_137 = arith.constant 0 : i32
      %dma_wait3A_138 = tpu.memref_slice %arg6[%add3A_133, %dma_wait3A_137] : memref<40x128xi32, #tpu.memory_space<vmem>> -> memref<1x64xi32, #tpu.memory_space<vmem>>
      %dma_wait3A_139 = tpu.memref_squeeze %dma_wait3A_138 : memref<1x64xi32, #tpu.memory_space<vmem>> -> memref<64xi32, #tpu.memory_space<vmem>>
      %dma_wait3A_140 = arith.constant 0 : i32
      %dma_wait3A_141 = arith.constant 0 : i32
      %dma_wait3A_142 = tpu.memref_slice %arg2[%dma_wait3A_140, %dma_wait3A_141] : memref<20480x128xf32, #tpu.memory_space<hbm>> -> memref<20480x128xf32, #tpu.memory_space<hbm>>
      tpu.wait_indirect_dma semaphore(%arg12 : memref<!tpu.dma_semaphore, #tpu.memory_space<semaphore_mem>>) src(%dma_wait3A_142 : memref<20480x128xf32, #tpu.memory_space<hbm>>) dst(%dma_wait3A_136 : memref<64x128xf32, #tpu.memory_space<vmem>>)
      %dma_wait3A_143 = arith.constant 64 : i32
      %dma_wait3A_144 = arith.constant 0 : i32
      %dma_wait3A_145 = tpu.memref_slice %arg9[%dma_wait3A_143, %dma_wait3A_144] : memref<128x128xf32, #tpu.memory_space<vmem>> -> memref<64x128xf32, #tpu.memory_space<vmem>>
      %dma_wait3A_146 = arith.constant 64 : i32
      %dma_wait3A_147 = tpu.memref_slice %arg6[%add3A_133, %dma_wait3A_146] : memref<40x128xi32, #tpu.memory_space<vmem>> -> memref<1x64xi32, #tpu.memory_space<vmem>>
      %dma_wait3A_148 = tpu.memref_squeeze %dma_wait3A_147 : memref<1x64xi32, #tpu.memory_space<vmem>> -> memref<64xi32, #tpu.memory_space<vmem>>
      %dma_wait3A_149 = arith.constant 0 : i32
      %dma_wait3A_150 = arith.constant 0 : i32
      %dma_wait3A_151 = tpu.memref_slice %arg2[%dma_wait3A_149, %dma_wait3A_150] : memref<20480x128xf32, #tpu.memory_space<hbm>> -> memref<20480x128xf32, #tpu.memory_space<hbm>>
      tpu.wait_indirect_dma semaphore(%arg12 : memref<!tpu.dma_semaphore, #tpu.memory_space<semaphore_mem>>) src(%dma_wait3A_151 : memref<20480x128xf32, #tpu.memory_space<hbm>>) dst(%dma_wait3A_145 : memref<64x128xf32, #tpu.memory_space<vmem>>)
      %add3A_152 = arith.constant 0 : i32
      %add3A_153 = arith.addi %add3A_152, %add3A_133 : i32
      "tpu.region"() ({
        %run_scoped3A = tpu.sem_alloc : memref<!tpu.dma_semaphore, #tpu.memory_space<semaphore_mem>>
        %dma_start3A_161 = arith.constant 0 : i32
        %dma_start3A_162 = tpu.memref_slice %arg7[%add3A_153, %dma_start3A_161] : memref<80x128xi32, #tpu.memory_space<vmem>> -> memref<1x128xi32, #tpu.memory_space<vmem>>
        %dma_start3A_163 = tpu.memref_squeeze %dma_start3A_162 : memref<1x128xi32, #tpu.memory_space<vmem>> -> memref<128xi32, #tpu.memory_space<vmem>>
        %dma_start3A_164 = arith.constant 0 : i32
        %dma_start3A_165 = arith.constant 0 : i32
        %dma_start3A_166 = tpu.memref_slice %arg10[%dma_start3A_164, %dma_start3A_165] : memref<10240x128xf32, #tpu.memory_space<vmem_shared>> -> memref<10240x128xf32, #tpu.memory_space<vmem_shared>>
        tpu.enqueue_indirect_dma source(%arg9 : memref<128x128xf32, #tpu.memory_space<vmem>>) target(%dma_start3A_166 : memref<10240x128xf32, #tpu.memory_space<vmem_shared>>) offsets(%dma_start3A_163 : memref<128xi32, #tpu.memory_space<vmem>>) semaphore(%run_scoped3A : memref<!tpu.dma_semaphore, #tpu.memory_space<semaphore_mem>>) {add = true}
        %dma_wait3A_167 = arith.constant 0 : i32
        %dma_wait3A_168 = tpu.memref_slice %arg7[%add3A_153, %dma_wait3A_167] : memref<80x128xi32, #tpu.memory_space<vmem>> -> memref<1x128xi32, #tpu.memory_space<vmem>>
        %dma_wait3A_169 = tpu.memref_squeeze %dma_wait3A_168 : memref<1x128xi32, #tpu.memory_space<vmem>> -> memref<128xi32, #tpu.memory_space<vmem>>
        %dma_wait3A_170 = arith.constant 0 : i32
        %dma_wait3A_171 = arith.constant 0 : i32
        %dma_wait3A_172 = tpu.memref_slice %arg10[%dma_wait3A_170, %dma_wait3A_171] : memref<10240x128xf32, #tpu.memory_space<vmem_shared>> -> memref<10240x128xf32, #tpu.memory_space<vmem_shared>>
        tpu.wait_indirect_dma semaphore(%run_scoped3A : memref<!tpu.dma_semaphore, #tpu.memory_space<semaphore_mem>>) src(%arg9 : memref<128x128xf32, #tpu.memory_space<vmem>>) dst(%dma_wait3A_172 : memref<10240x128xf32, #tpu.memory_space<vmem_shared>>)
        tpu.yield
      }) : () -> ()
      %add3A_154 = arith.constant 2 : i32
      %add3A_155 = arith.addi %add3A_133, %add3A_154 : i32
      %lt3A_156 = arith.constant 40 : i32
      %lt3A_157 = arith.cmpi slt, %add3A_155, %lt3A_156 : i32
      %convert_element_type3A_158 = arith.extui %lt3A_157 : i1 to i32
      %cond3A_159 = arith.constant 0 : i32
      %cond3A_160 = arith.cmpi ne, %convert_element_type3A_158, %cond3A_159 : i32
      scf.if %cond3A_160 {
        %add3A_161 = arith.constant 2 : i32
        %add3A_162 = arith.addi %add3A_133, %add3A_161 : i32
        %dma_start3A_163 = arith.constant 0 : i32
        %dma_start3A_164 = arith.constant 0 : i32
        %dma_start3A_165 = tpu.memref_slice %arg9[%dma_start3A_163, %dma_start3A_164] : memref<128x128xf32, #tpu.memory_space<vmem>> -> memref<64x128xf32, #tpu.memory_space<vmem>>
        %dma_start3A_166 = arith.constant 0 : i32
        %dma_start3A_167 = tpu.memref_slice %arg6[%add3A_162, %dma_start3A_166] : memref<40x128xi32, #tpu.memory_space<vmem>> -> memref<1x64xi32, #tpu.memory_space<vmem>>
        %dma_start3A_168 = tpu.memref_squeeze %dma_start3A_167 : memref<1x64xi32, #tpu.memory_space<vmem>> -> memref<64xi32, #tpu.memory_space<vmem>>
        %dma_start3A_169 = arith.constant 0 : i32
        %dma_start3A_170 = arith.constant 0 : i32
        %dma_start3A_171 = tpu.memref_slice %arg2[%dma_start3A_169, %dma_start3A_170] : memref<20480x128xf32, #tpu.memory_space<hbm>> -> memref<20480x128xf32, #tpu.memory_space<hbm>>
        tpu.enqueue_indirect_dma source(%dma_start3A_171 : memref<20480x128xf32, #tpu.memory_space<hbm>>) target(%dma_start3A_165 : memref<64x128xf32, #tpu.memory_space<vmem>>) offsets(%dma_start3A_168 : memref<64xi32, #tpu.memory_space<vmem>>) semaphore(%arg12 : memref<!tpu.dma_semaphore, #tpu.memory_space<semaphore_mem>>)
        %add3A_172 = arith.constant 2 : i32
        %add3A_173 = arith.addi %add3A_133, %add3A_172 : i32
        %dma_start3A_174 = arith.constant 64 : i32
        %dma_start3A_175 = arith.constant 0 : i32
        %dma_start3A_176 = tpu.memref_slice %arg9[%dma_start3A_174, %dma_start3A_175] : memref<128x128xf32, #tpu.memory_space<vmem>> -> memref<64x128xf32, #tpu.memory_space<vmem>>
        %dma_start3A_177 = arith.constant 64 : i32
        %dma_start3A_178 = tpu.memref_slice %arg6[%add3A_173, %dma_start3A_177] : memref<40x128xi32, #tpu.memory_space<vmem>> -> memref<1x64xi32, #tpu.memory_space<vmem>>
        %dma_start3A_179 = tpu.memref_squeeze %dma_start3A_178 : memref<1x64xi32, #tpu.memory_space<vmem>> -> memref<64xi32, #tpu.memory_space<vmem>>
        %dma_start3A_180 = arith.constant 0 : i32
        %dma_start3A_181 = arith.constant 0 : i32
        %dma_start3A_182 = tpu.memref_slice %arg2[%dma_start3A_180, %dma_start3A_181] : memref<20480x128xf32, #tpu.memory_space<hbm>> -> memref<20480x128xf32, #tpu.memory_space<hbm>>
        tpu.enqueue_indirect_dma source(%dma_start3A_182 : memref<20480x128xf32, #tpu.memory_space<hbm>>) target(%dma_start3A_176 : memref<64x128xf32, #tpu.memory_space<vmem>>) offsets(%dma_start3A_179 : memref<64xi32, #tpu.memory_space<vmem>>) semaphore(%arg12 : memref<!tpu.dma_semaphore, #tpu.memory_space<semaphore_mem>>)
      } else {
      }
    }
    %scan3A_50 = arith.constant 20 : i32
    %mul3A_51 = arith.constant 2 : i32
    %mul3A_52 = arith.muli %arg1, %mul3A_51 : i32
    %add3A_53 = arith.constant 1 : i32
    %add3A_54 = arith.addi %mul3A_52, %add3A_53 : i32
    "tpu.region"() ({
      %run_scoped3A = tpu.sem_alloc : memref<!tpu.dma_semaphore, #tpu.memory_space<semaphore_mem>>
      %dma_start3A_102 = arith.constant 0 : i32
      %dma_start3A_103 = arith.constant 0 : i32
      %dma_start3A_104 = tpu.memref_slice %arg3[%arg0, %add3A_54, %dma_start3A_102, %dma_start3A_103] : memref<2x32x40x128xi32, #tpu.memory_space<hbm>> -> memref<1x1x40x128xi32, #tpu.memory_space<hbm>>
      %dma_start3A_105 = tpu.memref_squeeze %dma_start3A_104 : memref<1x1x40x128xi32, #tpu.memory_space<hbm>> -> memref<40x128xi32, #tpu.memory_space<hbm>>
      %dma_start3A_106 = arith.constant 0 : i32
      %dma_start3A_107 = arith.constant 0 : i32
      %dma_start3A_108 = tpu.memref_slice %arg3[%arg0, %add3A_54, %dma_start3A_106, %dma_start3A_107] : memref<2x32x40x128xi32, #tpu.memory_space<hbm>> -> memref<1x1x40x128xi32, #tpu.memory_space<hbm>>
      %dma_start3A_109 = tpu.memref_squeeze %dma_start3A_108 : memref<1x1x40x128xi32, #tpu.memory_space<hbm>> -> memref<40x128xi32, #tpu.memory_space<hbm>>
      tpu.enqueue_dma source(%dma_start3A_109 : memref<40x128xi32, #tpu.memory_space<hbm>>) target(%arg6 : memref<40x128xi32, #tpu.memory_space<vmem>>) target_semaphore(%run_scoped3A : memref<!tpu.dma_semaphore, #tpu.memory_space<semaphore_mem>>)
      %dma_wait3A = arith.constant 0 : i32
      %dma_wait3A_110 = arith.constant 0 : i32
      %dma_wait3A_111 = tpu.memref_slice %arg3[%arg0, %add3A_54, %dma_wait3A, %dma_wait3A_110] : memref<2x32x40x128xi32, #tpu.memory_space<hbm>> -> memref<1x1x40x128xi32, #tpu.memory_space<hbm>>
      %dma_wait3A_112 = tpu.memref_squeeze %dma_wait3A_111 : memref<1x1x40x128xi32, #tpu.memory_space<hbm>> -> memref<40x128xi32, #tpu.memory_space<hbm>>
      %dma_wait3A_113 = arith.constant 0 : i32
      %dma_wait3A_114 = arith.constant 0 : i32
      %dma_wait3A_115 = tpu.memref_slice %arg3[%arg0, %add3A_54, %dma_wait3A_113, %dma_wait3A_114] : memref<2x32x40x128xi32, #tpu.memory_space<hbm>> -> memref<1x1x40x128xi32, #tpu.memory_space<hbm>>
      %dma_wait3A_116 = tpu.memref_squeeze %dma_wait3A_115 : memref<1x1x40x128xi32, #tpu.memory_space<hbm>> -> memref<40x128xi32, #tpu.memory_space<hbm>>
      tpu.wait_dma2 semaphore(%run_scoped3A : memref<!tpu.dma_semaphore, #tpu.memory_space<semaphore_mem>>) src(%dma_wait3A_116 : memref<40x128xi32, #tpu.memory_space<hbm>>) dst(%arg6 : memref<40x128xi32, #tpu.memory_space<vmem>>)
      tpu.yield
    }) : () -> ()
    %dma_start3A_55 = arith.constant 0 : i32
    %dma_start3A_56 = arith.constant 0 : i32
    %dma_start3A_57 = arith.constant 0 : i32
    %dma_start3A_58 = tpu.memref_slice %arg8[%dma_start3A_56, %dma_start3A_57] : memref<128x128xf32, #tpu.memory_space<vmem>> -> memref<64x128xf32, #tpu.memory_space<vmem>>
    %dma_start3A_59 = arith.constant 0 : i32
    %dma_start3A_60 = tpu.memref_slice %arg6[%dma_start3A_55, %dma_start3A_59] : memref<40x128xi32, #tpu.memory_space<vmem>> -> memref<1x64xi32, #tpu.memory_space<vmem>>
    %dma_start3A_61 = tpu.memref_squeeze %dma_start3A_60 : memref<1x64xi32, #tpu.memory_space<vmem>> -> memref<64xi32, #tpu.memory_space<vmem>>
    %dma_start3A_62 = arith.constant 0 : i32
    %dma_start3A_63 = arith.constant 0 : i32
    %dma_start3A_64 = tpu.memref_slice %arg2[%dma_start3A_62, %dma_start3A_63] : memref<20480x128xf32, #tpu.memory_space<hbm>> -> memref<20480x128xf32, #tpu.memory_space<hbm>>
    tpu.enqueue_indirect_dma source(%dma_start3A_64 : memref<20480x128xf32, #tpu.memory_space<hbm>>) target(%dma_start3A_58 : memref<64x128xf32, #tpu.memory_space<vmem>>) offsets(%dma_start3A_61 : memref<64xi32, #tpu.memory_space<vmem>>) semaphore(%arg11 : memref<!tpu.dma_semaphore, #tpu.memory_space<semaphore_mem>>)
    %dma_start3A_65 = arith.constant 0 : i32
    %dma_start3A_66 = arith.constant 64 : i32
    %dma_start3A_67 = arith.constant 0 : i32
    %dma_start3A_68 = tpu.memref_slice %arg8[%dma_start3A_66, %dma_start3A_67] : memref<128x128xf32, #tpu.memory_space<vmem>> -> memref<64x128xf32, #tpu.memory_space<vmem>>
    %dma_start3A_69 = arith.constant 64 : i32
    %dma_start3A_70 = tpu.memref_slice %arg6[%dma_start3A_65, %dma_start3A_69] : memref<40x128xi32, #tpu.memory_space<vmem>> -> memref<1x64xi32, #tpu.memory_space<vmem>>
    %dma_start3A_71 = tpu.memref_squeeze %dma_start3A_70 : memref<1x64xi32, #tpu.memory_space<vmem>> -> memref<64xi32, #tpu.memory_space<vmem>>
    %dma_start3A_72 = arith.constant 0 : i32
    %dma_start3A_73 = arith.constant 0 : i32
    %dma_start3A_74 = tpu.memref_slice %arg2[%dma_start3A_72, %dma_start3A_73] : memref<20480x128xf32, #tpu.memory_space<hbm>> -> memref<20480x128xf32, #tpu.memory_space<hbm>>
    tpu.enqueue_indirect_dma source(%dma_start3A_74 : memref<20480x128xf32, #tpu.memory_space<hbm>>) target(%dma_start3A_68 : memref<64x128xf32, #tpu.memory_space<vmem>>) offsets(%dma_start3A_71 : memref<64xi32, #tpu.memory_space<vmem>>) semaphore(%arg11 : memref<!tpu.dma_semaphore, #tpu.memory_space<semaphore_mem>>)
    %dma_start3A_75 = arith.constant 1 : i32
    %dma_start3A_76 = arith.constant 0 : i32
    %dma_start3A_77 = arith.constant 0 : i32
    %dma_start3A_78 = tpu.memref_slice %arg9[%dma_start3A_76, %dma_start3A_77] : memref<128x128xf32, #tpu.memory_space<vmem>> -> memref<64x128xf32, #tpu.memory_space<vmem>>
    %dma_start3A_79 = arith.constant 0 : i32
    %dma_start3A_80 = tpu.memref_slice %arg6[%dma_start3A_75, %dma_start3A_79] : memref<40x128xi32, #tpu.memory_space<vmem>> -> memref<1x64xi32, #tpu.memory_space<vmem>>
    %dma_start3A_81 = tpu.memref_squeeze %dma_start3A_80 : memref<1x64xi32, #tpu.memory_space<vmem>> -> memref<64xi32, #tpu.memory_space<vmem>>
    %dma_start3A_82 = arith.constant 0 : i32
    %dma_start3A_83 = arith.constant 0 : i32
    %dma_start3A_84 = tpu.memref_slice %arg2[%dma_start3A_82, %dma_start3A_83] : memref<20480x128xf32, #tpu.memory_space<hbm>> -> memref<20480x128xf32, #tpu.memory_space<hbm>>
    tpu.enqueue_indirect_dma source(%dma_start3A_84 : memref<20480x128xf32, #tpu.memory_space<hbm>>) target(%dma_start3A_78 : memref<64x128xf32, #tpu.memory_space<vmem>>) offsets(%dma_start3A_81 : memref<64xi32, #tpu.memory_space<vmem>>) semaphore(%arg12 : memref<!tpu.dma_semaphore, #tpu.memory_space<semaphore_mem>>)
    %dma_start3A_85 = arith.constant 1 : i32
    %dma_start3A_86 = arith.constant 64 : i32
    %dma_start3A_87 = arith.constant 0 : i32
    %dma_start3A_88 = tpu.memref_slice %arg9[%dma_start3A_86, %dma_start3A_87] : memref<128x128xf32, #tpu.memory_space<vmem>> -> memref<64x128xf32, #tpu.memory_space<vmem>>
    %dma_start3A_89 = arith.constant 64 : i32
    %dma_start3A_90 = tpu.memref_slice %arg6[%dma_start3A_85, %dma_start3A_89] : memref<40x128xi32, #tpu.memory_space<vmem>> -> memref<1x64xi32, #tpu.memory_space<vmem>>
    %dma_start3A_91 = tpu.memref_squeeze %dma_start3A_90 : memref<1x64xi32, #tpu.memory_space<vmem>> -> memref<64xi32, #tpu.memory_space<vmem>>
    %dma_start3A_92 = arith.constant 0 : i32
    %dma_start3A_93 = arith.constant 0 : i32
    %dma_start3A_94 = tpu.memref_slice %arg2[%dma_start3A_92, %dma_start3A_93] : memref<20480x128xf32, #tpu.memory_space<hbm>> -> memref<20480x128xf32, #tpu.memory_space<hbm>>
    tpu.enqueue_indirect_dma source(%dma_start3A_94 : memref<20480x128xf32, #tpu.memory_space<hbm>>) target(%dma_start3A_88 : memref<64x128xf32, #tpu.memory_space<vmem>>) offsets(%dma_start3A_91 : memref<64xi32, #tpu.memory_space<vmem>>) semaphore(%arg12 : memref<!tpu.dma_semaphore, #tpu.memory_space<semaphore_mem>>)
    %scan3A_95 = arith.constant 0 : i32
    %scan3A_96 = arith.constant 0 : i32
    %scan3A_97 = arith.constant 20 : i32
    %scan3A_98 = arith.addi %scan3A_96, %scan3A_97 : i32
    %scan3A_99 = arith.constant 1 : i32
    scf.for %scan3A_102 = %scan3A_96 to %scan3A_98 step %scan3A_99  : i32 {
      %mul3A_103 = arith.constant 2 : i32
      %mul3A_104 = arith.muli %scan3A_102, %mul3A_103 : i32
      %add3A_105 = arith.constant 0 : i32
      %add3A_106 = arith.addi %mul3A_104, %add3A_105 : i32
      %dma_wait3A = arith.constant 0 : i32
      %dma_wait3A_107 = arith.constant 0 : i32
      %dma_wait3A_108 = tpu.memref_slice %arg8[%dma_wait3A, %dma_wait3A_107] : memref<128x128xf32, #tpu.memory_space<vmem>> -> memref<64x128xf32, #tpu.memory_space<vmem>>
      %dma_wait3A_109 = arith.constant 0 : i32
      %dma_wait3A_110 = tpu.memref_slice %arg6[%add3A_106, %dma_wait3A_109] : memref<40x128xi32, #tpu.memory_space<vmem>> -> memref<1x64xi32, #tpu.memory_space<vmem>>
      %dma_wait3A_111 = tpu.memref_squeeze %dma_wait3A_110 : memref<1x64xi32, #tpu.memory_space<vmem>> -> memref<64xi32, #tpu.memory_space<vmem>>
      %dma_wait3A_112 = arith.constant 0 : i32
      %dma_wait3A_113 = arith.constant 0 : i32
      %dma_wait3A_114 = tpu.memref_slice %arg2[%dma_wait3A_112, %dma_wait3A_113] : memref<20480x128xf32, #tpu.memory_space<hbm>> -> memref<20480x128xf32, #tpu.memory_space<hbm>>
      tpu.wait_indirect_dma semaphore(%arg11 : memref<!tpu.dma_semaphore, #tpu.memory_space<semaphore_mem>>) src(%dma_wait3A_114 : memref<20480x128xf32, #tpu.memory_space<hbm>>) dst(%dma_wait3A_108 : memref<64x128xf32, #tpu.memory_space<vmem>>)
      %dma_wait3A_115 = arith.constant 64 : i32
      %dma_wait3A_116 = arith.constant 0 : i32
      %dma_wait3A_117 = tpu.memref_slice %arg8[%dma_wait3A_115, %dma_wait3A_116] : memref<128x128xf32, #tpu.memory_space<vmem>> -> memref<64x128xf32, #tpu.memory_space<vmem>>
      %dma_wait3A_118 = arith.constant 64 : i32
      %dma_wait3A_119 = tpu.memref_slice %arg6[%add3A_106, %dma_wait3A_118] : memref<40x128xi32, #tpu.memory_space<vmem>> -> memref<1x64xi32, #tpu.memory_space<vmem>>
      %dma_wait3A_120 = tpu.memref_squeeze %dma_wait3A_119 : memref<1x64xi32, #tpu.memory_space<vmem>> -> memref<64xi32, #tpu.memory_space<vmem>>
      %dma_wait3A_121 = arith.constant 0 : i32
      %dma_wait3A_122 = arith.constant 0 : i32
      %dma_wait3A_123 = tpu.memref_slice %arg2[%dma_wait3A_121, %dma_wait3A_122] : memref<20480x128xf32, #tpu.memory_space<hbm>> -> memref<20480x128xf32, #tpu.memory_space<hbm>>
      tpu.wait_indirect_dma semaphore(%arg11 : memref<!tpu.dma_semaphore, #tpu.memory_space<semaphore_mem>>) src(%dma_wait3A_123 : memref<20480x128xf32, #tpu.memory_space<hbm>>) dst(%dma_wait3A_117 : memref<64x128xf32, #tpu.memory_space<vmem>>)
      %add3A_124 = arith.constant 40 : i32
      %add3A_125 = arith.addi %add3A_124, %add3A_106 : i32
      "tpu.region"() ({
        %run_scoped3A = tpu.sem_alloc : memref<!tpu.dma_semaphore, #tpu.memory_space<semaphore_mem>>
        %dma_start3A_161 = arith.constant 0 : i32
        %dma_start3A_162 = tpu.memref_slice %arg7[%add3A_125, %dma_start3A_161] : memref<80x128xi32, #tpu.memory_space<vmem>> -> memref<1x128xi32, #tpu.memory_space<vmem>>
        %dma_start3A_163 = tpu.memref_squeeze %dma_start3A_162 : memref<1x128xi32, #tpu.memory_space<vmem>> -> memref<128xi32, #tpu.memory_space<vmem>>
        %dma_start3A_164 = arith.constant 0 : i32
        %dma_start3A_165 = arith.constant 0 : i32
        %dma_start3A_166 = tpu.memref_slice %arg10[%dma_start3A_164, %dma_start3A_165] : memref<10240x128xf32, #tpu.memory_space<vmem_shared>> -> memref<10240x128xf32, #tpu.memory_space<vmem_shared>>
        tpu.enqueue_indirect_dma source(%arg8 : memref<128x128xf32, #tpu.memory_space<vmem>>) target(%dma_start3A_166 : memref<10240x128xf32, #tpu.memory_space<vmem_shared>>) offsets(%dma_start3A_163 : memref<128xi32, #tpu.memory_space<vmem>>) semaphore(%run_scoped3A : memref<!tpu.dma_semaphore, #tpu.memory_space<semaphore_mem>>) {add = true}
        %dma_wait3A_167 = arith.constant 0 : i32
        %dma_wait3A_168 = tpu.memref_slice %arg7[%add3A_125, %dma_wait3A_167] : memref<80x128xi32, #tpu.memory_space<vmem>> -> memref<1x128xi32, #tpu.memory_space<vmem>>
        %dma_wait3A_169 = tpu.memref_squeeze %dma_wait3A_168 : memref<1x128xi32, #tpu.memory_space<vmem>> -> memref<128xi32, #tpu.memory_space<vmem>>
        %dma_wait3A_170 = arith.constant 0 : i32
        %dma_wait3A_171 = arith.constant 0 : i32
        %dma_wait3A_172 = tpu.memref_slice %arg10[%dma_wait3A_170, %dma_wait3A_171] : memref<10240x128xf32, #tpu.memory_space<vmem_shared>> -> memref<10240x128xf32, #tpu.memory_space<vmem_shared>>
        tpu.wait_indirect_dma semaphore(%run_scoped3A : memref<!tpu.dma_semaphore, #tpu.memory_space<semaphore_mem>>) src(%arg8 : memref<128x128xf32, #tpu.memory_space<vmem>>) dst(%dma_wait3A_172 : memref<10240x128xf32, #tpu.memory_space<vmem_shared>>)
        tpu.yield
      }) : () -> ()
      %add3A_126 = arith.constant 2 : i32
      %add3A_127 = arith.addi %add3A_106, %add3A_126 : i32
      %lt3A = arith.constant 40 : i32
      %lt3A_128 = arith.cmpi slt, %add3A_127, %lt3A : i32
      %convert_element_type3A = arith.extui %lt3A_128 : i1 to i32
      %cond3A = arith.constant 0 : i32
      %cond3A_129 = arith.cmpi ne, %convert_element_type3A, %cond3A : i32
      scf.if %cond3A_129 {
        %add3A_161 = arith.constant 2 : i32
        %add3A_162 = arith.addi %add3A_106, %add3A_161 : i32
        %dma_start3A_163 = arith.constant 0 : i32
        %dma_start3A_164 = arith.constant 0 : i32
        %dma_start3A_165 = tpu.memref_slice %arg8[%dma_start3A_163, %dma_start3A_164] : memref<128x128xf32, #tpu.memory_space<vmem>> -> memref<64x128xf32, #tpu.memory_space<vmem>>
        %dma_start3A_166 = arith.constant 0 : i32
        %dma_start3A_167 = tpu.memref_slice %arg6[%add3A_162, %dma_start3A_166] : memref<40x128xi32, #tpu.memory_space<vmem>> -> memref<1x64xi32, #tpu.memory_space<vmem>>
        %dma_start3A_168 = tpu.memref_squeeze %dma_start3A_167 : memref<1x64xi32, #tpu.memory_space<vmem>> -> memref<64xi32, #tpu.memory_space<vmem>>
        %dma_start3A_169 = arith.constant 0 : i32
        %dma_start3A_170 = arith.constant 0 : i32
        %dma_start3A_171 = tpu.memref_slice %arg2[%dma_start3A_169, %dma_start3A_170] : memref<20480x128xf32, #tpu.memory_space<hbm>> -> memref<20480x128xf32, #tpu.memory_space<hbm>>
        tpu.enqueue_indirect_dma source(%dma_start3A_171 : memref<20480x128xf32, #tpu.memory_space<hbm>>) target(%dma_start3A_165 : memref<64x128xf32, #tpu.memory_space<vmem>>) offsets(%dma_start3A_168 : memref<64xi32, #tpu.memory_space<vmem>>) semaphore(%arg11 : memref<!tpu.dma_semaphore, #tpu.memory_space<semaphore_mem>>)
        %add3A_172 = arith.constant 2 : i32
        %add3A_173 = arith.addi %add3A_106, %add3A_172 : i32
        %dma_start3A_174 = arith.constant 64 : i32
        %dma_start3A_175 = arith.constant 0 : i32
        %dma_start3A_176 = tpu.memref_slice %arg8[%dma_start3A_174, %dma_start3A_175] : memref<128x128xf32, #tpu.memory_space<vmem>> -> memref<64x128xf32, #tpu.memory_space<vmem>>
        %dma_start3A_177 = arith.constant 64 : i32
        %dma_start3A_178 = tpu.memref_slice %arg6[%add3A_173, %dma_start3A_177] : memref<40x128xi32, #tpu.memory_space<vmem>> -> memref<1x64xi32, #tpu.memory_space<vmem>>
        %dma_start3A_179 = tpu.memref_squeeze %dma_start3A_178 : memref<1x64xi32, #tpu.memory_space<vmem>> -> memref<64xi32, #tpu.memory_space<vmem>>
        %dma_start3A_180 = arith.constant 0 : i32
        %dma_start3A_181 = arith.constant 0 : i32
        %dma_start3A_182 = tpu.memref_slice %arg2[%dma_start3A_180, %dma_start3A_181] : memref<20480x128xf32, #tpu.memory_space<hbm>> -> memref<20480x128xf32, #tpu.memory_space<hbm>>
        tpu.enqueue_indirect_dma source(%dma_start3A_182 : memref<20480x128xf32, #tpu.memory_space<hbm>>) target(%dma_start3A_176 : memref<64x128xf32, #tpu.memory_space<vmem>>) offsets(%dma_start3A_179 : memref<64xi32, #tpu.memory_space<vmem>>) semaphore(%arg11 : memref<!tpu.dma_semaphore, #tpu.memory_space<semaphore_mem>>)
      } else {
      }
      %mul3A_130 = arith.constant 2 : i32
      %mul3A_131 = arith.muli %scan3A_102, %mul3A_130 : i32
      %add3A_132 = arith.constant 1 : i32
      %add3A_133 = arith.addi %mul3A_131, %add3A_132 : i32
      %dma_wait3A_134 = arith.constant 0 : i32
      %dma_wait3A_135 = arith.constant 0 : i32
      %dma_wait3A_136 = tpu.memref_slice %arg9[%dma_wait3A_134, %dma_wait3A_135] : memref<128x128xf32, #tpu.memory_space<vmem>> -> memref<64x128xf32, #tpu.memory_space<vmem>>
      %dma_wait3A_137 = arith.constant 0 : i32
      %dma_wait3A_138 = tpu.memref_slice %arg6[%add3A_133, %dma_wait3A_137] : memref<40x128xi32, #tpu.memory_space<vmem>> -> memref<1x64xi32, #tpu.memory_space<vmem>>
      %dma_wait3A_139 = tpu.memref_squeeze %dma_wait3A_138 : memref<1x64xi32, #tpu.memory_space<vmem>> -> memref<64xi32, #tpu.memory_space<vmem>>
      %dma_wait3A_140 = arith.constant 0 : i32
      %dma_wait3A_141 = arith.constant 0 : i32
      %dma_wait3A_142 = tpu.memref_slice %arg2[%dma_wait3A_140, %dma_wait3A_141] : memref<20480x128xf32, #tpu.memory_space<hbm>> -> memref<20480x128xf32, #tpu.memory_space<hbm>>
      tpu.wait_indirect_dma semaphore(%arg12 : memref<!tpu.dma_semaphore, #tpu.memory_space<semaphore_mem>>) src(%dma_wait3A_142 : memref<20480x128xf32, #tpu.memory_space<hbm>>) dst(%dma_wait3A_136 : memref<64x128xf32, #tpu.memory_space<vmem>>)
      %dma_wait3A_143 = arith.constant 64 : i32
      %dma_wait3A_144 = arith.constant 0 : i32
      %dma_wait3A_145 = tpu.memref_slice %arg9[%dma_wait3A_143, %dma_wait3A_144] : memref<128x128xf32, #tpu.memory_space<vmem>> -> memref<64x128xf32, #tpu.memory_space<vmem>>
      %dma_wait3A_146 = arith.constant 64 : i32
      %dma_wait3A_147 = tpu.memref_slice %arg6[%add3A_133, %dma_wait3A_146] : memref<40x128xi32, #tpu.memory_space<vmem>> -> memref<1x64xi32, #tpu.memory_space<vmem>>
      %dma_wait3A_148 = tpu.memref_squeeze %dma_wait3A_147 : memref<1x64xi32, #tpu.memory_space<vmem>> -> memref<64xi32, #tpu.memory_space<vmem>>
      %dma_wait3A_149 = arith.constant 0 : i32
      %dma_wait3A_150 = arith.constant 0 : i32
      %dma_wait3A_151 = tpu.memref_slice %arg2[%dma_wait3A_149, %dma_wait3A_150] : memref<20480x128xf32, #tpu.memory_space<hbm>> -> memref<20480x128xf32, #tpu.memory_space<hbm>>
      tpu.wait_indirect_dma semaphore(%arg12 : memref<!tpu.dma_semaphore, #tpu.memory_space<semaphore_mem>>) src(%dma_wait3A_151 : memref<20480x128xf32, #tpu.memory_space<hbm>>) dst(%dma_wait3A_145 : memref<64x128xf32, #tpu.memory_space<vmem>>)
      %add3A_152 = arith.constant 40 : i32
      %add3A_153 = arith.addi %add3A_152, %add3A_133 : i32
      "tpu.region"() ({
        %run_scoped3A = tpu.sem_alloc : memref<!tpu.dma_semaphore, #tpu.memory_space<semaphore_mem>>
        %dma_start3A_161 = arith.constant 0 : i32
        %dma_start3A_162 = tpu.memref_slice %arg7[%add3A_153, %dma_start3A_161] : memref<80x128xi32, #tpu.memory_space<vmem>> -> memref<1x128xi32, #tpu.memory_space<vmem>>
        %dma_start3A_163 = tpu.memref_squeeze %dma_start3A_162 : memref<1x128xi32, #tpu.memory_space<vmem>> -> memref<128xi32, #tpu.memory_space<vmem>>
        %dma_start3A_164 = arith.constant 0 : i32
        %dma_start3A_165 = arith.constant 0 : i32
        %dma_start3A_166 = tpu.memref_slice %arg10[%dma_start3A_164, %dma_start3A_165] : memref<10240x128xf32, #tpu.memory_space<vmem_shared>> -> memref<10240x128xf32, #tpu.memory_space<vmem_shared>>
        tpu.enqueue_indirect_dma source(%arg9 : memref<128x128xf32, #tpu.memory_space<vmem>>) target(%dma_start3A_166 : memref<10240x128xf32, #tpu.memory_space<vmem_shared>>) offsets(%dma_start3A_163 : memref<128xi32, #tpu.memory_space<vmem>>) semaphore(%run_scoped3A : memref<!tpu.dma_semaphore, #tpu.memory_space<semaphore_mem>>) {add = true}
        %dma_wait3A_167 = arith.constant 0 : i32
        %dma_wait3A_168 = tpu.memref_slice %arg7[%add3A_153, %dma_wait3A_167] : memref<80x128xi32, #tpu.memory_space<vmem>> -> memref<1x128xi32, #tpu.memory_space<vmem>>
        %dma_wait3A_169 = tpu.memref_squeeze %dma_wait3A_168 : memref<1x128xi32, #tpu.memory_space<vmem>> -> memref<128xi32, #tpu.memory_space<vmem>>
        %dma_wait3A_170 = arith.constant 0 : i32
        %dma_wait3A_171 = arith.constant 0 : i32
        %dma_wait3A_172 = tpu.memref_slice %arg10[%dma_wait3A_170, %dma_wait3A_171] : memref<10240x128xf32, #tpu.memory_space<vmem_shared>> -> memref<10240x128xf32, #tpu.memory_space<vmem_shared>>
        tpu.wait_indirect_dma semaphore(%run_scoped3A : memref<!tpu.dma_semaphore, #tpu.memory_space<semaphore_mem>>) src(%arg9 : memref<128x128xf32, #tpu.memory_space<vmem>>) dst(%dma_wait3A_172 : memref<10240x128xf32, #tpu.memory_space<vmem_shared>>)
        tpu.yield
      }) : () -> ()
      %add3A_154 = arith.constant 2 : i32
      %add3A_155 = arith.addi %add3A_133, %add3A_154 : i32
      %lt3A_156 = arith.constant 40 : i32
      %lt3A_157 = arith.cmpi slt, %add3A_155, %lt3A_156 : i32
      %convert_element_type3A_158 = arith.extui %lt3A_157 : i1 to i32
      %cond3A_159 = arith.constant 0 : i32
      %cond3A_160 = arith.cmpi ne, %convert_element_type3A_158, %cond3A_159 : i32
      scf.if %cond3A_160 {
        %add3A_161 = arith.constant 2 : i32
        %add3A_162 = arith.addi %add3A_133, %add3A_161 : i32
        %dma_start3A_163 = arith.constant 0 : i32
        %dma_start3A_164 = arith.constant 0 : i32
        %dma_start3A_165 = tpu.memref_slice %arg9[%dma_start3A_163, %dma_start3A_164] : memref<128x128xf32, #tpu.memory_space<vmem>> -> memref<64x128xf32, #tpu.memory_space<vmem>>
        %dma_start3A_166 = arith.constant 0 : i32
        %dma_start3A_167 = tpu.memref_slice %arg6[%add3A_162, %dma_start3A_166] : memref<40x128xi32, #tpu.memory_space<vmem>> -> memref<1x64xi32, #tpu.memory_space<vmem>>
        %dma_start3A_168 = tpu.memref_squeeze %dma_start3A_167 : memref<1x64xi32, #tpu.memory_space<vmem>> -> memref<64xi32, #tpu.memory_space<vmem>>
        %dma_start3A_169 = arith.constant 0 : i32
        %dma_start3A_170 = arith.constant 0 : i32
        %dma_start3A_171 = tpu.memref_slice %arg2[%dma_start3A_169, %dma_start3A_170] : memref<20480x128xf32, #tpu.memory_space<hbm>> -> memref<20480x128xf32, #tpu.memory_space<hbm>>
        tpu.enqueue_indirect_dma source(%dma_start3A_171 : memref<20480x128xf32, #tpu.memory_space<hbm>>) target(%dma_start3A_165 : memref<64x128xf32, #tpu.memory_space<vmem>>) offsets(%dma_start3A_168 : memref<64xi32, #tpu.memory_space<vmem>>) semaphore(%arg12 : memref<!tpu.dma_semaphore, #tpu.memory_space<semaphore_mem>>)
        %add3A_172 = arith.constant 2 : i32
        %add3A_173 = arith.addi %add3A_133, %add3A_172 : i32
        %dma_start3A_174 = arith.constant 64 : i32
        %dma_start3A_175 = arith.constant 0 : i32
        %dma_start3A_176 = tpu.memref_slice %arg9[%dma_start3A_174, %dma_start3A_175] : memref<128x128xf32, #tpu.memory_space<vmem>> -> memref<64x128xf32, #tpu.memory_space<vmem>>
        %dma_start3A_177 = arith.constant 64 : i32
        %dma_start3A_178 = tpu.memref_slice %arg6[%add3A_173, %dma_start3A_177] : memref<40x128xi32, #tpu.memory_space<vmem>> -> memref<1x64xi32, #tpu.memory_space<vmem>>
        %dma_start3A_179 = tpu.memref_squeeze %dma_start3A_178 : memref<1x64xi32, #tpu.memory_space<vmem>> -> memref<64xi32, #tpu.memory_space<vmem>>
        %dma_start3A_180 = arith.constant 0 : i32
        %dma_start3A_181 = arith.constant 0 : i32
        %dma_start3A_182 = tpu.memref_slice %arg2[%dma_start3A_180, %dma_start3A_181] : memref<20480x128xf32, #tpu.memory_space<hbm>> -> memref<20480x128xf32, #tpu.memory_space<hbm>>
        tpu.enqueue_indirect_dma source(%dma_start3A_182 : memref<20480x128xf32, #tpu.memory_space<hbm>>) target(%dma_start3A_176 : memref<64x128xf32, #tpu.memory_space<vmem>>) offsets(%dma_start3A_179 : memref<64xi32, #tpu.memory_space<vmem>>) semaphore(%arg12 : memref<!tpu.dma_semaphore, #tpu.memory_space<semaphore_mem>>)
      } else {
      }
    }
    %scan3A_100 = arith.constant 20 : i32
    %barrier3A_101 = arith.constant 0 : index
    tpu.barrier barrier_id(%barrier3A_101)
    "tpu.region"() ({
      %run_scoped3A = tpu.sem_alloc : memref<!tpu.dma_semaphore, #tpu.memory_space<semaphore_mem>>
      %dma_start3A_102 = arith.constant 0 : i32
      %dma_start3A_103 = tpu.memref_slice %arg5[%arg0, %mul3A_0, %dma_start3A_102] : memref<2x10240x128xf32, #tpu.memory_space<hbm>> -> memref<1x640x128xf32, #tpu.memory_space<hbm>>
      %dma_start3A_104 = tpu.memref_squeeze %dma_start3A_103 : memref<1x640x128xf32, #tpu.memory_space<hbm>> -> memref<640x128xf32, #tpu.memory_space<hbm>>
      %dma_start3A_105 = arith.constant 0 : i32
      %dma_start3A_106 = tpu.memref_slice %arg10[%mul3A_0, %dma_start3A_105] : memref<10240x128xf32, #tpu.memory_space<vmem_shared>> -> memref<640x128xf32, #tpu.memory_space<vmem_shared>>
      tpu.enqueue_dma source(%dma_start3A_106 : memref<640x128xf32, #tpu.memory_space<vmem_shared>>) target(%dma_start3A_104 : memref<640x128xf32, #tpu.memory_space<hbm>>) target_semaphore(%run_scoped3A : memref<!tpu.dma_semaphore, #tpu.memory_space<semaphore_mem>>)
      %dma_wait3A = arith.constant 0 : i32
      %dma_wait3A_107 = tpu.memref_slice %arg5[%arg0, %mul3A_0, %dma_wait3A] : memref<2x10240x128xf32, #tpu.memory_space<hbm>> -> memref<1x640x128xf32, #tpu.memory_space<hbm>>
      %dma_wait3A_108 = tpu.memref_squeeze %dma_wait3A_107 : memref<1x640x128xf32, #tpu.memory_space<hbm>> -> memref<640x128xf32, #tpu.memory_space<hbm>>
      %dma_wait3A_109 = arith.constant 0 : i32
      %dma_wait3A_110 = tpu.memref_slice %arg10[%mul3A_0, %dma_wait3A_109] : memref<10240x128xf32, #tpu.memory_space<vmem_shared>> -> memref<640x128xf32, #tpu.memory_space<vmem_shared>>
      tpu.wait_dma2 semaphore(%run_scoped3A : memref<!tpu.dma_semaphore, #tpu.memory_space<semaphore_mem>>) src(%dma_wait3A_110 : memref<640x128xf32, #tpu.memory_space<vmem_shared>>) dst(%dma_wait3A_108 : memref<640x128xf32, #tpu.memory_space<hbm>>)
      tpu.yield
    }) : () -> ()
    return
  }
}

module attributes {stable_mosaic.version = 14 : i64} {
  func.func @_dense_x_body(%arg0: i32, %arg1: memref<1000x256xf32, #tpu.memory_space<vmem>>, %arg2: memref<256x256xf32, #tpu.memory_space<vmem>>, %arg3: memref<1x256xf32, #tpu.memory_space<vmem>>, %arg4: memref<256x256xf32, #tpu.memory_space<vmem>>, %arg5: memref<1x256xf32, #tpu.memory_space<vmem>>, %arg6: memref<1000x256xf32, #tpu.memory_space<vmem>>) attributes {dimension_semantics = [#tpu.dimension_semantics<arbitrary>], iteration_bounds = array<i64: 10>, scalar_prefetch = 0 : i64, scratch_operands = 0 : i64, tpu.core_type = #tpu.core_type<tc>, window_params = [{transform_indices = @transform_0, window_bounds = array<i64: 1000, 256>}, {pipeline_mode = #tpu.pipeline_mode<synchronous>, transform_indices = @transform_1, window_bounds = array<i64: 256, 256>}, {pipeline_mode = #tpu.pipeline_mode<synchronous>, transform_indices = @transform_2, window_bounds = array<i64: 1, 256>}, {pipeline_mode = #tpu.pipeline_mode<synchronous>, transform_indices = @transform_3, window_bounds = array<i64: 256, 256>}, {pipeline_mode = #tpu.pipeline_mode<synchronous>, transform_indices = @transform_4, window_bounds = array<i64: 1, 256>}, {transform_indices = @transform_5, window_bounds = array<i64: 1000, 256>}]} {
    %get3A = arith.constant 0 : index
    %get3A_0 = arith.constant 0 : index
    %get3A_1 = vector.load %arg1[%get3A, %get3A_0] : memref<1000x256xf32, #tpu.memory_space<vmem>>, vector<1000x256xf32>
    %get3A_2 = arith.constant 0 : index
    %get3A_3 = arith.constant 0 : index
    %get3A_4 = vector.load %arg2[%get3A_2, %get3A_3] : memref<256x256xf32, #tpu.memory_space<vmem>>, vector<256x256xf32>
    %dot_general3A = arith.constant dense<0.000000e+00> : vector<1000x256xf32>
    %dot_general3A_5 = tpu.matmul %get3A_1, %get3A_4, %dot_general3A {dimension_numbers = #tpu.dot_dimension_numbers<[1], [0], [0], [1], [0, 0, 1, 1], [], []>, transpose_lhs_hint = false} : vector<1000x256xf32>, vector<256x256xf32>, vector<1000x256xf32> -> vector<1000x256xf32>
    %get3A_6 = arith.constant 0 : index
    %get3A_7 = arith.constant 0 : index
    %get3A_8 = vector.load %arg3[%get3A_6, %get3A_7] : memref<1x256xf32, #tpu.memory_space<vmem>>, vector<1x256xf32>
    %add3A = vector.broadcast %get3A_8 : vector<1x256xf32> to vector<1000x256xf32>
    %add3A_9 = arith.addf %dot_general3A_5, %add3A : vector<1000x256xf32>
    %max3A = arith.constant 0.000000e+00 : f32
    %max3A_10 = vector.broadcast %max3A : f32 to vector<1000x256xf32>
    %max3A_11 = arith.maximumf %add3A_9, %max3A_10 : vector<1000x256xf32>
    %get3A_12 = arith.constant 0 : index
    %get3A_13 = arith.constant 0 : index
    %get3A_14 = vector.load %arg4[%get3A_12, %get3A_13] : memref<256x256xf32, #tpu.memory_space<vmem>>, vector<256x256xf32>
    %dot_general3A_15 = arith.constant dense<0.000000e+00> : vector<1000x256xf32>
    %dot_general3A_16 = tpu.matmul %max3A_11, %get3A_14, %dot_general3A_15 {dimension_numbers = #tpu.dot_dimension_numbers<[1], [0], [0], [1], [0, 0, 1, 1], [], []>, transpose_lhs_hint = false} : vector<1000x256xf32>, vector<256x256xf32>, vector<1000x256xf32> -> vector<1000x256xf32>
    %get3A_17 = arith.constant 0 : index
    %get3A_18 = arith.constant 0 : index
    %get3A_19 = vector.load %arg5[%get3A_17, %get3A_18] : memref<1x256xf32, #tpu.memory_space<vmem>>, vector<1x256xf32>
    %add3A_20 = vector.broadcast %get3A_19 : vector<1x256xf32> to vector<1000x256xf32>
    %add3A_21 = arith.addf %dot_general3A_16, %add3A_20 : vector<1000x256xf32>
    %swap3A = arith.constant 0 : index
    %swap3A_22 = arith.constant 0 : index
    %swap3A_23 = vector.load %arg6[%swap3A, %swap3A_22] : memref<1000x256xf32, #tpu.memory_space<vmem>>, vector<1000x256xf32>
    tpu.vector_store %arg6[%swap3A, %swap3A_22], %add3A_21 {strides = array<i32>} : memref<1000x256xf32, #tpu.memory_space<vmem>>, vector<1000x256xf32>,
    return
  }
  func.func @transform_0(%arg0: i32) -> (i32, i32) {
    %c0_i32 = arith.constant 0 : i32
    %c0_i32_0 = arith.constant 0 : i32
    return %arg0, %c0_i32 : i32, i32
  }
  func.func @transform_1(%arg0: i32) -> (i32, i32) {
    %c0_i32 = arith.constant 0 : i32
    %c0_i32_0 = arith.constant 0 : i32
    %c0_i32_1 = arith.constant 0 : i32
    return %c0_i32, %c0_i32_0 : i32, i32
  }
  func.func @transform_2(%arg0: i32) -> (i32, i32) {
    %c0_i32 = arith.constant 0 : i32
    %c0_i32_0 = arith.constant 0 : i32
    %c0_i32_1 = arith.constant 0 : i32
    return %c0_i32, %c0_i32_0 : i32, i32
  }
  func.func @transform_3(%arg0: i32) -> (i32, i32) {
    %c0_i32 = arith.constant 0 : i32
    %c0_i32_0 = arith.constant 0 : i32
    %c0_i32_1 = arith.constant 0 : i32
    return %c0_i32, %c0_i32_0 : i32, i32
  }
  func.func @transform_4(%arg0: i32) -> (i32, i32) {
    %c0_i32 = arith.constant 0 : i32
    %c0_i32_0 = arith.constant 0 : i32
    %c0_i32_1 = arith.constant 0 : i32
    return %c0_i32, %c0_i32_0 : i32, i32
  }
  func.func @transform_5(%arg0: i32) -> (i32, i32) {
    %c0_i32 = arith.constant 0 : i32
    %c0_i32_0 = arith.constant 0 : i32
    return %arg0, %c0_i32 : i32, i32
  }
}

module attributes {stable_mosaic.version = 14 : i64} {
  func.func @_dense_s_body(%arg0: i32, %arg1: memref<1000x256xf32, #tpu.memory_space<vmem>>, %arg2: memref<1x1000x128xf32, #tpu.memory_space<vmem>>, %arg3: memref<1x1000x128xf32, #tpu.memory_space<vmem>>, %arg4: memref<1000x1xf32, #tpu.memory_space<vmem>>, %arg5: memref<128x256xf32, #tpu.memory_space<vmem>>, %arg6: memref<128x256xf32, #tpu.memory_space<vmem>>, %arg7: memref<1x256xf32, #tpu.memory_space<vmem>>, %arg8: memref<256x256xf32, #tpu.memory_space<vmem>>, %arg9: memref<1000x256xf32, #tpu.memory_space<vmem>>) attributes {dimension_semantics = [#tpu.dimension_semantics<arbitrary>], iteration_bounds = array<i64: 10>, scalar_prefetch = 0 : i64, scratch_operands = 0 : i64, tpu.core_type = #tpu.core_type<tc>, window_params = [{transform_indices = @transform_0, window_bounds = array<i64: 1000, 256>}, {transform_indices = @transform_1, window_bounds = array<i64: 1, 1000, 128>}, {transform_indices = @transform_2, window_bounds = array<i64: 1, 1000, 128>}, {transform_indices = @transform_3, window_bounds = array<i64: 1000, 1>}, {pipeline_mode = #tpu.pipeline_mode<synchronous>, transform_indices = @transform_4, window_bounds = array<i64: 128, 256>}, {pipeline_mode = #tpu.pipeline_mode<synchronous>, transform_indices = @transform_5, window_bounds = array<i64: 128, 256>}, {pipeline_mode = #tpu.pipeline_mode<synchronous>, transform_indices = @transform_6, window_bounds = array<i64: 1, 256>}, {pipeline_mode = #tpu.pipeline_mode<synchronous>, transform_indices = @transform_7, window_bounds = array<i64: 256, 256>}, {transform_indices = @transform_8, window_bounds = array<i64: 1000, 256>}]} {
    %get3A = arith.constant 0 : index
    %get3A_0 = arith.constant 0 : index
    %get3A_1 = vector.load %arg4[%get3A, %get3A_0] : memref<1000x1xf32, #tpu.memory_space<vmem>>, vector<1000x1xf32>
    %get3A_2 = arith.constant 0 : index
    %get3A_3 = arith.constant 0 : index
    %get3A_4 = arith.constant 0 : index
    %get3A_5 = vector.load %arg2[%get3A_2, %get3A_3, %get3A_4] : memref<1x1000x128xf32, #tpu.memory_space<vmem>>, vector<1x1000x128xf32>
    %get3A_6 = vector.shape_cast %get3A_5 : vector<1x1000x128xf32> to vector<1000x128xf32>
    %mul3A = vector.broadcast %get3A_1 : vector<1000x1xf32> to vector<1000x128xf32>
    %mul3A_7 = arith.mulf %mul3A, %get3A_6 : vector<1000x128xf32>
    %get3A_8 = arith.constant 0 : index
    %get3A_9 = arith.constant 0 : index
    %get3A_10 = vector.load %arg4[%get3A_8, %get3A_9] : memref<1000x1xf32, #tpu.memory_space<vmem>>, vector<1000x1xf32>
    %get3A_11 = arith.constant 0 : index
    %get3A_12 = arith.constant 0 : index
    %get3A_13 = arith.constant 0 : index
    %get3A_14 = vector.load %arg3[%get3A_11, %get3A_12, %get3A_13] : memref<1x1000x128xf32, #tpu.memory_space<vmem>>, vector<1x1000x128xf32>
    %get3A_15 = vector.shape_cast %get3A_14 : vector<1x1000x128xf32> to vector<1000x128xf32>
    %mul3A_16 = vector.broadcast %get3A_10 : vector<1000x1xf32> to vector<1000x128xf32>
    %mul3A_17 = arith.mulf %mul3A_16, %get3A_15 : vector<1000x128xf32>
    %get3A_18 = arith.constant 0 : index
    %get3A_19 = arith.constant 0 : index
    %get3A_20 = vector.load %arg1[%get3A_18, %get3A_19] : memref<1000x256xf32, #tpu.memory_space<vmem>>, vector<1000x256xf32>
    %get3A_21 = arith.constant 0 : index
    %get3A_22 = arith.constant 0 : index
    %get3A_23 = vector.load %arg5[%get3A_21, %get3A_22] : memref<128x256xf32, #tpu.memory_space<vmem>>, vector<128x256xf32>
    %dot_general3A = arith.constant dense<0.000000e+00> : vector<1000x256xf32>
    %dot_general3A_24 = tpu.matmul %mul3A_7, %get3A_23, %dot_general3A {dimension_numbers = #tpu.dot_dimension_numbers<[1], [0], [0], [1], [0, 0, 1, 1], [], []>, transpose_lhs_hint = false} : vector<1000x128xf32>, vector<128x256xf32>, vector<1000x256xf32> -> vector<1000x256xf32>
    %get3A_25 = arith.constant 0 : index
    %get3A_26 = arith.constant 0 : index
    %get3A_27 = vector.load %arg6[%get3A_25, %get3A_26] : memref<128x256xf32, #tpu.memory_space<vmem>>, vector<128x256xf32>
    %dot_general3A_28 = arith.constant dense<0.000000e+00> : vector<1000x256xf32>
    %dot_general3A_29 = tpu.matmul %mul3A_17, %get3A_27, %dot_general3A_28 {dimension_numbers = #tpu.dot_dimension_numbers<[1], [0], [0], [1], [0, 0, 1, 1], [], []>, transpose_lhs_hint = false} : vector<1000x128xf32>, vector<128x256xf32>, vector<1000x256xf32> -> vector<1000x256xf32>
    %add3A = arith.addf %dot_general3A_24, %dot_general3A_29 : vector<1000x256xf32>
    %get3A_30 = arith.constant 0 : index
    %get3A_31 = arith.constant 0 : index
    %get3A_32 = vector.load %arg7[%get3A_30, %get3A_31] : memref<1x256xf32, #tpu.memory_space<vmem>>, vector<1x256xf32>
    %add3A_33 = vector.broadcast %get3A_32 : vector<1x256xf32> to vector<1000x256xf32>
    %add3A_34 = arith.addf %add3A, %add3A_33 : vector<1000x256xf32>
    %max3A = arith.constant 0.000000e+00 : f32
    %max3A_35 = vector.broadcast %max3A : f32 to vector<1000x256xf32>
    %max3A_36 = arith.maximumf %add3A_34, %max3A_35 : vector<1000x256xf32>
    %get3A_37 = arith.constant 0 : index
    %get3A_38 = arith.constant 0 : index
    %get3A_39 = vector.load %arg8[%get3A_37, %get3A_38] : memref<256x256xf32, #tpu.memory_space<vmem>>, vector<256x256xf32>
    %dot_general3A_40 = arith.constant dense<0.000000e+00> : vector<1000x256xf32>
    %dot_general3A_41 = tpu.matmul %max3A_36, %get3A_39, %dot_general3A_40 {dimension_numbers = #tpu.dot_dimension_numbers<[1], [0], [0], [1], [0, 0, 1, 1], [], []>, transpose_lhs_hint = false} : vector<1000x256xf32>, vector<256x256xf32>, vector<1000x256xf32> -> vector<1000x256xf32>
    %add3A_42 = arith.addf %get3A_20, %dot_general3A_41 : vector<1000x256xf32>
    %swap3A = arith.constant 0 : index
    %swap3A_43 = arith.constant 0 : index
    %swap3A_44 = vector.load %arg9[%swap3A, %swap3A_43] : memref<1000x256xf32, #tpu.memory_space<vmem>>, vector<1000x256xf32>
    tpu.vector_store %arg9[%swap3A, %swap3A_43], %add3A_42 {strides = array<i32>} : memref<1000x256xf32, #tpu.memory_space<vmem>>, vector<1000x256xf32>,
    return
  }
  func.func @transform_0(%arg0: i32) -> (i32, i32) {
    %c0_i32 = arith.constant 0 : i32
    %c0_i32_0 = arith.constant 0 : i32
    return %arg0, %c0_i32 : i32, i32
  }
  func.func @transform_1(%arg0: i32) -> (i32, i32, i32) {
    %c0_i32 = arith.constant 0 : i32
    %c0_i32_0 = arith.constant 0 : i32
    %c0_i32_1 = arith.constant 0 : i32
    return %c0_i32, %arg0, %c0_i32_0 : i32, i32, i32
  }
  func.func @transform_2(%arg0: i32) -> (i32, i32, i32) {
    %c1_i32 = arith.constant 1 : i32
    %c0_i32 = arith.constant 0 : i32
    %c0_i32_0 = arith.constant 0 : i32
    return %c1_i32, %arg0, %c0_i32 : i32, i32, i32
  }
  func.func @transform_3(%arg0: i32) -> (i32, i32) {
    %c0_i32 = arith.constant 0 : i32
    %c0_i32_0 = arith.constant 0 : i32
    return %arg0, %c0_i32 : i32, i32
  }
  func.func @transform_4(%arg0: i32) -> (i32, i32) {
    %c0_i32 = arith.constant 0 : i32
    %c0_i32_0 = arith.constant 0 : i32
    %c0_i32_1 = arith.constant 0 : i32
    return %c0_i32, %c0_i32_0 : i32, i32
  }
  func.func @transform_5(%arg0: i32) -> (i32, i32) {
    %c0_i32 = arith.constant 0 : i32
    %c0_i32_0 = arith.constant 0 : i32
    %c0_i32_1 = arith.constant 0 : i32
    return %c0_i32, %c0_i32_0 : i32, i32
  }
  func.func @transform_6(%arg0: i32) -> (i32, i32) {
    %c0_i32 = arith.constant 0 : i32
    %c0_i32_0 = arith.constant 0 : i32
    %c0_i32_1 = arith.constant 0 : i32
    return %c0_i32, %c0_i32_0 : i32, i32
  }
  func.func @transform_7(%arg0: i32) -> (i32, i32) {
    %c0_i32 = arith.constant 0 : i32
    %c0_i32_0 = arith.constant 0 : i32
    %c0_i32_1 = arith.constant 0 : i32
    return %c0_i32, %c0_i32_0 : i32, i32
  }
  func.func @transform_8(%arg0: i32) -> (i32, i32) {
    %c0_i32 = arith.constant 0 : i32
    %c0_i32_0 = arith.constant 0 : i32
    return %arg0, %c0_i32 : i32, i32
  }
}

module attributes {stable_mosaic.version = 14 : i64} {
  func.func @_dense_s_body(%arg0: i32, %arg1: memref<1000x256xf32, #tpu.memory_space<vmem>>, %arg2: memref<1x1000x128xf32, #tpu.memory_space<vmem>>, %arg3: memref<1x1000x128xf32, #tpu.memory_space<vmem>>, %arg4: memref<1000x1xf32, #tpu.memory_space<vmem>>, %arg5: memref<128x256xf32, #tpu.memory_space<vmem>>, %arg6: memref<128x256xf32, #tpu.memory_space<vmem>>, %arg7: memref<1x256xf32, #tpu.memory_space<vmem>>, %arg8: memref<256x256xf32, #tpu.memory_space<vmem>>, %arg9: memref<1000x256xf32, #tpu.memory_space<vmem>>) attributes {dimension_semantics = [#tpu.dimension_semantics<arbitrary>], iteration_bounds = array<i64: 10>, scalar_prefetch = 0 : i64, scratch_operands = 0 : i64, tpu.core_type = #tpu.core_type<tc>, window_params = [{transform_indices = @transform_0, window_bounds = array<i64: 1000, 256>}, {transform_indices = @transform_1, window_bounds = array<i64: 1, 1000, 128>}, {transform_indices = @transform_2, window_bounds = array<i64: 1, 1000, 128>}, {transform_indices = @transform_3, window_bounds = array<i64: 1000, 1>}, {pipeline_mode = #tpu.pipeline_mode<synchronous>, transform_indices = @transform_4, window_bounds = array<i64: 128, 256>}, {pipeline_mode = #tpu.pipeline_mode<synchronous>, transform_indices = @transform_5, window_bounds = array<i64: 128, 256>}, {pipeline_mode = #tpu.pipeline_mode<synchronous>, transform_indices = @transform_6, window_bounds = array<i64: 1, 256>}, {pipeline_mode = #tpu.pipeline_mode<synchronous>, transform_indices = @transform_7, window_bounds = array<i64: 256, 256>}, {transform_indices = @transform_8, window_bounds = array<i64: 1000, 256>}]} {
    %get3A = arith.constant 0 : index
    %get3A_0 = arith.constant 0 : index
    %get3A_1 = vector.load %arg4[%get3A, %get3A_0] : memref<1000x1xf32, #tpu.memory_space<vmem>>, vector<1000x1xf32>
    %get3A_2 = arith.constant 0 : index
    %get3A_3 = arith.constant 0 : index
    %get3A_4 = arith.constant 0 : index
    %get3A_5 = vector.load %arg2[%get3A_2, %get3A_3, %get3A_4] : memref<1x1000x128xf32, #tpu.memory_space<vmem>>, vector<1x1000x128xf32>
    %get3A_6 = vector.shape_cast %get3A_5 : vector<1x1000x128xf32> to vector<1000x128xf32>
    %mul3A = vector.broadcast %get3A_1 : vector<1000x1xf32> to vector<1000x128xf32>
    %mul3A_7 = arith.mulf %mul3A, %get3A_6 : vector<1000x128xf32>
    %get3A_8 = arith.constant 0 : index
    %get3A_9 = arith.constant 0 : index
    %get3A_10 = vector.load %arg4[%get3A_8, %get3A_9] : memref<1000x1xf32, #tpu.memory_space<vmem>>, vector<1000x1xf32>
    %get3A_11 = arith.constant 0 : index
    %get3A_12 = arith.constant 0 : index
    %get3A_13 = arith.constant 0 : index
    %get3A_14 = vector.load %arg3[%get3A_11, %get3A_12, %get3A_13] : memref<1x1000x128xf32, #tpu.memory_space<vmem>>, vector<1x1000x128xf32>
    %get3A_15 = vector.shape_cast %get3A_14 : vector<1x1000x128xf32> to vector<1000x128xf32>
    %mul3A_16 = vector.broadcast %get3A_10 : vector<1000x1xf32> to vector<1000x128xf32>
    %mul3A_17 = arith.mulf %mul3A_16, %get3A_15 : vector<1000x128xf32>
    %get3A_18 = arith.constant 0 : index
    %get3A_19 = arith.constant 0 : index
    %get3A_20 = vector.load %arg1[%get3A_18, %get3A_19] : memref<1000x256xf32, #tpu.memory_space<vmem>>, vector<1000x256xf32>
    %get3A_21 = arith.constant 0 : index
    %get3A_22 = arith.constant 0 : index
    %get3A_23 = vector.load %arg5[%get3A_21, %get3A_22] : memref<128x256xf32, #tpu.memory_space<vmem>>, vector<128x256xf32>
    %dot_general3A = arith.constant dense<0.000000e+00> : vector<1000x256xf32>
    %dot_general3A_24 = tpu.matmul %mul3A_7, %get3A_23, %dot_general3A {dimension_numbers = #tpu.dot_dimension_numbers<[1], [0], [0], [1], [0, 0, 1, 1], [], []>, transpose_lhs_hint = false} : vector<1000x128xf32>, vector<128x256xf32>, vector<1000x256xf32> -> vector<1000x256xf32>
    %get3A_25 = arith.constant 0 : index
    %get3A_26 = arith.constant 0 : index
    %get3A_27 = vector.load %arg6[%get3A_25, %get3A_26] : memref<128x256xf32, #tpu.memory_space<vmem>>, vector<128x256xf32>
    %dot_general3A_28 = arith.constant dense<0.000000e+00> : vector<1000x256xf32>
    %dot_general3A_29 = tpu.matmul %mul3A_17, %get3A_27, %dot_general3A_28 {dimension_numbers = #tpu.dot_dimension_numbers<[1], [0], [0], [1], [0, 0, 1, 1], [], []>, transpose_lhs_hint = false} : vector<1000x128xf32>, vector<128x256xf32>, vector<1000x256xf32> -> vector<1000x256xf32>
    %add3A = arith.addf %dot_general3A_24, %dot_general3A_29 : vector<1000x256xf32>
    %get3A_30 = arith.constant 0 : index
    %get3A_31 = arith.constant 0 : index
    %get3A_32 = vector.load %arg7[%get3A_30, %get3A_31] : memref<1x256xf32, #tpu.memory_space<vmem>>, vector<1x256xf32>
    %add3A_33 = vector.broadcast %get3A_32 : vector<1x256xf32> to vector<1000x256xf32>
    %add3A_34 = arith.addf %add3A, %add3A_33 : vector<1000x256xf32>
    %max3A = arith.constant 0.000000e+00 : f32
    %max3A_35 = vector.broadcast %max3A : f32 to vector<1000x256xf32>
    %max3A_36 = arith.maximumf %add3A_34, %max3A_35 : vector<1000x256xf32>
    %get3A_37 = arith.constant 0 : index
    %get3A_38 = arith.constant 0 : index
    %get3A_39 = vector.load %arg8[%get3A_37, %get3A_38] : memref<256x256xf32, #tpu.memory_space<vmem>>, vector<256x256xf32>
    %dot_general3A_40 = arith.constant dense<0.000000e+00> : vector<1000x256xf32>
    %dot_general3A_41 = tpu.matmul %max3A_36, %get3A_39, %dot_general3A_40 {dimension_numbers = #tpu.dot_dimension_numbers<[1], [0], [0], [1], [0, 0, 1, 1], [], []>, transpose_lhs_hint = false} : vector<1000x256xf32>, vector<256x256xf32>, vector<1000x256xf32> -> vector<1000x256xf32>
    %add3A_42 = arith.addf %get3A_20, %dot_general3A_41 : vector<1000x256xf32>
    %swap3A = arith.constant 0 : index
    %swap3A_43 = arith.constant 0 : index
    %swap3A_44 = vector.load %arg9[%swap3A, %swap3A_43] : memref<1000x256xf32, #tpu.memory_space<vmem>>, vector<1000x256xf32>
    tpu.vector_store %arg9[%swap3A, %swap3A_43], %add3A_42 {strides = array<i32>} : memref<1000x256xf32, #tpu.memory_space<vmem>>, vector<1000x256xf32>,
    return
  }
  func.func @transform_0(%arg0: i32) -> (i32, i32) {
    %c0_i32 = arith.constant 0 : i32
    %c0_i32_0 = arith.constant 0 : i32
    return %arg0, %c0_i32 : i32, i32
  }
  func.func @transform_1(%arg0: i32) -> (i32, i32, i32) {
    %c0_i32 = arith.constant 0 : i32
    %c0_i32_0 = arith.constant 0 : i32
    %c0_i32_1 = arith.constant 0 : i32
    return %c0_i32, %arg0, %c0_i32_0 : i32, i32, i32
  }
  func.func @transform_2(%arg0: i32) -> (i32, i32, i32) {
    %c1_i32 = arith.constant 1 : i32
    %c0_i32 = arith.constant 0 : i32
    %c0_i32_0 = arith.constant 0 : i32
    return %c1_i32, %arg0, %c0_i32 : i32, i32, i32
  }
  func.func @transform_3(%arg0: i32) -> (i32, i32) {
    %c0_i32 = arith.constant 0 : i32
    %c0_i32_0 = arith.constant 0 : i32
    return %arg0, %c0_i32 : i32, i32
  }
  func.func @transform_4(%arg0: i32) -> (i32, i32) {
    %c0_i32 = arith.constant 0 : i32
    %c0_i32_0 = arith.constant 0 : i32
    %c0_i32_1 = arith.constant 0 : i32
    return %c0_i32, %c0_i32_0 : i32, i32
  }
  func.func @transform_5(%arg0: i32) -> (i32, i32) {
    %c0_i32 = arith.constant 0 : i32
    %c0_i32_0 = arith.constant 0 : i32
    %c0_i32_1 = arith.constant 0 : i32
    return %c0_i32, %c0_i32_0 : i32, i32
  }
  func.func @transform_6(%arg0: i32) -> (i32, i32) {
    %c0_i32 = arith.constant 0 : i32
    %c0_i32_0 = arith.constant 0 : i32
    %c0_i32_1 = arith.constant 0 : i32
    return %c0_i32, %c0_i32_0 : i32, i32
  }
  func.func @transform_7(%arg0: i32) -> (i32, i32) {
    %c0_i32 = arith.constant 0 : i32
    %c0_i32_0 = arith.constant 0 : i32
    %c0_i32_1 = arith.constant 0 : i32
    return %c0_i32, %c0_i32_0 : i32, i32
  }
  func.func @transform_8(%arg0: i32) -> (i32, i32) {
    %c0_i32 = arith.constant 0 : i32
    %c0_i32_0 = arith.constant 0 : i32
    return %arg0, %c0_i32 : i32, i32
  }
}

</mosaic_0001>

<sc_bundles>
// kernel: kernel.11.cloned.1.call-start
scs
__scs_entry_jumppad:
0x0: {  	(pc) =	sbr.rel $0x88, $3  }
0x1: {  	(tag) =	ssettag $0x0;
	lr =	simm.s32 $0x1  }
0x2: {  	[smem:$0x3F96] =	sst lr;
	_ =	strace $0xD0000000  }
0x3: {  	_ = 	snop  }
0x4: {  	_ = 	snop  }
0x5: {  	_ = 	snop  }
0x6: {  	_ = 	snop  }
0x7: {  	_ = 	snop  }
__scs_overlays_trampoline_lowered:
0x8: {  	[smem:$0x3FA5] =	sst s0  }
0x9: {  	[smem:$0x3FA6] =	sst s1  }
0xa: {  	[smem:$0x3FA7] =	sst s2  }
0xb: {  	[smem:$0x3FA8] =	sst s3  }
0xc: {  	[smem:$0x3FA9] =	sst s4  }
0xd: {  	[smem:$0x3FAA] =	sst s5  }
0xe: {  	[smem:$0x3FAB] =	sst s6  }
0xf: {  	[smem:$0x3FAC] =	sst s7  }
0x10: {  	[smem:$0x3FAD] =	sst s8  }
0x11: {  	[smem:$0x3FAE] =	sst s9;
	s0 =	simm.s32 @!p0 $0x0  }
0x12: {  	s1 =	sld [smem:$0x3F94];
	s0 =	simm.s32 @p0 $0x1  }
0x13: {  	[smem:$0x3FAF] =	sst s0;
	s0 =	simm.s32 @!p1 $0x0  }
0x14: {  	s2 =	sld [smem:$0x3F93];
	s0 =	simm.s32 @p1 $0x1  }
0x15: {  	[smem:$0x3FB0] =	sst s0;
	s0 =	simm.s32 @!p2 $0x0  }
0x16: {  	s3 =	sld [smem:$0x3FDB];
	s0 =	simm.s32 @p2 $0x1  }
0x17: {  	s4 =	simm.s32 $0x1BF5;
	[smem:$0x3FB2] =	sst s0  }
0x18: {  	s0 =	sld [smem:$0x3F95];
	_ =	swait.ge [sflag:s4], $0x0  }
0x19: {  	s7 =	sld [smem:$0x3F96]  }
0x1a: {  	s8 =	sadd.s32 $0xFFFFE003, lr  }
0x1b: {  	s9 =	sadd.s32 $0xFFFFFEF7, lr;
	s5 =	simm.s32 $0xFFFFFFFF;
	p2 =	slt.u32 s8, $0xFFFFF086  }
0x1c: {  	p1 =	slt.u32 s9, $0xF7A;
	s5 =	simm.s32 @!p2 $0x0  }
0x1d: {  	s5 =	simm.s32 @p1 $0x1;
	p0 =	seq.s32 s7, s2  }
0x1e: {  	s7 =	smul.u32 @!p0 $0xF7A, s2;
	p2 =	seq.s32 @!p0 s5, $0x0  }
0x1f: {  	s9 =	smul.u32 $0xF7A, s1;
	s8 =	simm.s32 @!p0 $0x1BF5;
	p2 =	por !p2, p0  }
0x20: {  	[sflag:s8] =	ssyncset.s32 @!p0 $0xFFFFF086;
	s6 =	sadd.s32 @!p0 s3, s7;
	s7 =	simm.s32 @!p0 $0x108  }
0x21: {  	s3 =	sadd.s32 s3, s9;
	s6 =	sadd.s32 @!p0 $0x88, s6;
	s7 =	simm.s32 @p2 $0x1082  }
0x22: {  	[simem:s7], [sflag:s8] =	dma.local @!p0 [hbm:s6], $0xF7A  }
0x23: {  	s9 =	sor.u32 $0xD0000000, s2;
	s6 =	simm.s32 $0x108;
	_ =	swait.ge @!p0 [sflag:s8], $0x0  }
0x24: {  	s3 =	sadd.s32 $0x88, s3;
	s6 =	simm.s32 @!p1 $0x1082;
	[sflag:s4] =	ssyncset.s32 $0xFFFFF086  }
0x25: {  	[simem:s6], [sflag:s4] =	dma.local [hbm:s3], $0xF7A  }
0x26: {  	[smem:$0x3F96] =	sst s1;
	(tag) =	ssettag s2;
	_ =	strace s9  }
0x27: {  	s1 =	sld [smem:$0x3FA6]  }
0x28: {  	s2 =	sld [smem:$0x3FA7]  }
0x29: {  	s4 =	sld [smem:$0x3FA9]  }
0x2a: {  	p0 =	seq.s32 s5, $0x0;
	s5 =	sld [smem:$0x3FAA]  }
0x2b: {  	s6 =	sld [smem:$0x3FAB]  }
0x2c: {  	s7 =	sld [smem:$0x3FAC]  }
0x2d: {  	s3 =	simm.s32 $0x108;
	s8 =	sld [smem:$0x3FAD]  }
0x2e: {  	s3 =	simm.s32 @!p0 $0x1082;
	s9 =	sld [smem:$0x3FAE]  }
0x2f: {  	lr =	sadd.s32 s0, s3;
	s0 =	sld [smem:$0x3FA5]  }
0x30: {  	s3 =	sld [smem:$0x3FA8]  }
0x31: {  	[smem:$0x3FB1] =	sst s10  }
0x32: {  	s10 =	sld [smem:$0x3FAF];
	_ =	sdelay $0x3  }
0x33: {  	p0 =	seq.s32 s10, $0x1;
	s10 =	sld [smem:$0x3FB1];
	_ =	sdelay $0x3  }
0x34: {  	[smem:$0x3FB1] =	sst s10  }
0x35: {  	s10 =	sld [smem:$0x3FB0];
	_ =	sdelay $0x3  }
0x36: {  	p1 =	seq.s32 s10, $0x1;
	s10 =	sld [smem:$0x3FB1];
	_ =	sdelay $0x3  }
0x37: {  	[smem:$0x3FB1] =	sst s10  }
0x38: {  	s10 =	sld [smem:$0x3FB2]  }
0x39: {  	_ = 	snop;
	(pc) =	sbr.ind lr, $3  }
0x3a: {  	_ = 	snop  }
0x3b: {  	_ = 	snop  }
0x3c: {  	p2 =	seq.s32 s10, $0x1;
	s10 =	sld [smem:$0x3FB1]  }
0x3d: {  	_ =	shalt  }
0x3e: {  	_ =	shalt  }
0x3f: {  	_ =	shalt  }
0x40: {  	_ =	shalt  }
0x41: {  	_ =	shalt  }
0x42: {  	_ =	shalt  }
0x43: {  	_ =	shalt  }
0x44: {  	_ =	shalt  }
0x45: {  	_ =	shalt  }
0x46: {  	_ =	shalt  }
0x47: {  	_ =	shalt  }
0x48: {  	_ =	shalt  }
0x49: {  	_ =	shalt  }
0x4a: {  	_ =	shalt  }
0x4b: {  	_ =	shalt  }
0x4c: {  	_ =	shalt  }
0x4d: {  	_ =	shalt  }
0x4e: {  	_ =	shalt  }
0x4f: {  	_ =	shalt  }
0x50: {  	_ =	shalt  }
0x51: {  	_ =	shalt  }
0x52: {  	_ =	shalt  }
0x53: {  	_ =	shalt  }
0x54: {  	_ =	shalt  }
0x55: {  	_ =	shalt  }
0x56: {  	_ =	shalt  }
0x57: {  	_ =	shalt  }
0x58: {  	_ =	shalt  }
0x59: {  	_ =	shalt  }
0x5a: {  	_ =	shalt  }
0x5b: {  	_ =	shalt  }
0x5c: {  	_ =	shalt  }
0x5d: {  	_ =	shalt  }
0x5e: {  	_ =	shalt  }
0x5f: {  	_ =	shalt  }
0x60: {  	_ =	shalt  }
0x61: {  	_ =	shalt  }
0x62: {  	_ =	shalt  }
0x63: {  	_ =	shalt  }
0x64: {  	_ =	shalt  }
0x65: {  	_ =	shalt  }
0x66: {  	_ =	shalt  }
0x67: {  	_ =	shalt  }
0x68: {  	_ =	shalt  }
0x69: {  	_ =	shalt  }
0x6a: {  	_ =	shalt  }
0x6b: {  	_ =	shalt  }
0x6c: {  	_ =	shalt  }
0x6d: {  	_ =	shalt  }
0x6e: {  	_ =	shalt  }
0x6f: {  	_ =	shalt  }
0x70: {  	_ =	shalt  }
0x71: {  	_ =	shalt  }
0x72: {  	_ =	shalt  }
0x73: {  	_ =	shalt  }
0x74: {  	_ =	shalt  }
0x75: {  	_ =	shalt  }
0x76: {  	_ =	shalt  }
0x77: {  	_ =	shalt  }
0x78: {  	_ =	shalt  }
0x79: {  	_ =	shalt  }
0x7a: {  	_ =	shalt  }
0x7b: {  	_ =	shalt  }
0x7c: {  	_ =	shalt  }
0x7d: {  	_ =	shalt  }
0x7e: {  	_ =	shalt  }
0x7f: {  	_ =	shalt  }
0x80: {  	_ =	shalt  }
0x81: {  	_ =	shalt  }
0x82: {  	_ =	shalt  }
0x83: {  	_ =	shalt  }
0x84: {  	_ =	shalt  }
0x85: {  	_ =	shalt  }
0x86: {  	_ =	shalt  }
0x87: {  	_ =	shalt  }
.Lfunc_end0:
.L_simem_size_0:
called_computation.1_lowered:
.L_overlay_start_0:
0x88: {  	s2 =	sld [smem:$0x3FD9]  }
0x89: {  	s3 =	sld [smem:$0x3FFE];
	_ =	sdelay $0x1  }
0x8a: {  	s1 =	srdreg.scid  }
0x8b: {  	s0 =	sand.u32 $0x1, s1  }
0x8c: {  	s14 =	sshll.u32 s0, $0xA;
	s2 =	sadd.s32 s3, s2  }
0x8d: {  	s2 =	sadd.s32 s2, s14  }
0x8e: {  	[smem:$0x3FBD] =	sst s2  }
0x8f: {  	_ = 	snop  }
0x90: {  	s2 =	sld [smem:$0x3FD0];
	_ =	sdelay $0x2  }
0x91: {  	s15 =	simm.s32 $0xA;
	s4 =	simm.s32 $0x10  }
0x92: {  	[smem:s4], [sflag:s15] =	dma.local [hbm:s2], $0x1  }
0x93: {  	_ =	swait.eq [sflag:s15], $0x1  }
0x94: {  	[sflag:s15] =	ssyncset.done $0x0  }
0x95: {  	[sflag:s15] =	ssyncadd.s32 $0xFFFFFFFF  }
0x96: {  	s16 =	sld [smem:$0x10];
	(tm) =	ssettm $0x1  }
0x97: {  	s17 =	sld [smem:$0x3FFB];
	_ =	sdelay $0x3  }
0x98: {  	_ =	strace s17  }
0x99: {  	s3 =	sld [smem:$0x3FFC];
	_ =	sdelay $0x3  }
0x9a: {  	_ =	strace s3  }
0x9b: {  	s3 =	sld [smem:$0x3FFD];
	_ =	sdelay $0x3  }
0x9c: {  	_ =	strace s3  }
0x9d: {  	_ =	strace $0x8FFFFFFF  }
0x9e: {  	s18 =	sld [smem:$0x3FDB];
	_ =	sdelay $0x1  }
0x9f: {  	s19 =	simm.s32 $_scs_section_size  }
0xa0: {  	s5 =	simm.s32 $_size__tile_overlayer_lowered;
	s6 =	simm.s32 $_tile_overlayer_lowered  }
0xa1: {  	s22 =	simm.s32 $0x1BFF;
	s21 =	sshll.u32 s6, $0x1;
	s3 =	sadd.s32 s19, s18  }
0xa2: {  	s7 =	simm.s32 $0x0;
	s20 =	sshll.u32 s5, $0x1;
	s5 =	sadd.s32 s21, s3  }
0xa3: {  	[timem:s7], [sflag:s22] =	dma.local [hbm:s5], s20  }
0xa4: {  	_ =	swait.ge [sflag:s22], s20  }
0xa5: {  	s4 =	ssub.s32 $0x0, s20;
	[sflag:s22] =	ssyncset.done $0x0  }
0xa6: {  	[sflag:s22] =	ssyncadd.s32 s4;
	_ =	sdelay $0x1  }
0xa7: {  	s23 =	simm.s32 $0x1B8B  }
0xa8: {  	_ =	swait.ge [sflag:s23], $0x1  }
0xa9: {  	[sflag:s23] =	ssyncset.done $0x0  }
0xaa: {  	s25 =	simm.s32 $0x1B8E;
	s24 =	sld [smem:$0x3FFE];
	[sflag:s23] =	ssyncadd.s32 $0xFFFFFFFF  }
0xab: {  	s26 =	simm.s32 $execute0_lowered;
	[smem:$0x3FD2] =	sst s25  }
0xac: {  	s5 =	sshll.u32 s26, $0x1;
	_ =	strace $0x80000049;
	[dreg:$0x1] =	wrdreg $0xFFFFFFFF  }
0xad: {  	s28 =	simm.s32 $_size_execute0_lowered;
	s3 =	sadd.s32 s3, s5;
	[dreg:$0x0] =	wrdreg $0x0  }
0xae: {  	s5 =	sshll.u32 s28, $0x1;
	[dreg:$0x2] =	wrdreg s3  }
0xaf: {  	[dreg:$0x3] =	wrdreg s5  }
0xb0: {  	[dreg:$0x4] =	wrdreg $0xC0  }
0xb1: {  	_ =	task [dreg:s7], $0x5FFFF  }
0xb2: {  	[dreg:$0x1] =	wrdreg $0xFFFFFFFF  }
0xb3: {  	[dreg:$0x0] =	wrdreg $0x60  }
0xb4: {  	[dreg:$0x2] =	wrdreg s24  }
0xb5: {  	[dreg:$0x3] =	wrdreg s16  }
0xb6: {  	[dreg:$0x4] =	wrdreg $0xBC000  }
0xb7: {  	[dreg:$0x5] =	wrdreg $0x9  }
0xb8: {  	_ =	task.clear_ibuf [dreg:s7], $0x6FFFF;
	_ =	strace $0x90000049  }
0xb9: {  	s29 =	simm.s32 $0x9;
	_ =	strace $0x8000004B  }
0xba: {  	_ =	swait.ge [sflag:s29], $0x1  }
0xbb: {  	[sflag:s29] =	ssyncadd.s32 $0xFFFFFFFF  }
0xbc: {  	_ =	strace $0x9000004B  }
0xbd: {  	_ =	sfence  }
0xbe: {  	s30 =	sld [smem:$0x0];
	_ =	sdelay $0x2  }
0xbf: {  	s31 =	sshll.u32 s1, $0xD;
	s1 =	sshrl.u32 s1, $0x2  }
0xc0: {  	s3 =	sand.u32 $0x4000, s31;
	s1 =	sadd.s32 s1, s30  }
0xc1: {  	s0 =	sor.u32 s3, s0;
	s1 =	sshll.u32 s1, $0x11  }
0xc2: {  	s0 =	sor.u32 s1, s0  }
0xc3: {  	s0 =	sadd.s32 $0x8F2B, s0  }
0xc4: {  	[sflag:s0] =	ssyncadd.remote.s32 $0x1  }
0xc5: {  	_ =	sfence.sel $0xFFFF  }
0xc6: {  	[dreg:$0x0] =	wrdreg $0xFFFFFFFF;
	(pc) =	sbr.abs _section_cstart, $3  }
0xc7: {  	[dreg:$0x1] =	wrdreg $0xFFFFFFFF  }
0xc8: {  	_ =	task.clear_ibuf [dreg:s7], $0x2FFFF;
	_ =	strace $0x9FFFFFFF  }
0xc9: {  	(tm) =	ssettm $0x7FFFFFFF  }
tec
execute0_lowered:
.L_overlay_start_1:
0x0: {  	(tag) =	ssettag $0x1  }
0x1: {  	s5 =	rddreg [dreg:$0x0]  }
0x2: {  	s6 =	rddreg [dreg:$0x1]  }
0x3: {  	s0 =	stileid.u32;
	s1 =	srdreg.scid  }
0x4: {  	s2 =	rddreg [dreg:$0x2];
	s3 =	simm.s32 $0x0;
	s15 =	simm.s32 $0x40  }
0x5: {  	s16 =	simm.s32 $0x3C00;
	s17 =	simm.s32 $0x5C00;
	s18 =	simm.s32 $0x80  }
0x6: {  	s19 =	simm.s32 $0x7C00;
	s20 =	simm.s32 $0xC0;
	s7 =	smul.u32 $0x500, s0  }
0x7: {  	s21 =	simm.s32 $0x9C00;
	s22 =	simm.s32 $0x1;
	s10 =	smul.u32 $0x14000, s0  }
0x8: {  	s23 =	simm.s32 $0x2;
	s28 =	simm.s32 $0x3B80;
	s24 =	smul.u32 $0x2800, s0  }
0x9: {  	s29 =	simm.s32 $0x0;
	s8 =	sand.u32 $0x1, s1;
	s13 =	smul.u32 $0x50000, s0  }
0xa: {  	[smem:$0x7FF] =	sst s3;
	s4 =	sadd.s32 $0x7C00, s5;
	s9 =	smul.u32 $0x140000, s8  }
0xb: {  	s31 =	sshll.u32 s0, $0x6;
	s11 =	smul.u32 $0x28000, s8;
	s8 =	ssub.s32 $0x2, s8  }
0xc: {  	_ =	strace $0x8000004A;
	s7 =	sadd.s32 s7, s5;
	s12 =	sshrl.u32 s8, $0x1  }
0xd: {  	s30 =	sshrl.u32 s13, $0x2;
	s13 =	sor.u32 $0x1C03, s31;
	s9 =	sadd.s32 s10, s9  }
0xe: {  	s10 =	sadd.s32 s24, s11;
	s25 =	ssub.s32 s8, s12;
	s14 =	sadd.s32 s30, s2  }
0xf: {  	s11 =	simm.s32 $0x1400;
	s12 =	simm.s32 $0x3;
	s24 =	simm.s32 $0x2700  }
0x10: {  	s9 =	sshrl.u32 s9, $0x3;
	s26 =	sshrl.u32 s10, $0x3;
	s14 =	sshrl.u32 s14, $0x3  }
0x11: {  	s9 =	sadd.s32 s9, s5;
	s5 =	sadd.s32 $0x2C00, s7;
	s6 =	sadd.s32 s6, s26  }
0x12: {  	s7 =	sadd.s32 s4, s10;
	s10 =	smax.u32 s25, $0x1;
	s25 =	simm.s32 $0x2780  }
0x13: {  	s26 =	simm.s32 $0x3B00;
	s8 =	sadd.s32 $0x280, s6;
	s9 =	sadd.s32 $0x57C00, s9  }
.LBB2_1:
0x14: {  	[tilespmem:s11], [sflag:$0x3] =	stream.linear.gather [hbm4b:s5+s3], $0x2800, $0x38;
	[tilespmem:$0x1FC00] =	vst v63  }
0x15: {  	_ =	swait.ge [sflag:s12], $0x2800  }
0x16: {  	[sflag:s12] =	ssyncset.done $0x0  }
0x17: {  	[sflag:s12] =	ssyncadd.s32 $0xFFFFD800  }
0x18: {  	[spmem:s14], [sflag:s13] =	dma.local [hbm:s7], $0x2800  }
0x19: {  	_ =	swait.ge [sflag:s12], $0x2800  }
0x1a: {  	[sflag:s12] =	ssyncset.done $0x0  }
0x1b: {  	[sflag:s12] =	ssyncadd.s32 $0xFFFFD800  }
0x1c: {  	[bflag:$0x0] =	sbarrier.arrive $0xFFFF  }
0x1d: {  	[tilespmem:s3], [sflag:$0x3] =	stream.linear.gather [hbm4b:s6+s3], $0x1400, $0x38;
	[tilespmem:$0x1FC00] =	vst v63  }
0x1e: {  	_ =	swait.ge [sflag:s12], $0x1400  }
0x1f: {  	[sflag:s12] =	ssyncset.done $0x0  }
0x20: {  	[sflag:s12] =	ssyncadd.s32 $0xFFFFEC00  }
0x21: {  	[tilespmem:s16], [sflag:$0x1] =	stream.indirect.gather [hbm4b:s4+s15], $0x80, s3, s15, $0xb8;
	[tilespmem:$0x1FC00] =	vst v63  }
0x22: {  	_ = 	snop  }
0x23: {  	[tilespmem:s17], [sflag:$0x1] =	stream.indirect.gather [hbm4b:s4+s15], $0x80, s15, s15, $0xb8;
	[tilespmem:$0x1FC00] =	vst v63  }
0x24: {  	_ = 	snop  }
0x25: {  	[tilespmem:s19], [sflag:$0x2] =	stream.indirect.gather [hbm4b:s4+s15], $0x80, s18, s15, $0xb8;
	[tilespmem:$0x1FC00] =	vst v63  }
0x26: {  	_ = 	snop  }
0x27: {  	[tilespmem:s21], [sflag:$0x2] =	stream.indirect.gather [hbm4b:s4+s15], $0x80, s20, s15, $0xb8;
	[tilespmem:$0x1FC00] =	vst v63  }
0x28: {  	_ =	swait.ge [sflag:s22], $0x2000  }
0x29: {  	[sflag:s22] =	ssyncset.done $0x0  }
0x2a: {  	[sflag:s22] =	ssyncadd.s32 $0xFFFFE000  }
0x2b: {  	_ =	swait.ge [sflag:s22], $0x2000  }
0x2c: {  	[sflag:s22] =	ssyncset.done $0x0  }
0x2d: {  	s30 =	simm.s32 $0x1400;
	[sflag:s22] =	ssyncadd.s32 $0xFFFFE000  }
0x2e: {  	[spmem:s2] =	stream.indirect.scatter.add.f32 [tilespmem:s16], [sflag:$0x3], $0x80, s30, s18, $0xb8;
	[tilespmem:$0x1FC00] =	vst v63  }
0x2f: {  	_ =	swait.ge [sflag:s12], $0x4000  }
0x30: {  	[sflag:s12] =	ssyncset.done $0x0  }
0x31: {  	s30 =	simm.s32 $0x100;
	[sflag:s12] =	ssyncadd.s32 $0xFFFFC000  }
0x32: {  	[tilespmem:s16], [sflag:$0x1] =	stream.indirect.gather [hbm4b:s4+s15], $0x80, s30, s15, $0xb8;
	[tilespmem:$0x1FC00] =	vst v63  }
0x33: {  	s30 =	simm.s32 $0x140  }
0x34: {  	[tilespmem:s17], [sflag:$0x1] =	stream.indirect.gather [hbm4b:s4+s15], $0x80, s30, s15, $0xb8;
	[tilespmem:$0x1FC00] =	vst v63  }
0x35: {  	_ =	swait.ge [sflag:s23], $0x2000  }
0x36: {  	[sflag:s23] =	ssyncset.done $0x0  }
0x37: {  	[sflag:s23] =	ssyncadd.s32 $0xFFFFE000  }
0x38: {  	_ =	swait.ge [sflag:s23], $0x2000  }
0x39: {  	[sflag:s23] =	ssyncset.done $0x0  }
0x3a: {  	s30 =	simm.s32 $0x1480;
	[sflag:s23] =	ssyncadd.s32 $0xFFFFE000  }
0x3b: {  	[spmem:s2] =	stream.indirect.scatter.add.f32 [tilespmem:s19], [sflag:$0x3], $0x80, s30, s18, $0xb8;
	[tilespmem:$0x1FC00] =	vst v63  }
0x3c: {  	_ =	swait.ge [sflag:s12], $0x4000  }
0x3d: {  	[sflag:s12] =	ssyncset.done $0x0  }
0x3e: {  	s30 =	simm.s32 $0x180;
	[sflag:s12] =	ssyncadd.s32 $0xFFFFC000  }
0x3f: {  	[tilespmem:s19], [sflag:$0x2] =	stream.indirect.gather [hbm4b:s4+s15], $0x80, s30, s15, $0xb8;
	[tilespmem:$0x1FC00] =	vst v63  }
0x40: {  	s31 =	simm.s32 $0x1C0;
	s30 =	simm.s32 $0x400  }
.LBB2_2:
0x41: {  	[tilespmem:s21], [sflag:$0x2] =	stream.indirect.gather [hbm4b:s4+s15], $0x80, s31, s15, $0xb8;
	[tilespmem:$0x1FC00] =	vst v63  }
0x42: {  	s31 =	smov.u32 s30  }
0x43: {  	p0 =	sne.s32 s30, $0x4800;
	s30 =	sadd.s32 $0x400, s30;
	_ =	swait.ge [sflag:s22], $0x2000  }
0x44: {  	[sflag:s22] =	ssyncset.done $0x0  }
0x45: {  	[sflag:s22] =	ssyncadd.s32 $0xFFFFE000  }
0x46: {  	_ =	swait.ge [sflag:s22], $0x2000  }
0x47: {  	s31 =	sshra.s32 s31, $0x2;
	[sflag:s22] =	ssyncset.done $0x0  }
0x48: {  	s1 =	sadd.s32 $0x1400, s31;
	[sflag:s22] =	ssyncadd.s32 $0xFFFFE000  }
0x49: {  	[spmem:s2] =	stream.indirect.scatter.add.f32 [tilespmem:s16], [sflag:$0x3], $0x80, s1, s18, $0xb8;
	[tilespmem:$0x1FC00] =	vst v63  }
0x4a: {  	_ =	swait.ge [sflag:s12], $0x4000  }
0x4b: {  	[sflag:s12] =	ssyncset.done $0x0  }
0x4c: {  	s1 =	sadd.s32 $0x100, s31;
	[sflag:s12] =	ssyncadd.s32 $0xFFFFC000  }
0x4d: {  	[tilespmem:s16], [sflag:$0x1] =	stream.indirect.gather [hbm4b:s4+s15], $0x80, s1, s15, $0xb8;
	[tilespmem:$0x1FC00] =	vst v63  }
0x4e: {  	s1 =	sadd.s32 $0x140, s31  }
0x4f: {  	[tilespmem:s17], [sflag:$0x1] =	stream.indirect.gather [hbm4b:s4+s15], $0x80, s1, s15, $0xb8;
	[tilespmem:$0x1FC00] =	vst v63  }
0x50: {  	_ =	swait.ge [sflag:s23], $0x2000  }
0x51: {  	[sflag:s23] =	ssyncset.done $0x0  }
0x52: {  	[sflag:s23] =	ssyncadd.s32 $0xFFFFE000  }
0x53: {  	_ =	swait.ge [sflag:s23], $0x2000  }
0x54: {  	[sflag:s23] =	ssyncset.done $0x0  }
0x55: {  	s1 =	sadd.s32 $0x1480, s31;
	[sflag:s23] =	ssyncadd.s32 $0xFFFFE000  }
0x56: {  	[spmem:s2] =	stream.indirect.scatter.add.f32 [tilespmem:s19], [sflag:$0x3], $0x80, s1, s18, $0xb8;
	[tilespmem:$0x1FC00] =	vst v63  }
.Ltmp0:
0x57: {  	_ =	swait.ge [sflag:s12], $0x4000;
	(pc) =	sbr.rel @p0 .LBB2_2-.Ltmp0, $4  }
0x58: {  	[sflag:s12] =	ssyncset.done $0x0  }
0x59: {  	s1 =	sadd.s32 $0x180, s31;
	[sflag:s12] =	ssyncadd.s32 $0xFFFFC000  }
0x5a: {  	[tilespmem:s19], [sflag:$0x2] =	stream.indirect.gather [hbm4b:s4+s15], $0x80, s1, s15, $0xb8;
	[tilespmem:$0x1FC00] =	vst v63  }
0x5b: {  	s31 =	sadd.s32 $0x1C0, s31  }
0x5c: {  	[tilespmem:s21], [sflag:$0x2] =	stream.indirect.gather [hbm4b:s4+s15], $0x80, s31, s15, $0xb8;
	[tilespmem:$0x1FC00] =	vst v63  }
0x5d: {  	_ =	swait.ge [sflag:s22], $0x2000  }
0x5e: {  	[sflag:s22] =	ssyncset.done $0x0  }
0x5f: {  	[sflag:s22] =	ssyncadd.s32 $0xFFFFE000  }
0x60: {  	_ =	swait.ge [sflag:s22], $0x2000  }
0x61: {  	[sflag:s22] =	ssyncset.done $0x0  }
0x62: {  	[sflag:s22] =	ssyncadd.s32 $0xFFFFE000  }
0x63: {  	[spmem:s2] =	stream.indirect.scatter.add.f32 [tilespmem:s16], [sflag:$0x3], $0x80, s24, s18, $0xb8;
	[tilespmem:$0x1FC00] =	vst v63  }
0x64: {  	_ =	swait.ge [sflag:s12], $0x4000  }
0x65: {  	[sflag:s12] =	ssyncset.done $0x0  }
0x66: {  	[sflag:s12] =	ssyncadd.s32 $0xFFFFC000  }
0x67: {  	_ =	swait.ge [sflag:s23], $0x2000  }
0x68: {  	[sflag:s23] =	ssyncset.done $0x0  }
0x69: {  	[sflag:s23] =	ssyncadd.s32 $0xFFFFE000  }
0x6a: {  	_ =	swait.ge [sflag:s23], $0x2000  }
0x6b: {  	[sflag:s23] =	ssyncset.done $0x0  }
0x6c: {  	[sflag:s23] =	ssyncadd.s32 $0xFFFFE000  }
0x6d: {  	[spmem:s2] =	stream.indirect.scatter.add.f32 [tilespmem:s19], [sflag:$0x3], $0x80, s25, s18, $0xb8;
	[tilespmem:$0x1FC00] =	vst v63  }
0x6e: {  	_ =	swait.ge [sflag:s12], $0x4000  }
0x6f: {  	[sflag:s12] =	ssyncset.done $0x0  }
0x70: {  	s1 =	simm.s32 $0x0;
	[sflag:s12] =	ssyncadd.s32 $0xFFFFC000  }
0x71: {  	[tilespmem:s1], [sflag:$0x3] =	stream.linear.gather [hbm4b:s8+s1], $0x1400, $0x38;
	[tilespmem:$0x1FC00] =	vst v63  }
0x72: {  	_ =	swait.ge [sflag:s12], $0x1400  }
0x73: {  	[sflag:s12] =	ssyncset.done $0x0  }
0x74: {  	[sflag:s12] =	ssyncadd.s32 $0xFFFFEC00  }
0x75: {  	[tilespmem:s16], [sflag:$0x1] =	stream.indirect.gather [hbm4b:s4+s15], $0x80, s1, s15, $0xb8;
	[tilespmem:$0x1FC00] =	vst v63  }
0x76: {  	_ = 	snop  }
0x77: {  	[tilespmem:s17], [sflag:$0x1] =	stream.indirect.gather [hbm4b:s4+s15], $0x80, s15, s15, $0xb8;
	[tilespmem:$0x1FC00] =	vst v63  }
0x78: {  	_ = 	snop  }
0x79: {  	[tilespmem:s19], [sflag:$0x2] =	stream.indirect.gather [hbm4b:s4+s15], $0x80, s18, s15, $0xb8;
	[tilespmem:$0x1FC00] =	vst v63  }
0x7a: {  	_ = 	snop  }
0x7b: {  	[tilespmem:s21], [sflag:$0x2] =	stream.indirect.gather [hbm4b:s4+s15], $0x80, s20, s15, $0xb8;
	[tilespmem:$0x1FC00] =	vst v63  }
0x7c: {  	_ =	swait.ge [sflag:s22], $0x2000  }
0x7d: {  	[sflag:s22] =	ssyncset.done $0x0  }
0x7e: {  	[sflag:s22] =	ssyncadd.s32 $0xFFFFE000  }
0x7f: {  	_ =	swait.ge [sflag:s22], $0x2000  }
0x80: {  	[sflag:s22] =	ssyncset.done $0x0  }
0x81: {  	s1 =	simm.s32 $0x2800;
	[sflag:s22] =	ssyncadd.s32 $0xFFFFE000  }
0x82: {  	[spmem:s2] =	stream.indirect.scatter.add.f32 [tilespmem:s16], [sflag:$0x3], $0x80, s1, s18, $0xb8;
	[tilespmem:$0x1FC00] =	vst v63  }
0x83: {  	_ =	swait.ge [sflag:s12], $0x4000  }
0x84: {  	[sflag:s12] =	ssyncset.done $0x0  }
0x85: {  	s1 =	simm.s32 $0x100;
	[sflag:s12] =	ssyncadd.s32 $0xFFFFC000  }
0x86: {  	[tilespmem:s16], [sflag:$0x1] =	stream.indirect.gather [hbm4b:s4+s15], $0x80, s1, s15, $0xb8;
	[tilespmem:$0x1FC00] =	vst v63  }
0x87: {  	s1 =	simm.s32 $0x140  }
0x88: {  	[tilespmem:s17], [sflag:$0x1] =	stream.indirect.gather [hbm4b:s4+s15], $0x80, s1, s15, $0xb8;
	[tilespmem:$0x1FC00] =	vst v63  }
0x89: {  	_ =	swait.ge [sflag:s23], $0x2000  }
0x8a: {  	[sflag:s23] =	ssyncset.done $0x0  }
0x8b: {  	[sflag:s23] =	ssyncadd.s32 $0xFFFFE000  }
0x8c: {  	_ =	swait.ge [sflag:s23], $0x2000  }
0x8d: {  	[sflag:s23] =	ssyncset.done $0x0  }
0x8e: {  	s1 =	simm.s32 $0x2880;
	[sflag:s23] =	ssyncadd.s32 $0xFFFFE000  }
0x8f: {  	[spmem:s2] =	stream.indirect.scatter.add.f32 [tilespmem:s19], [sflag:$0x3], $0x80, s1, s18, $0xb8;
	[tilespmem:$0x1FC00] =	vst v63  }
0x90: {  	_ =	swait.ge [sflag:s12], $0x4000  }
0x91: {  	s30 =	simm.s32 $0x400;
	[sflag:s12] =	ssyncset.done $0x0  }
0x92: {  	s31 =	simm.s32 $0x1C0;
	s1 =	simm.s32 $0x180;
	[sflag:s12] =	ssyncadd.s32 $0xFFFFC000  }
0x93: {  	[tilespmem:s19], [sflag:$0x2] =	stream.indirect.gather [hbm4b:s4+s15], $0x80, s1, s15, $0xb8;
	[tilespmem:$0x1FC00] =	vst v63  }
.LBB2_4:
0x94: {  	[tilespmem:s21], [sflag:$0x2] =	stream.indirect.gather [hbm4b:s4+s15], $0x80, s31, s15, $0xb8;
	[tilespmem:$0x1FC00] =	vst v63  }
0x95: {  	s1 =	smov.u32 s30  }
0x96: {  	p0 =	sne.s32 s30, $0x4800;
	s30 =	sadd.s32 $0x400, s30;
	_ =	swait.ge [sflag:s22], $0x2000  }
0x97: {  	[sflag:s22] =	ssyncset.done $0x0  }
0x98: {  	[sflag:s22] =	ssyncadd.s32 $0xFFFFE000  }
0x99: {  	_ =	swait.ge [sflag:s22], $0x2000  }
0x9a: {  	s1 =	sshra.s32 s1, $0x2;
	[sflag:s22] =	ssyncset.done $0x0  }
0x9b: {  	s31 =	sadd.s32 $0x2800, s1;
	[sflag:s22] =	ssyncadd.s32 $0xFFFFE000  }
0x9c: {  	[spmem:s2] =	stream.indirect.scatter.add.f32 [tilespmem:s16], [sflag:$0x3], $0x80, s31, s18, $0xb8;
	[tilespmem:$0x1FC00] =	vst v63  }
0x9d: {  	_ =	swait.ge [sflag:s12], $0x4000  }
0x9e: {  	[sflag:s12] =	ssyncset.done $0x0  }
0x9f: {  	s31 =	sadd.s32 $0x100, s1;
	[sflag:s12] =	ssyncadd.s32 $0xFFFFC000  }
0xa0: {  	[tilespmem:s16], [sflag:$0x1] =	stream.indirect.gather [hbm4b:s4+s15], $0x80, s31, s15, $0xb8;
	[tilespmem:$0x1FC00] =	vst v63  }
0xa1: {  	s31 =	sadd.s32 $0x140, s1  }
0xa2: {  	[tilespmem:s17], [sflag:$0x1] =	stream.indirect.gather [hbm4b:s4+s15], $0x80, s31, s15, $0xb8;
	[tilespmem:$0x1FC00] =	vst v63  }
0xa3: {  	_ =	swait.ge [sflag:s23], $0x2000  }
0xa4: {  	[sflag:s23] =	ssyncset.done $0x0  }
0xa5: {  	[sflag:s23] =	ssyncadd.s32 $0xFFFFE000  }
0xa6: {  	_ =	swait.ge [sflag:s23], $0x2000  }
0xa7: {  	[sflag:s23] =	ssyncset.done $0x0  }
0xa8: {  	s31 =	sadd.s32 $0x2880, s1;
	[sflag:s23] =	ssyncadd.s32 $0xFFFFE000  }
0xa9: {  	[spmem:s2] =	stream.indirect.scatter.add.f32 [tilespmem:s19], [sflag:$0x3], $0x80, s31, s18, $0xb8;
	[tilespmem:$0x1FC00] =	vst v63  }
.Ltmp1:
0xaa: {  	_ =	swait.ge [sflag:s12], $0x4000;
	(pc) =	sbr.rel @p0 .LBB2_4-.Ltmp1, $4  }
0xab: {  	[sflag:s12] =	ssyncset.done $0x0  }
0xac: {  	s31 =	sadd.s32 $0x180, s1;
	[sflag:s12] =	ssyncadd.s32 $0xFFFFC000  }
0xad: {  	[tilespmem:s19], [sflag:$0x2] =	stream.indirect.gather [hbm4b:s4+s15], $0x80, s31, s15, $0xb8;
	[tilespmem:$0x1FC00] =	vst v63  }
0xae: {  	s31 =	sadd.s32 $0x1C0, s1  }
0xaf: {  	[tilespmem:s21], [sflag:$0x2] =	stream.indirect.gather [hbm4b:s4+s15], $0x80, s31, s15, $0xb8;
	[tilespmem:$0x1FC00] =	vst v63  }
0xb0: {  	_ =	swait.ge [sflag:s22], $0x2000  }
0xb1: {  	[sflag:s22] =	ssyncset.done $0x0  }
0xb2: {  	[sflag:s22] =	ssyncadd.s32 $0xFFFFE000  }
0xb3: {  	_ =	swait.ge [sflag:s22], $0x2000  }
0xb4: {  	[sflag:s22] =	ssyncset.done $0x0  }
0xb5: {  	[sflag:s22] =	ssyncadd.s32 $0xFFFFE000  }
0xb6: {  	[spmem:s2] =	stream.indirect.scatter.add.f32 [tilespmem:s16], [sflag:$0x3], $0x80, s26, s18, $0xb8;
	[tilespmem:$0x1FC00] =	vst v63  }
0xb7: {  	_ =	swait.ge [sflag:s12], $0x4000  }
0xb8: {  	[sflag:s12] =	ssyncset.done $0x0  }
0xb9: {  	[sflag:s12] =	ssyncadd.s32 $0xFFFFC000  }
0xba: {  	_ =	swait.ge [sflag:s23], $0x2000  }
0xbb: {  	[sflag:s23] =	ssyncset.done $0x0  }
0xbc: {  	[sflag:s23] =	ssyncadd.s32 $0xFFFFE000  }
0xbd: {  	_ =	swait.ge [sflag:s23], $0x2000  }
0xbe: {  	[sflag:s23] =	ssyncset.done $0x0  }
0xbf: {  	[sflag:s23] =	ssyncadd.s32 $0xFFFFE000  }
0xc0: {  	[spmem:s2] =	stream.indirect.scatter.add.f32 [tilespmem:s19], [sflag:$0x3], $0x80, s28, s18, $0xb8;
	[tilespmem:$0x1FC00] =	vst v63  }
0xc1: {  	_ =	swait.ge [sflag:s12], $0x4000  }
0xc2: {  	s29 =	sadd.s32 $0x1, s29;
	[sflag:s12] =	ssyncset.done $0x0  }
0xc3: {  	p0 =	sne.s32 s29, s10;
	[sflag:s12] =	ssyncadd.s32 $0xFFFFC000  }
.Ltmp2:
0xc4: {  	[bflag:$0x0] =	sbarrier.arrive $0xFFFF;
	(pc) =	sbr.rel @p0 .LBB2_1-.Ltmp2, $4  }
0xc5: {  	[hbm:s9], [sflag:s13] =	dma.local [spmem:s14], $0x2800  }
0xc6: {  	_ =	swait.ge [sflag:s12], $0x2800  }
0xc7: {  	[sflag:s12] =	ssyncset.done $0x0  }
0xc8: {  	[sflag:s12] =	ssyncadd.s32 $0xFFFFD800  }
0xc9: {  	_ =	sfence.sel $0x180000  }
0xca: {  	[bflag:$0x0] =	sbarrier.arrive $0xFFFF  }
0xcb: {  	_ =	strace $0x9000004A  }
0xcc: {  	[bflag:$0x2] =	sbarrier.arrive $0xFFFF  }
0xcd: {  	p0 =	sne.s32 s0, $0x0;
	s0 =	rddreg [dreg:$0x3]  }
0xce: {  	s0 =	sadd.s32 @!p0 $0x100000, s0  }
0xcf: {  	[sflag:s0] =	ssyncadd.tile.s32 @!p0 $0x1;
	_ =	shalt  }
.Lfunc_end2:
_tile_overlayer_lowered:
.L_overlay_start_2:
0xd0: {  	(tag) =	ssettag $0x2  }
0xd1: {  	s0 =	rddreg [dreg:$0x0];
	s2 =	stileid.u32  }
0xd2: {  	s1 =	rddreg [dreg:$0x1];
	p0 =	sne.s32 s2, $0x0  }
0xd3: {  	s3 =	rddreg [dreg:$0x2];
	[bflag:$0x3] =	sbarrier.arrive $0xFFFF;
	s2 =	simm.s32 @!p0 $0x1C03  }
0xd4: {  	[timem:s3], [sflag:s2] =	dma.local @!p0 [hbm:s0], s1  }
0xd5: {  	s0 =	simm.s32 @!p0 $0x3  }
0xd6: {  	_ =	swait.ge @!p0 [sflag:s0], s1  }
0xd7: {  	s1 =	ssub.s32 @!p0 $0x0, s1;
	[sflag:s0] =	ssyncset.done @!p0 $0x0  }
0xd8: {  	[sflag:s0] =	ssyncadd.s32 @!p0 s1  }
0xd9: {  	[bflag:$0x3] =	sbarrier.arrive $0xFFFF  }
0xda: {  	_ =	shalt  }

// kernel: kernel.14.cloned.1.call-start
scs
__scs_entry_jumppad:
0x0: {  	(pc) =	sbr.rel $0x88, $3  }
0x1: {  	(tag) =	ssettag $0x0;
	lr =	simm.s32 $0x1  }
0x2: {  	[smem:$0x3F96] =	sst lr;
	_ =	strace $0xD0000000  }
0x3: {  	_ = 	snop  }
0x4: {  	_ = 	snop  }
0x5: {  	_ = 	snop  }
0x6: {  	_ = 	snop  }
0x7: {  	_ = 	snop  }
__scs_overlays_trampoline_lowered:
0x8: {  	[smem:$0x3FA5] =	sst s0  }
0x9: {  	[smem:$0x3FA6] =	sst s1  }
0xa: {  	[smem:$0x3FA7] =	sst s2  }
0xb: {  	[smem:$0x3FA8] =	sst s3  }
0xc: {  	[smem:$0x3FA9] =	sst s4  }
0xd: {  	[smem:$0x3FAA] =	sst s5  }
0xe: {  	[smem:$0x3FAB] =	sst s6  }
0xf: {  	[smem:$0x3FAC] =	sst s7  }
0x10: {  	[smem:$0x3FAD] =	sst s8  }
0x11: {  	[smem:$0x3FAE] =	sst s9;
	s0 =	simm.s32 @!p0 $0x0  }
0x12: {  	s1 =	sld [smem:$0x3F94];
	s0 =	simm.s32 @p0 $0x1  }
0x13: {  	[smem:$0x3FAF] =	sst s0;
	s0 =	simm.s32 @!p1 $0x0  }
0x14: {  	s2 =	sld [smem:$0x3F93];
	s0 =	simm.s32 @p1 $0x1  }
0x15: {  	[smem:$0x3FB0] =	sst s0;
	s0 =	simm.s32 @!p2 $0x0  }
0x16: {  	s3 =	sld [smem:$0x3FDB];
	s0 =	simm.s32 @p2 $0x1  }
0x17: {  	s4 =	simm.s32 $0x1BF5;
	[smem:$0x3FB2] =	sst s0  }
0x18: {  	s0 =	sld [smem:$0x3F95];
	_ =	swait.ge [sflag:s4], $0x0  }
0x19: {  	s7 =	sld [smem:$0x3F96]  }
0x1a: {  	s8 =	sadd.s32 $0xFFFFE003, lr  }
0x1b: {  	s9 =	sadd.s32 $0xFFFFFEF7, lr;
	s5 =	simm.s32 $0xFFFFFFFF;
	p2 =	slt.u32 s8, $0xFFFFF086  }
0x1c: {  	p1 =	slt.u32 s9, $0xF7A;
	s5 =	simm.s32 @!p2 $0x0  }
0x1d: {  	s5 =	simm.s32 @p1 $0x1;
	p0 =	seq.s32 s7, s2  }
0x1e: {  	s7 =	smul.u32 @!p0 $0xF7A, s2;
	p2 =	seq.s32 @!p0 s5, $0x0  }
0x1f: {  	s9 =	smul.u32 $0xF7A, s1;
	s8 =	simm.s32 @!p0 $0x1BF5;
	p2 =	por !p2, p0  }
0x20: {  	[sflag:s8] =	ssyncset.s32 @!p0 $0xFFFFF086;
	s6 =	sadd.s32 @!p0 s3, s7;
	s7 =	simm.s32 @!p0 $0x108  }
0x21: {  	s3 =	sadd.s32 s3, s9;
	s6 =	sadd.s32 @!p0 $0x88, s6;
	s7 =	simm.s32 @p2 $0x1082  }
0x22: {  	[simem:s7], [sflag:s8] =	dma.local @!p0 [hbm:s6], $0xF7A  }
0x23: {  	s9 =	sor.u32 $0xD0000000, s2;
	s6 =	simm.s32 $0x108;
	_ =	swait.ge @!p0 [sflag:s8], $0x0  }
0x24: {  	s3 =	sadd.s32 $0x88, s3;
	s6 =	simm.s32 @!p1 $0x1082;
	[sflag:s4] =	ssyncset.s32 $0xFFFFF086  }
0x25: {  	[simem:s6], [sflag:s4] =	dma.local [hbm:s3], $0xF7A  }
0x26: {  	[smem:$0x3F96] =	sst s1;
	(tag) =	ssettag s2;
	_ =	strace s9  }
0x27: {  	s1 =	sld [smem:$0x3FA6]  }
0x28: {  	s2 =	sld [smem:$0x3FA7]  }
0x29: {  	s4 =	sld [smem:$0x3FA9]  }
0x2a: {  	p0 =	seq.s32 s5, $0x0;
	s5 =	sld [smem:$0x3FAA]  }
0x2b: {  	s6 =	sld [smem:$0x3FAB]  }
0x2c: {  	s7 =	sld [smem:$0x3FAC]  }
0x2d: {  	s3 =	simm.s32 $0x108;
	s8 =	sld [smem:$0x3FAD]  }
0x2e: {  	s3 =	simm.s32 @!p0 $0x1082;
	s9 =	sld [smem:$0x3FAE]  }
0x2f: {  	lr =	sadd.s32 s0, s3;
	s0 =	sld [smem:$0x3FA5]  }
0x30: {  	s3 =	sld [smem:$0x3FA8]  }
0x31: {  	[smem:$0x3FB1] =	sst s10  }
0x32: {  	s10 =	sld [smem:$0x3FAF];
	_ =	sdelay $0x3  }
0x33: {  	p0 =	seq.s32 s10, $0x1;
	s10 =	sld [smem:$0x3FB1];
	_ =	sdelay $0x3  }
0x34: {  	[smem:$0x3FB1] =	sst s10  }
0x35: {  	s10 =	sld [smem:$0x3FB0];
	_ =	sdelay $0x3  }
0x36: {  	p1 =	seq.s32 s10, $0x1;
	s10 =	sld [smem:$0x3FB1];
	_ =	sdelay $0x3  }
0x37: {  	[smem:$0x3FB1] =	sst s10  }
0x38: {  	s10 =	sld [smem:$0x3FB2]  }
0x39: {  	_ = 	snop;
	(pc) =	sbr.ind lr, $3  }
0x3a: {  	_ = 	snop  }
0x3b: {  	_ = 	snop  }
0x3c: {  	p2 =	seq.s32 s10, $0x1;
	s10 =	sld [smem:$0x3FB1]  }
0x3d: {  	_ =	shalt  }
0x3e: {  	_ =	shalt  }
0x3f: {  	_ =	shalt  }
0x40: {  	_ =	shalt  }
0x41: {  	_ =	shalt  }
0x42: {  	_ =	shalt  }
0x43: {  	_ =	shalt  }
0x44: {  	_ =	shalt  }
0x45: {  	_ =	shalt  }
0x46: {  	_ =	shalt  }
0x47: {  	_ =	shalt  }
0x48: {  	_ =	shalt  }
0x49: {  	_ =	shalt  }
0x4a: {  	_ =	shalt  }
0x4b: {  	_ =	shalt  }
0x4c: {  	_ =	shalt  }
0x4d: {  	_ =	shalt  }
0x4e: {  	_ =	shalt  }
0x4f: {  	_ =	shalt  }
0x50: {  	_ =	shalt  }
0x51: {  	_ =	shalt  }
0x52: {  	_ =	shalt  }
0x53: {  	_ =	shalt  }
0x54: {  	_ =	shalt  }
0x55: {  	_ =	shalt  }
0x56: {  	_ =	shalt  }
0x57: {  	_ =	shalt  }
0x58: {  	_ =	shalt  }
0x59: {  	_ =	shalt  }
0x5a: {  	_ =	shalt  }
0x5b: {  	_ =	shalt  }
0x5c: {  	_ =	shalt  }
0x5d: {  	_ =	shalt  }
0x5e: {  	_ =	shalt  }
0x5f: {  	_ =	shalt  }
0x60: {  	_ =	shalt  }
0x61: {  	_ =	shalt  }
0x62: {  	_ =	shalt  }
0x63: {  	_ =	shalt  }
0x64: {  	_ =	shalt  }
0x65: {  	_ =	shalt  }
0x66: {  	_ =	shalt  }
0x67: {  	_ =	shalt  }
0x68: {  	_ =	shalt  }
0x69: {  	_ =	shalt  }
0x6a: {  	_ =	shalt  }
0x6b: {  	_ =	shalt  }
0x6c: {  	_ =	shalt  }
0x6d: {  	_ =	shalt  }
0x6e: {  	_ =	shalt  }
0x6f: {  	_ =	shalt  }
0x70: {  	_ =	shalt  }
0x71: {  	_ =	shalt  }
0x72: {  	_ =	shalt  }
0x73: {  	_ =	shalt  }
0x74: {  	_ =	shalt  }
0x75: {  	_ =	shalt  }
0x76: {  	_ =	shalt  }
0x77: {  	_ =	shalt  }
0x78: {  	_ =	shalt  }
0x79: {  	_ =	shalt  }
0x7a: {  	_ =	shalt  }
0x7b: {  	_ =	shalt  }
0x7c: {  	_ =	shalt  }
0x7d: {  	_ =	shalt  }
0x7e: {  	_ =	shalt  }
0x7f: {  	_ =	shalt  }
0x80: {  	_ =	shalt  }
0x81: {  	_ =	shalt  }
0x82: {  	_ =	shalt  }
0x83: {  	_ =	shalt  }
0x84: {  	_ =	shalt  }
0x85: {  	_ =	shalt  }
0x86: {  	_ =	shalt  }
0x87: {  	_ =	shalt  }
.Lfunc_end0:
.L_simem_size_0:
called_computation.2_lowered:
.L_overlay_start_0:
0x88: {  	s2 =	sld [smem:$0x3FD9]  }
0x89: {  	s3 =	sld [smem:$0x3FFE];
	_ =	sdelay $0x1  }
0x8a: {  	s1 =	srdreg.scid  }
0x8b: {  	s0 =	sand.u32 $0x1, s1  }
0x8c: {  	s14 =	sshll.u32 s0, $0xA;
	s2 =	sadd.s32 s3, s2  }
0x8d: {  	s2 =	sadd.s32 s2, s14  }
0x8e: {  	[smem:$0x3FBD] =	sst s2  }
0x8f: {  	_ = 	snop  }
0x90: {  	s2 =	sld [smem:$0x3FD0];
	_ =	sdelay $0x2  }
0x91: {  	s15 =	simm.s32 $0xA;
	s4 =	simm.s32 $0x10  }
0x92: {  	[smem:s4], [sflag:s15] =	dma.local [hbm:s2], $0x1  }
0x93: {  	_ =	swait.eq [sflag:s15], $0x1  }
0x94: {  	[sflag:s15] =	ssyncset.done $0x0  }
0x95: {  	[sflag:s15] =	ssyncadd.s32 $0xFFFFFFFF  }
0x96: {  	s16 =	sld [smem:$0x10];
	(tm) =	ssettm $0x1  }
0x97: {  	s17 =	sld [smem:$0x3FFB];
	_ =	sdelay $0x3  }
0x98: {  	_ =	strace s17  }
0x99: {  	s3 =	sld [smem:$0x3FFC];
	_ =	sdelay $0x3  }
0x9a: {  	_ =	strace s3  }
0x9b: {  	s3 =	sld [smem:$0x3FFD];
	_ =	sdelay $0x3  }
0x9c: {  	_ =	strace s3  }
0x9d: {  	_ =	strace $0x8FFFFFFF  }
0x9e: {  	s18 =	sld [smem:$0x3FDB];
	_ =	sdelay $0x1  }
0x9f: {  	s19 =	simm.s32 $_scs_section_size  }
0xa0: {  	s5 =	simm.s32 $_size__tile_overlayer_lowered;
	s6 =	simm.s32 $_tile_overlayer_lowered  }
0xa1: {  	s22 =	simm.s32 $0x1BFF;
	s21 =	sshll.u32 s6, $0x1;
	s3 =	sadd.s32 s19, s18  }
0xa2: {  	s7 =	simm.s32 $0x0;
	s20 =	sshll.u32 s5, $0x1;
	s5 =	sadd.s32 s21, s3  }
0xa3: {  	[timem:s7], [sflag:s22] =	dma.local [hbm:s5], s20  }
0xa4: {  	_ =	swait.ge [sflag:s22], s20  }
0xa5: {  	s4 =	ssub.s32 $0x0, s20;
	[sflag:s22] =	ssyncset.done $0x0  }
0xa6: {  	[sflag:s22] =	ssyncadd.s32 s4;
	_ =	sdelay $0x1  }
0xa7: {  	s23 =	simm.s32 $0x1B8B  }
0xa8: {  	_ =	swait.ge [sflag:s23], $0x1  }
0xa9: {  	[sflag:s23] =	ssyncset.done $0x0  }
0xaa: {  	s25 =	simm.s32 $0x1B8E;
	s24 =	sld [smem:$0x3FFE];
	[sflag:s23] =	ssyncadd.s32 $0xFFFFFFFF  }
0xab: {  	s26 =	simm.s32 $execute0_lowered;
	[smem:$0x3FD2] =	sst s25  }
0xac: {  	s5 =	sshll.u32 s26, $0x1;
	_ =	strace $0x8000004C;
	[dreg:$0x1] =	wrdreg $0xFFFFFFFF  }
0xad: {  	s28 =	simm.s32 $_size_execute0_lowered;
	s3 =	sadd.s32 s3, s5;
	[dreg:$0x0] =	wrdreg $0x0  }
0xae: {  	s5 =	sshll.u32 s28, $0x1;
	[dreg:$0x2] =	wrdreg s3  }
0xaf: {  	[dreg:$0x3] =	wrdreg s5  }
0xb0: {  	[dreg:$0x4] =	wrdreg $0xC0  }
0xb1: {  	_ =	task [dreg:s7], $0x5FFFF  }
0xb2: {  	[dreg:$0x1] =	wrdreg $0xFFFFFFFF  }
0xb3: {  	[dreg:$0x0] =	wrdreg $0x60  }
0xb4: {  	[dreg:$0x2] =	wrdreg s24  }
0xb5: {  	[dreg:$0x3] =	wrdreg s16  }
0xb6: {  	[dreg:$0x4] =	wrdreg $0xBC000  }
0xb7: {  	[dreg:$0x5] =	wrdreg $0x9  }
0xb8: {  	_ =	task.clear_ibuf [dreg:s7], $0x6FFFF;
	_ =	strace $0x9000004C  }
0xb9: {  	s29 =	simm.s32 $0x9;
	_ =	strace $0x8000004E  }
0xba: {  	_ =	swait.ge [sflag:s29], $0x1  }
0xbb: {  	[sflag:s29] =	ssyncadd.s32 $0xFFFFFFFF  }
0xbc: {  	_ =	strace $0x9000004E  }
0xbd: {  	_ =	sfence  }
0xbe: {  	s30 =	sld [smem:$0x0];
	_ =	sdelay $0x2  }
0xbf: {  	s31 =	sshll.u32 s1, $0xD;
	s1 =	sshrl.u32 s1, $0x2  }
0xc0: {  	s3 =	sand.u32 $0x4000, s31;
	s1 =	sadd.s32 s1, s30  }
0xc1: {  	s0 =	sor.u32 s3, s0;
	s1 =	sshll.u32 s1, $0x11  }
0xc2: {  	s0 =	sor.u32 s1, s0  }
0xc3: {  	s0 =	sadd.s32 $0x8F2B, s0  }
0xc4: {  	[sflag:s0] =	ssyncadd.remote.s32 $0x1  }
0xc5: {  	_ =	sfence.sel $0xFFFF  }
0xc6: {  	[dreg:$0x0] =	wrdreg $0xFFFFFFFF;
	(pc) =	sbr.abs _section_cstart, $3  }
0xc7: {  	[dreg:$0x1] =	wrdreg $0xFFFFFFFF  }
0xc8: {  	_ =	task.clear_ibuf [dreg:s7], $0x2FFFF;
	_ =	strace $0x9FFFFFFF  }
0xc9: {  	(tm) =	ssettm $0x7FFFFFFF  }
tec
execute0_lowered:
.L_overlay_start_1:
0x0: {  	(tag) =	ssettag $0x1  }
0x1: {  	s5 =	rddreg [dreg:$0x0]  }
0x2: {  	s6 =	rddreg [dreg:$0x1]  }
0x3: {  	s0 =	stileid.u32;
	s1 =	srdreg.scid  }
0x4: {  	s2 =	rddreg [dreg:$0x2];
	s3 =	simm.s32 $0x0;
	s15 =	simm.s32 $0x40  }
0x5: {  	s16 =	simm.s32 $0x3C00;
	s17 =	simm.s32 $0x5C00;
	s18 =	simm.s32 $0x80  }
0x6: {  	s19 =	simm.s32 $0x7C00;
	s20 =	simm.s32 $0xC0;
	s7 =	smul.u32 $0x500, s0  }
0x7: {  	s21 =	simm.s32 $0x9C00;
	s22 =	simm.s32 $0x1;
	s10 =	smul.u32 $0x14000, s0  }
0x8: {  	s23 =	simm.s32 $0x2;
	s28 =	simm.s32 $0x3B80;
	s24 =	smul.u32 $0x2800, s0  }
0x9: {  	s29 =	simm.s32 $0x0;
	s8 =	sand.u32 $0x1, s1;
	s13 =	smul.u32 $0x50000, s0  }
0xa: {  	[smem:$0x7FF] =	sst s3;
	s4 =	sadd.s32 $0x7C00, s5;
	s9 =	smul.u32 $0x140000, s8  }
0xb: {  	s31 =	sshll.u32 s0, $0x6;
	s11 =	smul.u32 $0x28000, s8;
	s8 =	ssub.s32 $0x2, s8  }
0xc: {  	_ =	strace $0x8000004D;
	s7 =	sadd.s32 s7, s5;
	s12 =	sshrl.u32 s8, $0x1  }
0xd: {  	s30 =	sshrl.u32 s13, $0x2;
	s13 =	sor.u32 $0x1C03, s31;
	s9 =	sadd.s32 s10, s9  }
0xe: {  	s10 =	sadd.s32 s24, s11;
	s25 =	ssub.s32 s8, s12;
	s14 =	sadd.s32 s30, s2  }
0xf: {  	s11 =	simm.s32 $0x1400;
	s12 =	simm.s32 $0x3;
	s24 =	simm.s32 $0x2700  }
0x10: {  	s9 =	sshrl.u32 s9, $0x3;
	s26 =	sshrl.u32 s10, $0x3;
	s14 =	sshrl.u32 s14, $0x3  }
0x11: {  	s9 =	sadd.s32 s9, s5;
	s5 =	sadd.s32 $0x2C00, s7;
	s6 =	sadd.s32 s6, s26  }
0x12: {  	s7 =	sadd.s32 s4, s10;
	s10 =	smax.u32 s25, $0x1;
	s25 =	simm.s32 $0x2780  }
0x13: {  	s26 =	simm.s32 $0x3B00;
	s8 =	sadd.s32 $0x280, s6;
	s9 =	sadd.s32 $0xA7C00, s9  }
.LBB2_1:
0x14: {  	[tilespmem:s11], [sflag:$0x3] =	stream.linear.gather [hbm4b:s5+s3], $0x2800, $0x38;
	[tilespmem:$0x1FC00] =	vst v63  }
0x15: {  	_ =	swait.ge [sflag:s12], $0x2800  }
0x16: {  	[sflag:s12] =	ssyncset.done $0x0  }
0x17: {  	[sflag:s12] =	ssyncadd.s32 $0xFFFFD800  }
0x18: {  	[spmem:s14], [sflag:s13] =	dma.local [hbm:s7], $0x2800  }
0x19: {  	_ =	swait.ge [sflag:s12], $0x2800  }
0x1a: {  	[sflag:s12] =	ssyncset.done $0x0  }
0x1b: {  	[sflag:s12] =	ssyncadd.s32 $0xFFFFD800  }
0x1c: {  	[bflag:$0x0] =	sbarrier.arrive $0xFFFF  }
0x1d: {  	[tilespmem:s3], [sflag:$0x3] =	stream.linear.gather [hbm4b:s6+s3], $0x1400, $0x38;
	[tilespmem:$0x1FC00] =	vst v63  }
0x1e: {  	_ =	swait.ge [sflag:s12], $0x1400  }
0x1f: {  	[sflag:s12] =	ssyncset.done $0x0  }
0x20: {  	[sflag:s12] =	ssyncadd.s32 $0xFFFFEC00  }
0x21: {  	[tilespmem:s16], [sflag:$0x1] =	stream.indirect.gather [hbm4b:s4+s15], $0x80, s3, s15, $0xb8;
	[tilespmem:$0x1FC00] =	vst v63  }
0x22: {  	_ = 	snop  }
0x23: {  	[tilespmem:s17], [sflag:$0x1] =	stream.indirect.gather [hbm4b:s4+s15], $0x80, s15, s15, $0xb8;
	[tilespmem:$0x1FC00] =	vst v63  }
0x24: {  	_ = 	snop  }
0x25: {  	[tilespmem:s19], [sflag:$0x2] =	stream.indirect.gather [hbm4b:s4+s15], $0x80, s18, s15, $0xb8;
	[tilespmem:$0x1FC00] =	vst v63  }
0x26: {  	_ = 	snop  }
0x27: {  	[tilespmem:s21], [sflag:$0x2] =	stream.indirect.gather [hbm4b:s4+s15], $0x80, s20, s15, $0xb8;
	[tilespmem:$0x1FC00] =	vst v63  }
0x28: {  	_ =	swait.ge [sflag:s22], $0x2000  }
0x29: {  	[sflag:s22] =	ssyncset.done $0x0  }
0x2a: {  	[sflag:s22] =	ssyncadd.s32 $0xFFFFE000  }
0x2b: {  	_ =	swait.ge [sflag:s22], $0x2000  }
0x2c: {  	[sflag:s22] =	ssyncset.done $0x0  }
0x2d: {  	s30 =	simm.s32 $0x1400;
	[sflag:s22] =	ssyncadd.s32 $0xFFFFE000  }
0x2e: {  	[spmem:s2] =	stream.indirect.scatter.add.f32 [tilespmem:s16], [sflag:$0x3], $0x80, s30, s18, $0xb8;
	[tilespmem:$0x1FC00] =	vst v63  }
0x2f: {  	_ =	swait.ge [sflag:s12], $0x4000  }
0x30: {  	[sflag:s12] =	ssyncset.done $0x0  }
0x31: {  	s30 =	simm.s32 $0x100;
	[sflag:s12] =	ssyncadd.s32 $0xFFFFC000  }
0x32: {  	[tilespmem:s16], [sflag:$0x1] =	stream.indirect.gather [hbm4b:s4+s15], $0x80, s30, s15, $0xb8;
	[tilespmem:$0x1FC00] =	vst v63  }
0x33: {  	s30 =	simm.s32 $0x140  }
0x34: {  	[tilespmem:s17], [sflag:$0x1] =	stream.indirect.gather [hbm4b:s4+s15], $0x80, s30, s15, $0xb8;
	[tilespmem:$0x1FC00] =	vst v63  }
0x35: {  	_ =	swait.ge [sflag:s23], $0x2000  }
0x36: {  	[sflag:s23] =	ssyncset.done $0x0  }
0x37: {  	[sflag:s23] =	ssyncadd.s32 $0xFFFFE000  }
0x38: {  	_ =	swait.ge [sflag:s23], $0x2000  }
0x39: {  	[sflag:s23] =	ssyncset.done $0x0  }
0x3a: {  	s30 =	simm.s32 $0x1480;
	[sflag:s23] =	ssyncadd.s32 $0xFFFFE000  }
0x3b: {  	[spmem:s2] =	stream.indirect.scatter.add.f32 [tilespmem:s19], [sflag:$0x3], $0x80, s30, s18, $0xb8;
	[tilespmem:$0x1FC00] =	vst v63  }
0x3c: {  	_ =	swait.ge [sflag:s12], $0x4000  }
0x3d: {  	[sflag:s12] =	ssyncset.done $0x0  }
0x3e: {  	s30 =	simm.s32 $0x180;
	[sflag:s12] =	ssyncadd.s32 $0xFFFFC000  }
0x3f: {  	[tilespmem:s19], [sflag:$0x2] =	stream.indirect.gather [hbm4b:s4+s15], $0x80, s30, s15, $0xb8;
	[tilespmem:$0x1FC00] =	vst v63  }
0x40: {  	s31 =	simm.s32 $0x1C0;
	s30 =	simm.s32 $0x400  }
.LBB2_2:
0x41: {  	[tilespmem:s21], [sflag:$0x2] =	stream.indirect.gather [hbm4b:s4+s15], $0x80, s31, s15, $0xb8;
	[tilespmem:$0x1FC00] =	vst v63  }
0x42: {  	s31 =	smov.u32 s30  }
0x43: {  	p0 =	sne.s32 s30, $0x4800;
	s30 =	sadd.s32 $0x400, s30;
	_ =	swait.ge [sflag:s22], $0x2000  }
0x44: {  	[sflag:s22] =	ssyncset.done $0x0  }
0x45: {  	[sflag:s22] =	ssyncadd.s32 $0xFFFFE000  }
0x46: {  	_ =	swait.ge [sflag:s22], $0x2000  }
0x47: {  	s31 =	sshra.s32 s31, $0x2;
	[sflag:s22] =	ssyncset.done $0x0  }
0x48: {  	s1 =	sadd.s32 $0x1400, s31;
	[sflag:s22] =	ssyncadd.s32 $0xFFFFE000  }
0x49: {  	[spmem:s2] =	stream.indirect.scatter.add.f32 [tilespmem:s16], [sflag:$0x3], $0x80, s1, s18, $0xb8;
	[tilespmem:$0x1FC00] =	vst v63  }
0x4a: {  	_ =	swait.ge [sflag:s12], $0x4000  }
0x4b: {  	[sflag:s12] =	ssyncset.done $0x0  }
0x4c: {  	s1 =	sadd.s32 $0x100, s31;
	[sflag:s12] =	ssyncadd.s32 $0xFFFFC000  }
0x4d: {  	[tilespmem:s16], [sflag:$0x1] =	stream.indirect.gather [hbm4b:s4+s15], $0x80, s1, s15, $0xb8;
	[tilespmem:$0x1FC00] =	vst v63  }
0x4e: {  	s1 =	sadd.s32 $0x140, s31  }
0x4f: {  	[tilespmem:s17], [sflag:$0x1] =	stream.indirect.gather [hbm4b:s4+s15], $0x80, s1, s15, $0xb8;
	[tilespmem:$0x1FC00] =	vst v63  }
0x50: {  	_ =	swait.ge [sflag:s23], $0x2000  }
0x51: {  	[sflag:s23] =	ssyncset.done $0x0  }
0x52: {  	[sflag:s23] =	ssyncadd.s32 $0xFFFFE000  }
0x53: {  	_ =	swait.ge [sflag:s23], $0x2000  }
0x54: {  	[sflag:s23] =	ssyncset.done $0x0  }
0x55: {  	s1 =	sadd.s32 $0x1480, s31;
	[sflag:s23] =	ssyncadd.s32 $0xFFFFE000  }
0x56: {  	[spmem:s2] =	stream.indirect.scatter.add.f32 [tilespmem:s19], [sflag:$0x3], $0x80, s1, s18, $0xb8;
	[tilespmem:$0x1FC00] =	vst v63  }
.Ltmp0:
0x57: {  	_ =	swait.ge [sflag:s12], $0x4000;
	(pc) =	sbr.rel @p0 .LBB2_2-.Ltmp0, $4  }
0x58: {  	[sflag:s12] =	ssyncset.done $0x0  }
0x59: {  	s1 =	sadd.s32 $0x180, s31;
	[sflag:s12] =	ssyncadd.s32 $0xFFFFC000  }
0x5a: {  	[tilespmem:s19], [sflag:$0x2] =	stream.indirect.gather [hbm4b:s4+s15], $0x80, s1, s15, $0xb8;
	[tilespmem:$0x1FC00] =	vst v63  }
0x5b: {  	s31 =	sadd.s32 $0x1C0, s31  }
0x5c: {  	[tilespmem:s21], [sflag:$0x2] =	stream.indirect.gather [hbm4b:s4+s15], $0x80, s31, s15, $0xb8;
	[tilespmem:$0x1FC00] =	vst v63  }
0x5d: {  	_ =	swait.ge [sflag:s22], $0x2000  }
0x5e: {  	[sflag:s22] =	ssyncset.done $0x0  }
0x5f: {  	[sflag:s22] =	ssyncadd.s32 $0xFFFFE000  }
0x60: {  	_ =	swait.ge [sflag:s22], $0x2000  }
0x61: {  	[sflag:s22] =	ssyncset.done $0x0  }
0x62: {  	[sflag:s22] =	ssyncadd.s32 $0xFFFFE000  }
0x63: {  	[spmem:s2] =	stream.indirect.scatter.add.f32 [tilespmem:s16], [sflag:$0x3], $0x80, s24, s18, $0xb8;
	[tilespmem:$0x1FC00] =	vst v63  }
0x64: {  	_ =	swait.ge [sflag:s12], $0x4000  }
0x65: {  	[sflag:s12] =	ssyncset.done $0x0  }
0x66: {  	[sflag:s12] =	ssyncadd.s32 $0xFFFFC000  }
0x67: {  	_ =	swait.ge [sflag:s23], $0x2000  }
0x68: {  	[sflag:s23] =	ssyncset.done $0x0  }
0x69: {  	[sflag:s23] =	ssyncadd.s32 $0xFFFFE000  }
0x6a: {  	_ =	swait.ge [sflag:s23], $0x2000  }
0x6b: {  	[sflag:s23] =	ssyncset.done $0x0  }
0x6c: {  	[sflag:s23] =	ssyncadd.s32 $0xFFFFE000  }
0x6d: {  	[spmem:s2] =	stream.indirect.scatter.add.f32 [tilespmem:s19], [sflag:$0x3], $0x80, s25, s18, $0xb8;
	[tilespmem:$0x1FC00] =	vst v63  }
0x6e: {  	_ =	swait.ge [sflag:s12], $0x4000  }
0x6f: {  	[sflag:s12] =	ssyncset.done $0x0  }
0x70: {  	s1 =	simm.s32 $0x0;
	[sflag:s12] =	ssyncadd.s32 $0xFFFFC000  }
0x71: {  	[tilespmem:s1], [sflag:$0x3] =	stream.linear.gather [hbm4b:s8+s1], $0x1400, $0x38;
	[tilespmem:$0x1FC00] =	vst v63  }
0x72: {  	_ =	swait.ge [sflag:s12], $0x1400  }
0x73: {  	[sflag:s12] =	ssyncset.done $0x0  }
0x74: {  	[sflag:s12] =	ssyncadd.s32 $0xFFFFEC00  }
0x75: {  	[tilespmem:s16], [sflag:$0x1] =	stream.indirect.gather [hbm4b:s4+s15], $0x80, s1, s15, $0xb8;
	[tilespmem:$0x1FC00] =	vst v63  }
0x76: {  	_ = 	snop  }
0x77: {  	[tilespmem:s17], [sflag:$0x1] =	stream.indirect.gather [hbm4b:s4+s15], $0x80, s15, s15, $0xb8;
	[tilespmem:$0x1FC00] =	vst v63  }
0x78: {  	_ = 	snop  }
0x79: {  	[tilespmem:s19], [sflag:$0x2] =	stream.indirect.gather [hbm4b:s4+s15], $0x80, s18, s15, $0xb8;
	[tilespmem:$0x1FC00] =	vst v63  }
0x7a: {  	_ = 	snop  }
0x7b: {  	[tilespmem:s21], [sflag:$0x2] =	stream.indirect.gather [hbm4b:s4+s15], $0x80, s20, s15, $0xb8;
	[tilespmem:$0x1FC00] =	vst v63  }
0x7c: {  	_ =	swait.ge [sflag:s22], $0x2000  }
0x7d: {  	[sflag:s22] =	ssyncset.done $0x0  }
0x7e: {  	[sflag:s22] =	ssyncadd.s32 $0xFFFFE000  }
0x7f: {  	_ =	swait.ge [sflag:s22], $0x2000  }
0x80: {  	[sflag:s22] =	ssyncset.done $0x0  }
0x81: {  	s1 =	simm.s32 $0x2800;
	[sflag:s22] =	ssyncadd.s32 $0xFFFFE000  }
0x82: {  	[spmem:s2] =	stream.indirect.scatter.add.f32 [tilespmem:s16], [sflag:$0x3], $0x80, s1, s18, $0xb8;
	[tilespmem:$0x1FC00] =	vst v63  }
0x83: {  	_ =	swait.ge [sflag:s12], $0x4000  }
0x84: {  	[sflag:s12] =	ssyncset.done $0x0  }
0x85: {  	s1 =	simm.s32 $0x100;
	[sflag:s12] =	ssyncadd.s32 $0xFFFFC000  }
0x86: {  	[tilespmem:s16], [sflag:$0x1] =	stream.indirect.gather [hbm4b:s4+s15], $0x80, s1, s15, $0xb8;
	[tilespmem:$0x1FC00] =	vst v63  }
0x87: {  	s1 =	simm.s32 $0x140  }
0x88: {  	[tilespmem:s17], [sflag:$0x1] =	stream.indirect.gather [hbm4b:s4+s15], $0x80, s1, s15, $0xb8;
	[tilespmem:$0x1FC00] =	vst v63  }
0x89: {  	_ =	swait.ge [sflag:s23], $0x2000  }
0x8a: {  	[sflag:s23] =	ssyncset.done $0x0  }
0x8b: {  	[sflag:s23] =	ssyncadd.s32 $0xFFFFE000  }
0x8c: {  	_ =	swait.ge [sflag:s23], $0x2000  }
0x8d: {  	[sflag:s23] =	ssyncset.done $0x0  }
0x8e: {  	s1 =	simm.s32 $0x2880;
	[sflag:s23] =	ssyncadd.s32 $0xFFFFE000  }
0x8f: {  	[spmem:s2] =	stream.indirect.scatter.add.f32 [tilespmem:s19], [sflag:$0x3], $0x80, s1, s18, $0xb8;
	[tilespmem:$0x1FC00] =	vst v63  }
0x90: {  	_ =	swait.ge [sflag:s12], $0x4000  }
0x91: {  	s30 =	simm.s32 $0x400;
	[sflag:s12] =	ssyncset.done $0x0  }
0x92: {  	s31 =	simm.s32 $0x1C0;
	s1 =	simm.s32 $0x180;
	[sflag:s12] =	ssyncadd.s32 $0xFFFFC000  }
0x93: {  	[tilespmem:s19], [sflag:$0x2] =	stream.indirect.gather [hbm4b:s4+s15], $0x80, s1, s15, $0xb8;
	[tilespmem:$0x1FC00] =	vst v63  }
.LBB2_4:
0x94: {  	[tilespmem:s21], [sflag:$0x2] =	stream.indirect.gather [hbm4b:s4+s15], $0x80, s31, s15, $0xb8;
	[tilespmem:$0x1FC00] =	vst v63  }
0x95: {  	s1 =	smov.u32 s30  }
0x96: {  	p0 =	sne.s32 s30, $0x4800;
	s30 =	sadd.s32 $0x400, s30;
	_ =	swait.ge [sflag:s22], $0x2000  }
0x97: {  	[sflag:s22] =	ssyncset.done $0x0  }
0x98: {  	[sflag:s22] =	ssyncadd.s32 $0xFFFFE000  }
0x99: {  	_ =	swait.ge [sflag:s22], $0x2000  }
0x9a: {  	s1 =	sshra.s32 s1, $0x2;
	[sflag:s22] =	ssyncset.done $0x0  }
0x9b: {  	s31 =	sadd.s32 $0x2800, s1;
	[sflag:s22] =	ssyncadd.s32 $0xFFFFE000  }
0x9c: {  	[spmem:s2] =	stream.indirect.scatter.add.f32 [tilespmem:s16], [sflag:$0x3], $0x80, s31, s18, $0xb8;
	[tilespmem:$0x1FC00] =	vst v63  }
0x9d: {  	_ =	swait.ge [sflag:s12], $0x4000  }
0x9e: {  	[sflag:s12] =	ssyncset.done $0x0  }
0x9f: {  	s31 =	sadd.s32 $0x100, s1;
	[sflag:s12] =	ssyncadd.s32 $0xFFFFC000  }
0xa0: {  	[tilespmem:s16], [sflag:$0x1] =	stream.indirect.gather [hbm4b:s4+s15], $0x80, s31, s15, $0xb8;
	[tilespmem:$0x1FC00] =	vst v63  }
0xa1: {  	s31 =	sadd.s32 $0x140, s1  }
0xa2: {  	[tilespmem:s17], [sflag:$0x1] =	stream.indirect.gather [hbm4b:s4+s15], $0x80, s31, s15, $0xb8;
	[tilespmem:$0x1FC00] =	vst v63  }
0xa3: {  	_ =	swait.ge [sflag:s23], $0x2000  }
0xa4: {  	[sflag:s23] =	ssyncset.done $0x0  }
0xa5: {  	[sflag:s23] =	ssyncadd.s32 $0xFFFFE000  }
0xa6: {  	_ =	swait.ge [sflag:s23], $0x2000  }
0xa7: {  	[sflag:s23] =	ssyncset.done $0x0  }
0xa8: {  	s31 =	sadd.s32 $0x2880, s1;
	[sflag:s23] =	ssyncadd.s32 $0xFFFFE000  }
0xa9: {  	[spmem:s2] =	stream.indirect.scatter.add.f32 [tilespmem:s19], [sflag:$0x3], $0x80, s31, s18, $0xb8;
	[tilespmem:$0x1FC00] =	vst v63  }
.Ltmp1:
0xaa: {  	_ =	swait.ge [sflag:s12], $0x4000;
	(pc) =	sbr.rel @p0 .LBB2_4-.Ltmp1, $4  }
0xab: {  	[sflag:s12] =	ssyncset.done $0x0  }
0xac: {  	s31 =	sadd.s32 $0x180, s1;
	[sflag:s12] =	ssyncadd.s32 $0xFFFFC000  }
0xad: {  	[tilespmem:s19], [sflag:$0x2] =	stream.indirect.gather [hbm4b:s4+s15], $0x80, s31, s15, $0xb8;
	[tilespmem:$0x1FC00] =	vst v63  }
0xae: {  	s31 =	sadd.s32 $0x1C0, s1  }
0xaf: {  	[tilespmem:s21], [sflag:$0x2] =	stream.indirect.gather [hbm4b:s4+s15], $0x80, s31, s15, $0xb8;
	[tilespmem:$0x1FC00] =	vst v63  }
0xb0: {  	_ =	swait.ge [sflag:s22], $0x2000  }
0xb1: {  	[sflag:s22] =	ssyncset.done $0x0  }
0xb2: {  	[sflag:s22] =	ssyncadd.s32 $0xFFFFE000  }
0xb3: {  	_ =	swait.ge [sflag:s22], $0x2000  }
0xb4: {  	[sflag:s22] =	ssyncset.done $0x0  }
0xb5: {  	[sflag:s22] =	ssyncadd.s32 $0xFFFFE000  }
0xb6: {  	[spmem:s2] =	stream.indirect.scatter.add.f32 [tilespmem:s16], [sflag:$0x3], $0x80, s26, s18, $0xb8;
	[tilespmem:$0x1FC00] =	vst v63  }
0xb7: {  	_ =	swait.ge [sflag:s12], $0x4000  }
0xb8: {  	[sflag:s12] =	ssyncset.done $0x0  }
0xb9: {  	[sflag:s12] =	ssyncadd.s32 $0xFFFFC000  }
0xba: {  	_ =	swait.ge [sflag:s23], $0x2000  }
0xbb: {  	[sflag:s23] =	ssyncset.done $0x0  }
0xbc: {  	[sflag:s23] =	ssyncadd.s32 $0xFFFFE000  }
0xbd: {  	_ =	swait.ge [sflag:s23], $0x2000  }
0xbe: {  	[sflag:s23] =	ssyncset.done $0x0  }
0xbf: {  	[sflag:s23] =	ssyncadd.s32 $0xFFFFE000  }
0xc0: {  	[spmem:s2] =	stream.indirect.scatter.add.f32 [tilespmem:s19], [sflag:$0x3], $0x80, s28, s18, $0xb8;
	[tilespmem:$0x1FC00] =	vst v63  }
0xc1: {  	_ =	swait.ge [sflag:s12], $0x4000  }
0xc2: {  	s29 =	sadd.s32 $0x1, s29;
	[sflag:s12] =	ssyncset.done $0x0  }
0xc3: {  	p0 =	sne.s32 s29, s10;
	[sflag:s12] =	ssyncadd.s32 $0xFFFFC000  }
.Ltmp2:
0xc4: {  	[bflag:$0x0] =	sbarrier.arrive $0xFFFF;
	(pc) =	sbr.rel @p0 .LBB2_1-.Ltmp2, $4  }
0xc5: {  	[hbm:s9], [sflag:s13] =	dma.local [spmem:s14], $0x2800  }
0xc6: {  	_ =	swait.ge [sflag:s12], $0x2800  }
0xc7: {  	[sflag:s12] =	ssyncset.done $0x0  }
0xc8: {  	[sflag:s12] =	ssyncadd.s32 $0xFFFFD800  }
0xc9: {  	_ =	sfence.sel $0x180000  }
0xca: {  	[bflag:$0x0] =	sbarrier.arrive $0xFFFF  }
0xcb: {  	_ =	strace $0x9000004D  }
0xcc: {  	[bflag:$0x2] =	sbarrier.arrive $0xFFFF  }
0xcd: {  	p0 =	sne.s32 s0, $0x0;
	s0 =	rddreg [dreg:$0x3]  }
0xce: {  	s0 =	sadd.s32 @!p0 $0x100000, s0  }
0xcf: {  	[sflag:s0] =	ssyncadd.tile.s32 @!p0 $0x1;
	_ =	shalt  }
.Lfunc_end2:
_tile_overlayer_lowered:
.L_overlay_start_2:
0xd0: {  	(tag) =	ssettag $0x2  }
0xd1: {  	s0 =	rddreg [dreg:$0x0];
	s2 =	stileid.u32  }
0xd2: {  	s1 =	rddreg [dreg:$0x1];
	p0 =	sne.s32 s2, $0x0  }
0xd3: {  	s3 =	rddreg [dreg:$0x2];
	[bflag:$0x3] =	sbarrier.arrive $0xFFFF;
	s2 =	simm.s32 @!p0 $0x1C03  }
0xd4: {  	[timem:s3], [sflag:s2] =	dma.local @!p0 [hbm:s0], s1  }
0xd5: {  	s0 =	simm.s32 @!p0 $0x3  }
0xd6: {  	_ =	swait.ge @!p0 [sflag:s0], s1  }
0xd7: {  	s1 =	ssub.s32 @!p0 $0x0, s1;
	[sflag:s0] =	ssyncset.done @!p0 $0x0  }
0xd8: {  	[sflag:s0] =	ssyncadd.s32 @!p0 s1  }
0xd9: {  	[bflag:$0x3] =	sbarrier.arrive $0xFFFF  }
0xda: {  	_ =	shalt  }

// kernel: kernel.8.cloned.1.call-start
scs
__scs_entry_jumppad:
0x0: {  	(pc) =	sbr.rel $0x88, $3  }
0x1: {  	(tag) =	ssettag $0x0;
	lr =	simm.s32 $0x1  }
0x2: {  	[smem:$0x3F96] =	sst lr;
	_ =	strace $0xD0000000  }
0x3: {  	_ = 	snop  }
0x4: {  	_ = 	snop  }
0x5: {  	_ = 	snop  }
0x6: {  	_ = 	snop  }
0x7: {  	_ = 	snop  }
__scs_overlays_trampoline_lowered:
0x8: {  	[smem:$0x3FA5] =	sst s0  }
0x9: {  	[smem:$0x3FA6] =	sst s1  }
0xa: {  	[smem:$0x3FA7] =	sst s2  }
0xb: {  	[smem:$0x3FA8] =	sst s3  }
0xc: {  	[smem:$0x3FA9] =	sst s4  }
0xd: {  	[smem:$0x3FAA] =	sst s5  }
0xe: {  	[smem:$0x3FAB] =	sst s6  }
0xf: {  	[smem:$0x3FAC] =	sst s7  }
0x10: {  	[smem:$0x3FAD] =	sst s8  }
0x11: {  	[smem:$0x3FAE] =	sst s9;
	s0 =	simm.s32 @!p0 $0x0  }
0x12: {  	s1 =	sld [smem:$0x3F94];
	s0 =	simm.s32 @p0 $0x1  }
0x13: {  	[smem:$0x3FAF] =	sst s0;
	s0 =	simm.s32 @!p1 $0x0  }
0x14: {  	s2 =	sld [smem:$0x3F93];
	s0 =	simm.s32 @p1 $0x1  }
0x15: {  	[smem:$0x3FB0] =	sst s0;
	s0 =	simm.s32 @!p2 $0x0  }
0x16: {  	s3 =	sld [smem:$0x3FDB];
	s0 =	simm.s32 @p2 $0x1  }
0x17: {  	s4 =	simm.s32 $0x1BF5;
	[smem:$0x3FB2] =	sst s0  }
0x18: {  	s0 =	sld [smem:$0x3F95];
	_ =	swait.ge [sflag:s4], $0x0  }
0x19: {  	s7 =	sld [smem:$0x3F96]  }
0x1a: {  	s8 =	sadd.s32 $0xFFFFE003, lr  }
0x1b: {  	s9 =	sadd.s32 $0xFFFFFEF7, lr;
	s5 =	simm.s32 $0xFFFFFFFF;
	p2 =	slt.u32 s8, $0xFFFFF086  }
0x1c: {  	p1 =	slt.u32 s9, $0xF7A;
	s5 =	simm.s32 @!p2 $0x0  }
0x1d: {  	s5 =	simm.s32 @p1 $0x1;
	p0 =	seq.s32 s7, s2  }
0x1e: {  	s7 =	smul.u32 @!p0 $0xF7A, s2;
	p2 =	seq.s32 @!p0 s5, $0x0  }
0x1f: {  	s9 =	smul.u32 $0xF7A, s1;
	s8 =	simm.s32 @!p0 $0x1BF5;
	p2 =	por !p2, p0  }
0x20: {  	[sflag:s8] =	ssyncset.s32 @!p0 $0xFFFFF086;
	s6 =	sadd.s32 @!p0 s3, s7;
	s7 =	simm.s32 @!p0 $0x108  }
0x21: {  	s3 =	sadd.s32 s3, s9;
	s6 =	sadd.s32 @!p0 $0x88, s6;
	s7 =	simm.s32 @p2 $0x1082  }
0x22: {  	[simem:s7], [sflag:s8] =	dma.local @!p0 [hbm:s6], $0xF7A  }
0x23: {  	s9 =	sor.u32 $0xD0000000, s2;
	s6 =	simm.s32 $0x108;
	_ =	swait.ge @!p0 [sflag:s8], $0x0  }
0x24: {  	s3 =	sadd.s32 $0x88, s3;
	s6 =	simm.s32 @!p1 $0x1082;
	[sflag:s4] =	ssyncset.s32 $0xFFFFF086  }
0x25: {  	[simem:s6], [sflag:s4] =	dma.local [hbm:s3], $0xF7A  }
0x26: {  	[smem:$0x3F96] =	sst s1;
	(tag) =	ssettag s2;
	_ =	strace s9  }
0x27: {  	s1 =	sld [smem:$0x3FA6]  }
0x28: {  	s2 =	sld [smem:$0x3FA7]  }
0x29: {  	s4 =	sld [smem:$0x3FA9]  }
0x2a: {  	p0 =	seq.s32 s5, $0x0;
	s5 =	sld [smem:$0x3FAA]  }
0x2b: {  	s6 =	sld [smem:$0x3FAB]  }
0x2c: {  	s7 =	sld [smem:$0x3FAC]  }
0x2d: {  	s3 =	simm.s32 $0x108;
	s8 =	sld [smem:$0x3FAD]  }
0x2e: {  	s3 =	simm.s32 @!p0 $0x1082;
	s9 =	sld [smem:$0x3FAE]  }
0x2f: {  	lr =	sadd.s32 s0, s3;
	s0 =	sld [smem:$0x3FA5]  }
0x30: {  	s3 =	sld [smem:$0x3FA8]  }
0x31: {  	[smem:$0x3FB1] =	sst s10  }
0x32: {  	s10 =	sld [smem:$0x3FAF];
	_ =	sdelay $0x3  }
0x33: {  	p0 =	seq.s32 s10, $0x1;
	s10 =	sld [smem:$0x3FB1];
	_ =	sdelay $0x3  }
0x34: {  	[smem:$0x3FB1] =	sst s10  }
0x35: {  	s10 =	sld [smem:$0x3FB0];
	_ =	sdelay $0x3  }
0x36: {  	p1 =	seq.s32 s10, $0x1;
	s10 =	sld [smem:$0x3FB1];
	_ =	sdelay $0x3  }
0x37: {  	[smem:$0x3FB1] =	sst s10  }
0x38: {  	s10 =	sld [smem:$0x3FB2]  }
0x39: {  	_ = 	snop;
	(pc) =	sbr.ind lr, $3  }
0x3a: {  	_ = 	snop  }
0x3b: {  	_ = 	snop  }
0x3c: {  	p2 =	seq.s32 s10, $0x1;
	s10 =	sld [smem:$0x3FB1]  }
0x3d: {  	_ =	shalt  }
0x3e: {  	_ =	shalt  }
0x3f: {  	_ =	shalt  }
0x40: {  	_ =	shalt  }
0x41: {  	_ =	shalt  }
0x42: {  	_ =	shalt  }
0x43: {  	_ =	shalt  }
0x44: {  	_ =	shalt  }
0x45: {  	_ =	shalt  }
0x46: {  	_ =	shalt  }
0x47: {  	_ =	shalt  }
0x48: {  	_ =	shalt  }
0x49: {  	_ =	shalt  }
0x4a: {  	_ =	shalt  }
0x4b: {  	_ =	shalt  }
0x4c: {  	_ =	shalt  }
0x4d: {  	_ =	shalt  }
0x4e: {  	_ =	shalt  }
0x4f: {  	_ =	shalt  }
0x50: {  	_ =	shalt  }
0x51: {  	_ =	shalt  }
0x52: {  	_ =	shalt  }
0x53: {  	_ =	shalt  }
0x54: {  	_ =	shalt  }
0x55: {  	_ =	shalt  }
0x56: {  	_ =	shalt  }
0x57: {  	_ =	shalt  }
0x58: {  	_ =	shalt  }
0x59: {  	_ =	shalt  }
0x5a: {  	_ =	shalt  }
0x5b: {  	_ =	shalt  }
0x5c: {  	_ =	shalt  }
0x5d: {  	_ =	shalt  }
0x5e: {  	_ =	shalt  }
0x5f: {  	_ =	shalt  }
0x60: {  	_ =	shalt  }
0x61: {  	_ =	shalt  }
0x62: {  	_ =	shalt  }
0x63: {  	_ =	shalt  }
0x64: {  	_ =	shalt  }
0x65: {  	_ =	shalt  }
0x66: {  	_ =	shalt  }
0x67: {  	_ =	shalt  }
0x68: {  	_ =	shalt  }
0x69: {  	_ =	shalt  }
0x6a: {  	_ =	shalt  }
0x6b: {  	_ =	shalt  }
0x6c: {  	_ =	shalt  }
0x6d: {  	_ =	shalt  }
0x6e: {  	_ =	shalt  }
0x6f: {  	_ =	shalt  }
0x70: {  	_ =	shalt  }
0x71: {  	_ =	shalt  }
0x72: {  	_ =	shalt  }
0x73: {  	_ =	shalt  }
0x74: {  	_ =	shalt  }
0x75: {  	_ =	shalt  }
0x76: {  	_ =	shalt  }
0x77: {  	_ =	shalt  }
0x78: {  	_ =	shalt  }
0x79: {  	_ =	shalt  }
0x7a: {  	_ =	shalt  }
0x7b: {  	_ =	shalt  }
0x7c: {  	_ =	shalt  }
0x7d: {  	_ =	shalt  }
0x7e: {  	_ =	shalt  }
0x7f: {  	_ =	shalt  }
0x80: {  	_ =	shalt  }
0x81: {  	_ =	shalt  }
0x82: {  	_ =	shalt  }
0x83: {  	_ =	shalt  }
0x84: {  	_ =	shalt  }
0x85: {  	_ =	shalt  }
0x86: {  	_ =	shalt  }
0x87: {  	_ =	shalt  }
.Lfunc_end0:
.L_simem_size_0:
called_computation_lowered:
.L_overlay_start_0:
0x88: {  	s2 =	sld [smem:$0x3FD9]  }
0x89: {  	s3 =	sld [smem:$0x3FFE];
	_ =	sdelay $0x1  }
0x8a: {  	s1 =	srdreg.scid  }
0x8b: {  	s0 =	sand.u32 $0x1, s1  }
0x8c: {  	s14 =	sshll.u32 s0, $0xA;
	s2 =	sadd.s32 s3, s2  }
0x8d: {  	s2 =	sadd.s32 s2, s14  }
0x8e: {  	[smem:$0x3FBD] =	sst s2  }
0x8f: {  	_ = 	snop  }
0x90: {  	s2 =	sld [smem:$0x3FD0];
	_ =	sdelay $0x2  }
0x91: {  	s15 =	simm.s32 $0xA;
	s4 =	simm.s32 $0x10  }
0x92: {  	[smem:s4], [sflag:s15] =	dma.local [hbm:s2], $0x1  }
0x93: {  	_ =	swait.eq [sflag:s15], $0x1  }
0x94: {  	[sflag:s15] =	ssyncset.done $0x0  }
0x95: {  	[sflag:s15] =	ssyncadd.s32 $0xFFFFFFFF  }
0x96: {  	s16 =	sld [smem:$0x11];
	(tm) =	ssettm $0x1  }
0x97: {  	s17 =	sld [smem:$0x3FFB];
	_ =	sdelay $0x3  }
0x98: {  	_ =	strace s17  }
0x99: {  	s3 =	sld [smem:$0x3FFC];
	_ =	sdelay $0x3  }
0x9a: {  	_ =	strace s3  }
0x9b: {  	s3 =	sld [smem:$0x3FFD];
	_ =	sdelay $0x3  }
0x9c: {  	_ =	strace s3  }
0x9d: {  	_ =	strace $0x8FFFFFFF  }
0x9e: {  	s18 =	sld [smem:$0x3FDB];
	_ =	sdelay $0x1  }
0x9f: {  	s19 =	simm.s32 $_scs_section_size  }
0xa0: {  	s5 =	simm.s32 $_size__tile_overlayer_lowered;
	s6 =	simm.s32 $_tile_overlayer_lowered  }
0xa1: {  	s22 =	simm.s32 $0x1BFF;
	s21 =	sshll.u32 s6, $0x1;
	s3 =	sadd.s32 s19, s18  }
0xa2: {  	s7 =	simm.s32 $0x0;
	s20 =	sshll.u32 s5, $0x1;
	s5 =	sadd.s32 s21, s3  }
0xa3: {  	[timem:s7], [sflag:s22] =	dma.local [hbm:s5], s20  }
0xa4: {  	_ =	swait.ge [sflag:s22], s20  }
0xa5: {  	s4 =	ssub.s32 $0x0, s20;
	[sflag:s22] =	ssyncset.done $0x0  }
0xa6: {  	[sflag:s22] =	ssyncadd.s32 s4;
	_ =	sdelay $0x1  }
0xa7: {  	s23 =	simm.s32 $0x1B8B  }
0xa8: {  	_ =	swait.ge [sflag:s23], $0x1  }
0xa9: {  	[sflag:s23] =	ssyncset.done $0x0  }
0xaa: {  	s25 =	simm.s32 $0x1B8E;
	s24 =	sld [smem:$0x3FFE];
	[sflag:s23] =	ssyncadd.s32 $0xFFFFFFFF  }
0xab: {  	s26 =	simm.s32 $execute0_lowered;
	[smem:$0x3FD2] =	sst s25  }
0xac: {  	s5 =	sshll.u32 s26, $0x1;
	_ =	strace $0x80000046;
	[dreg:$0x1] =	wrdreg $0xFFFFFFFF  }
0xad: {  	s28 =	simm.s32 $_size_execute0_lowered;
	s3 =	sadd.s32 s3, s5;
	[dreg:$0x0] =	wrdreg $0x0  }
0xae: {  	s5 =	sshll.u32 s28, $0x1;
	[dreg:$0x2] =	wrdreg s3  }
0xaf: {  	[dreg:$0x3] =	wrdreg s5  }
0xb0: {  	[dreg:$0x4] =	wrdreg $0xC0  }
0xb1: {  	_ =	task [dreg:s7], $0x5FFFF  }
0xb2: {  	[dreg:$0x1] =	wrdreg $0xFFFFFFFF  }
0xb3: {  	[dreg:$0x0] =	wrdreg $0x60  }
0xb4: {  	[dreg:$0x2] =	wrdreg s24  }
0xb5: {  	[dreg:$0x3] =	wrdreg s16  }
0xb6: {  	[dreg:$0x4] =	wrdreg $0x54000  }
0xb7: {  	[dreg:$0x5] =	wrdreg $0x9  }
0xb8: {  	_ =	task.clear_ibuf [dreg:s7], $0x6FFFF;
	_ =	strace $0x90000046  }
0xb9: {  	s29 =	simm.s32 $0x9;
	_ =	strace $0x80000048  }
0xba: {  	_ =	swait.ge [sflag:s29], $0x1  }
0xbb: {  	[sflag:s29] =	ssyncadd.s32 $0xFFFFFFFF  }
0xbc: {  	_ =	strace $0x90000048  }
0xbd: {  	_ =	sfence  }
0xbe: {  	s30 =	sld [smem:$0x0];
	_ =	sdelay $0x2  }
0xbf: {  	s31 =	sshll.u32 s1, $0xD;
	s1 =	sshrl.u32 s1, $0x2  }
0xc0: {  	s3 =	sand.u32 $0x4000, s31;
	s1 =	sadd.s32 s1, s30  }
0xc1: {  	s0 =	sor.u32 s3, s0;
	s1 =	sshll.u32 s1, $0x11  }
0xc2: {  	s0 =	sor.u32 s1, s0  }
0xc3: {  	s0 =	sadd.s32 $0x8F2B, s0  }
0xc4: {  	[sflag:s0] =	ssyncadd.remote.s32 $0x1  }
0xc5: {  	_ =	sfence.sel $0xFFFF  }
0xc6: {  	[dreg:$0x0] =	wrdreg $0xFFFFFFFF;
	(pc) =	sbr.abs _section_cstart, $3  }
0xc7: {  	[dreg:$0x1] =	wrdreg $0xFFFFFFFF  }
0xc8: {  	_ =	task.clear_ibuf [dreg:s7], $0x2FFFF;
	_ =	strace $0x9FFFFFFF  }
0xc9: {  	(tm) =	ssettm $0x7FFFFFFF  }
tec
execute0_lowered:
.L_overlay_start_1:
0x0: {  	(tag) =	ssettag $0x1  }
0x1: {  	s5 =	rddreg [dreg:$0x0]  }
0x2: {  	s0 =	srdreg.scid;
	s6 =	rddreg [dreg:$0x1]  }
0x3: {  	s2 =	rddreg [dreg:$0x2];
	s4 =	sand.u32 $0x1, s0  }
0x4: {  	s0 =	stileid.u32;
	s7 =	smul.u32 $0x14000, s4  }
0x5: {  	s1 =	rddreg [dreg:$0x3];
	s8 =	smul.u32 $0x1400, s0  }
0x6: {  	s3 =	simm.s32 $0x0;
	s13 =	simm.s32 $0x80;
	s9 =	smul.u32 $0x14000, s0  }
0x7: {  	s14 =	simm.s32 $0x0;
	[smem:$0x7FF] =	sst s3;
	s29 =	smul.u32 $0x140000, s4  }
0x8: {  	_ =	strace $0x80000047;
	s10 =	ssub.s32 $0x2, s4;
	s11 =	smul.u32 $0x50000, s0  }
0x9: {  	s4 =	sadd.s32 $0xCC00, s5;
	s31 =	sshll.u32 s0, $0x6;
	s30 =	sshrl.u32 s10, $0x1  }
0xa: {  	s7 =	sadd.s32 s8, s7;
	s8 =	sadd.s32 s9, s29;
	s10 =	ssub.s32 s10, s30  }
0xb: {  	s11 =	sshrl.u32 s11, $0x2;
	s9 =	sshrl.u32 s9, $0x3;
	s7 =	sshrl.u32 s7, $0x3  }
0xc: {  	s8 =	sshrl.u32 s8, $0x3;
	s12 =	sadd.s32 s11, s2;
	s6 =	sadd.s32 s6, s9  }
0xd: {  	s9 =	simm.s32 $0x1;
	s11 =	sor.u32 $0x1C01, s31;
	s7 =	sadd.s32 s7, s5  }
0xe: {  	s8 =	sadd.s32 s8, s5;
	s12 =	sshrl.u32 s12, $0x3;
	s5 =	sadd.s32 $0x7C00, s7  }
0xf: {  	s7 =	sadd.s32 $0xD400, s8;
	s8 =	smax.u32 s10, $0x1;
	s10 =	simm.s32 $0x1400  }
.LBB2_1:
0x10: {  	[tilespmem:s3], [sflag:$0x1] =	stream.linear.gather [hbm4b:s5+s3], $0x1400, $0x38;
	[tilespmem:$0x19400] =	vst v63  }
0x11: {  	_ =	swait.ge [sflag:s9], $0x1400  }
0x12: {  	[sflag:s9] =	ssyncset.done $0x0  }
0x13: {  	[sflag:s9] =	ssyncadd.s32 $0xFFFFEC00  }
0x14: {  	[tilespmem:s10], [sflag:$0x1] =	stream.linear.gather [hbm4b:s4+s3], $0x4000, $0x38;
	[tilespmem:$0x19400] =	vst v63  }
0x15: {  	_ =	swait.ge [sflag:s9], $0x4000  }
0x16: {  	[sflag:s9] =	ssyncset.done $0x0  }
0x17: {  	[sflag:s9] =	ssyncadd.s32 $0xFFFFC000  }
0x18: {  	[spmem:s12], [sflag:s11] =	dma.local [hbm:s6], $0x2800  }
0x19: {  	_ =	swait.ge [sflag:s9], $0x2800  }
0x1a: {  	[sflag:s9] =	ssyncset.done $0x0  }
0x1b: {  	[sflag:s9] =	ssyncadd.s32 $0xFFFFD800  }
0x1c: {  	s15 =	simm.s32 $0x0;
	[bflag:$0x0] =	sbarrier.arrive $0xFFFF  }
0x1d: {  	[spmem:s2] =	stream.indirect.scatter.add.f32 [tilespmem:s10], [sflag:$0x1], $0x80, s15, s13, $0xb8;
	[tilespmem:$0x19400] =	vst v63  }
0x1e: {  	_ =	swait.ge [sflag:s9], $0x4000  }
0x1f: {  	s15 =	simm.s32 $0x200;
	[sflag:s9] =	ssyncset.done $0x0  }
.LBB2_2:
0x20: {  	s16 =	sshra.s32 s15, $0x2;
	[sflag:s9] =	ssyncadd.s32 $0xFFFFC000;
	p0 =	sne.s32 s15, $0x4E00  }
0x21: {  	[spmem:s2] =	stream.indirect.scatter.add.f32 [tilespmem:s10], [sflag:$0x1], $0x80, s16, s13, $0xb8;
	[tilespmem:$0x19400] =	vst v63  }
.Ltmp0:
0x22: {  	_ = 	snop;
	(pc) =	sbr.rel @p0 .LBB2_2-.Ltmp0, $4  }
0x23: {  	_ = 	snop  }
0x24: {  	s15 =	sadd.s32 $0x200, s15  }
0x25: {  	_ =	swait.ge [sflag:s9], $0x4000  }
0x26: {  	[sflag:s9] =	ssyncset.done $0x0  }
0x27: {  	s14 =	sadd.s32 $0x1, s14  }
0x28: {  	[sflag:s9] =	ssyncadd.s32 $0xFFFFC000;
	p0 =	sne.s32 s14, s8  }
.Ltmp1:
0x29: {  	[bflag:$0x0] =	sbarrier.arrive $0xFFFF;
	(pc) =	sbr.rel @p0 .LBB2_1-.Ltmp1, $4  }
0x2a: {  	[hbm:s7], [sflag:s11] =	dma.local [spmem:s12], $0x2800  }
0x2b: {  	_ =	swait.ge [sflag:s9], $0x2800  }
0x2c: {  	[sflag:s9] =	ssyncset.done $0x0  }
0x2d: {  	[sflag:s9] =	ssyncadd.s32 $0xFFFFD800  }
0x2e: {  	_ =	sfence.sel $0x180000  }
0x2f: {  	[bflag:$0x0] =	sbarrier.arrive $0xFFFF  }
0x30: {  	p0 =	sne.s32 s0, $0x0;
	_ =	strace $0x90000047  }
0x31: {  	s0 =	sadd.s32 @!p0 $0x100000, s1;
	[bflag:$0x2] =	sbarrier.arrive $0xFFFF  }
0x32: {  	[sflag:s0] =	ssyncadd.tile.s32 @!p0 $0x1;
	_ =	shalt  }
.Lfunc_end2:
_tile_overlayer_lowered:
.L_overlay_start_2:
0x33: {  	(tag) =	ssettag $0x2  }
0x34: {  	s0 =	rddreg [dreg:$0x0];
	s2 =	stileid.u32  }
0x35: {  	s1 =	rddreg [dreg:$0x1];
	p0 =	sne.s32 s2, $0x0  }
0x36: {  	s3 =	rddreg [dreg:$0x2];
	[bflag:$0x3] =	sbarrier.arrive $0xFFFF;
	s2 =	simm.s32 @!p0 $0x1C01  }
0x37: {  	[timem:s3], [sflag:s2] =	dma.local @!p0 [hbm:s0], s1  }
0x38: {  	s0 =	simm.s32 @!p0 $0x1  }
0x39: {  	_ =	swait.ge @!p0 [sflag:s0], s1  }
0x3a: {  	s1 =	ssub.s32 @!p0 $0x0, s1;
	[sflag:s0] =	ssyncset.done @!p0 $0x0  }
0x3b: {  	[sflag:s0] =	ssyncadd.s32 @!p0 s1  }
0x3c: {  	[bflag:$0x3] =	sbarrier.arrive $0xFFFF  }
0x3d: {  	_ =	shalt  }

</sc_bundles>
